<compile_context>
chip_gen: v7x
topology: tpu7x:2x2x1
jax: 0.10.2.dev20260603
libtpu: 0.0.44.dev20260713+nightly
codegen_flags: <defaults>
</compile_context>

<pallas_src>
import functools

import jax
import jax.numpy as jnp
from jax import lax
from jax.experimental import pallas as pl
from jax.experimental.pallas import tpu as pltpu
from jax.experimental.pallas import tpu_sc as plsc

N = 10000
E = 320000
D = 128
N_PAD = 10240
BLK = 1024
NC, NS, L = 2, 16, 16
NW = NC * NS
D_TILE = D // NW
E_W = E // NW
CH = 6400
NCH = E // CH
NEG_SLOPE = 0.2



def _pack_pairs(he, ho):
    lo = lax.bitcast_convert_type(he.astype(jnp.bfloat16), jnp.int16)
    hi = lax.bitcast_convert_type(ho.astype(jnp.bfloat16), jnp.int16)
    lo32 = jnp.bitwise_and(lo.astype(jnp.int32), 0xFFFF)
    hi32 = jnp.left_shift(hi.astype(jnp.int32), 16)
    return jnp.bitwise_or(lo32, hi32)


def _pre_common(hTb, hTe, hTo, asrc_ref, adst_ref,
                hT_ref, hTp_ref, as_ref, ad_ref, ws_ref):
    hT_ref[...] = hTb
    hTp_ref[...] = _pack_pairs(hTe, hTo)
    asb = jnp.sum(hTb * asrc_ref[...], axis=0, keepdims=True)
    adb = jnp.sum(hTb * adst_ref[...], axis=0, keepdims=True)
    as_ref[...] = asb
    ad_ref[...] = adb
    e = asb + adb
    e = jnp.maximum(e, NEG_SLOPE * e)
    ws_ref[...] = jnp.exp(e)


def _pre1_body(x_ref, w_ref, we_ref, wo_ref, asrc_ref, adst_ref,
               hT_ref, hTp_ref, as_ref, ad_ref, ws_ref):
    xb = x_ref[...]
    hTb = lax.dot_general(w_ref[...], xb, (((0,), (1,)), ((), ())),
                          preferred_element_type=jnp.float32)
    hTe = lax.dot_general(we_ref[...], xb, (((0,), (1,)), ((), ())),
                          preferred_element_type=jnp.float32)
    hTo = lax.dot_general(wo_ref[...], xb, (((0,), (1,)), ((), ())),
                          preferred_element_type=jnp.float32)
    _pre_common(hTb, hTe, hTo, asrc_ref, adst_ref,
                hT_ref, hTp_ref, as_ref, ad_ref, ws_ref)


_PRE_OUT_SPECS = [
    pl.BlockSpec((D, BLK), lambda i: (0, i)),
    pl.BlockSpec((D // 2, BLK), lambda i: (0, i)),
    pl.BlockSpec((1, BLK), lambda i: (0, i)),
    pl.BlockSpec((1, BLK), lambda i: (0, i)),
    pl.BlockSpec((1, BLK), lambda i: (0, i)),
]
_PRE_OUT_SHAPE = [
    jax.ShapeDtypeStruct((D, N_PAD), jnp.float32),
    jax.ShapeDtypeStruct((D // 2, N_PAD), jnp.int32),
    jax.ShapeDtypeStruct((1, N_PAD), jnp.float32),
    jax.ShapeDtypeStruct((1, N_PAD), jnp.float32),
    jax.ShapeDtypeStruct((1, N_PAD), jnp.float32),
]


def _tc_pre(x, W, a_src, a_dst):
    grid = (N_PAD // BLK,)
    return pl.pallas_call(
        _pre1_body,
        grid=grid,
        in_specs=[
            pl.BlockSpec((BLK, D), lambda i: (i, 0)),
            pl.BlockSpec((D, D), lambda i: (0, 0)),
            pl.BlockSpec((D, D // 2), lambda i: (0, 0)),
            pl.BlockSpec((D, D // 2), lambda i: (0, 0)),
            pl.BlockSpec((D, 1), lambda i: (0, 0)),
            pl.BlockSpec((D, 1), lambda i: (0, 0)),
        ],
        out_specs=_PRE_OUT_SPECS,
        out_shape=_PRE_OUT_SHAPE,
    )(x, W, W[:, 0::2], W[:, 1::2],
      a_src.reshape(D, 1), a_dst.reshape(D, 1))


def _epi_res(num_ref, hT_ref, ws_ref, den_ref, b_ref):
    ws = ws_ref[...]
    den = jnp.sum(den_ref[...], axis=0, keepdims=True) + ws
    numer = num_ref[...] + ws * hT_ref[...]
    return numer / (den + 1e-16) + b_ref[...]


def _epi_body(final, num_ref, hT_ref, ws_ref, den_ref, b_ref, out_ref):
    res = _epi_res(num_ref, hT_ref, ws_ref, den_ref, b_ref)
    if final:
        out_ref[...] = res.T
    else:
        out_ref[...] = jnp.maximum(res, 0.0)


def _epi_pre_body(num_ref, hT_ref, ws_ref, den_ref, b_ref,
                  w2_ref, w2e_ref, w2o_ref, asrc_ref, adst_ref,
                  hT2_ref, hTp2_ref, as_ref, ad_ref, ws2_ref):
    x2T = jnp.maximum(_epi_res(num_ref, hT_ref, ws_ref, den_ref, b_ref), 0.0)
    hTb = lax.dot_general(w2_ref[...], x2T, (((0,), (0,)), ((), ())),
                          preferred_element_type=jnp.float32)
    hTe = lax.dot_general(w2e_ref[...], x2T, (((0,), (0,)), ((), ())),
                          preferred_element_type=jnp.float32)
    hTo = lax.dot_general(w2o_ref[...], x2T, (((0,), (0,)), ((), ())),
                          preferred_element_type=jnp.float32)
    _pre_common(hTb, hTe, hTo, asrc_ref, adst_ref,
                hT2_ref, hTp2_ref, as_ref, ad_ref, ws2_ref)


def _tc_epi_pre(numT, hT, ws, den_parts, b, W2, a2_src, a2_dst):
    grid = (N_PAD // BLK,)
    return pl.pallas_call(
        _epi_pre_body,
        grid=grid,
        in_specs=[
            pl.BlockSpec((D, BLK), lambda i: (0, i)),
            pl.BlockSpec((D, BLK), lambda i: (0, i)),
            pl.BlockSpec((1, BLK), lambda i: (0, i)),
            pl.BlockSpec((NW, BLK), lambda i: (0, i)),
            pl.BlockSpec((D, 1), lambda i: (0, 0)),
            pl.BlockSpec((D, D), lambda i: (0, 0)),
            pl.BlockSpec((D, D // 2), lambda i: (0, 0)),
            pl.BlockSpec((D, D // 2), lambda i: (0, 0)),
            pl.BlockSpec((D, 1), lambda i: (0, 0)),
            pl.BlockSpec((D, 1), lambda i: (0, 0)),
        ],
        out_specs=_PRE_OUT_SPECS,
        out_shape=_PRE_OUT_SHAPE,
    )(numT, hT, ws, den_parts, b.reshape(D, 1),
      W2, W2[:, 0::2], W2[:, 1::2],
      a2_src.reshape(D, 1), a2_dst.reshape(D, 1))


def _tc_epi(numT, hT, ws, den_parts, b, final):
    grid = (N_PAD // BLK,)
    if final:
        out_spec = pl.BlockSpec((BLK, D), lambda i: (i, 0))
        out_shape = jax.ShapeDtypeStruct((N_PAD, D), jnp.float32)
    else:
        out_spec = pl.BlockSpec((D, BLK), lambda i: (0, i))
        out_shape = jax.ShapeDtypeStruct((D, N_PAD), jnp.float32)
    return pl.pallas_call(
        functools.partial(_epi_body, final),
        grid=grid,
        in_specs=[
            pl.BlockSpec((D, BLK), lambda i: (0, i)),
            pl.BlockSpec((D, BLK), lambda i: (0, i)),
            pl.BlockSpec((1, BLK), lambda i: (0, i)),
            pl.BlockSpec((NW, BLK), lambda i: (0, i)),
            pl.BlockSpec((D, 1), lambda i: (0, 0)),
        ],
        out_specs=out_spec,
        out_shape=out_shape,
    )(numT, hT, ws, den_parts, b.reshape(D, 1))



_MESH = plsc.VectorSubcoreMesh(core_axis_name="c", subcore_axis_name="s")
_SC_PARAMS = pltpu.CompilerParams(needs_layout_passes=False)


@functools.partial(
    pl.kernel,
    mesh=_MESH,
    compiler_params=_SC_PARAMS,
    out_type=[
        jax.ShapeDtypeStruct((E,), jnp.float32),
        jax.ShapeDtypeStruct((E,), jnp.int32),
        jax.ShapeDtypeStruct((NW, N_PAD), jnp.float32),
    ],
    scratch_types=[
        pltpu.VMEM((E_W,), jnp.int32),
        pltpu.VMEM((E_W,), jnp.int32),
        pltpu.VMEM((E_W,), jnp.float32),
        pltpu.VMEM((E_W,), jnp.int32),
        pltpu.VMEM((N_PAD,), jnp.float32),
        pltpu.VMEM((N_PAD,), jnp.float32),
        pltpu.VMEM((N_PAD,), jnp.float32),
    ],
)
def _sc_weights(src_hbm, dst_hbm, as_hbm, ad_hbm,
                w_hbm, pk_hbm, den_hbm,
                src_v, dst_v, w_v, pk_v, as_v, ad_v, den_v):
    wid = lax.axis_index("s") * NC + lax.axis_index("c")
    base = pl.multiple_of(wid * E_W, 8)
    pltpu.sync_copy(src_hbm.at[pl.ds(base, E_W)], src_v)
    pltpu.sync_copy(dst_hbm.at[pl.ds(base, E_W)], dst_v)
    pltpu.sync_copy(as_hbm, as_v)
    pltpu.sync_copy(ad_hbm, ad_v)

    @plsc.parallel_loop(0, N_PAD // L, 1, unroll=8)
    def zero_body(i):
        den_v[pl.ds(pl.multiple_of(i * L, 8), L)] = jnp.zeros((L,), jnp.float32)

    @plsc.parallel_loop(0, E_W // L, 1, unroll=5)
    def edge_body(i):
        off = pl.multiple_of(i * L, 8)
        s16 = src_v[pl.ds(off, L)]
        d16 = dst_v[pl.ds(off, L)]
        asg = plsc.load_gather(as_v, [s16])
        adg = plsc.load_gather(ad_v, [d16])
        e = asg + adg
        e = jnp.maximum(e, NEG_SLOPE * e)
        w = jnp.exp(e)
        w_v[pl.ds(off, L)] = w
        pk_v[pl.ds(off, L)] = jnp.bitwise_or(jnp.left_shift(s16, 14), d16)
        plsc.addupdate_scatter(den_v, [d16], w)

    pltpu.sync_copy(w_v, w_hbm.at[pl.ds(base, E_W)])
    pltpu.sync_copy(pk_v, pk_hbm.at[pl.ds(base, E_W)])
    pltpu.sync_copy(den_v, den_hbm.at[wid])


@functools.partial(
    pl.kernel,
    mesh=_MESH,
    compiler_params=_SC_PARAMS,
    out_type=jax.ShapeDtypeStruct((D * N_PAD,), jnp.float32),
    scratch_types=[
        pltpu.VMEM(((D_TILE // 2) * N_PAD,), jnp.int32),
        pltpu.VMEM((D_TILE * N_PAD,), jnp.float32),
        pltpu.VMEM((CH,), jnp.int32),
        pltpu.VMEM((CH,), jnp.int32),
        pltpu.VMEM((CH,), jnp.float32),
        pltpu.VMEM((CH,), jnp.float32),
        pltpu.SemaphoreType.DMA,
        pltpu.SemaphoreType.DMA,
        pltpu.SemaphoreType.DMA,
    ],
)
def _sc_agg(hTp_hbm, pk_hbm, w_hbm, out_hbm, h_v, o_v,
            pk0_v, pk1_v, w0_v, w1_v, sem0, sem1, hsem):
    wid = lax.axis_index("s") * NC + lax.axis_index("c")
    hbase = pl.multiple_of(wid * ((D_TILE // 2) * N_PAD), 8)
    fbase = pl.multiple_of(wid * (D_TILE * N_PAD), 8)
    pk_b = (pk0_v, pk1_v)
    w_b = (w0_v, w1_v)
    sem = (sem0, sem1)

    hcp = pltpu.async_copy(
        hTp_hbm.at[pl.ds(hbase, (D_TILE // 2) * N_PAD)], h_v, hsem)
    pltpu.async_copy(pk_hbm.at[pl.ds(0, CH)], pk0_v, sem0)
    pltpu.async_copy(w_hbm.at[pl.ds(0, CH)], w0_v, sem0)

    @plsc.parallel_loop(0, D_TILE * N_PAD // L, 1, unroll=8)
    def zero_body(i):
        o_v[pl.ds(pl.multiple_of(i * L, 8), L)] = jnp.zeros((L,), jnp.float32)
    hcp.wait()

    def process(pk_v, w_v, b, cix):
        pltpu.make_async_copy(pk_hbm.at[pl.ds(0, CH)], pk_v, sem[b]).wait()
        pltpu.make_async_copy(w_hbm.at[pl.ds(0, CH)], w_v, sem[b]).wait()
        nbase = pl.multiple_of(lax.rem(cix + 1, NCH) * CH, 8)
        pltpu.async_copy(pk_hbm.at[pl.ds(nbase, CH)], pk_b[1 - b], sem[1 - b])
        pltpu.async_copy(w_hbm.at[pl.ds(nbase, CH)], w_b[1 - b], sem[1 - b])

        @plsc.parallel_loop(0, CH // L, 1, unroll=8)
        def group_body(i):
            off = pl.multiple_of(i * L, 8)
            p16 = pk_v[pl.ds(off, L)]
            w16 = w_v[pl.ds(off, L)]
            s16 = lax.shift_right_logical(p16, 14)
            d16 = jnp.bitwise_and(p16, 16383)
            for p in range(D_TILE // 2):
                gi = plsc.load_gather(h_v, [s16 + (p * N_PAD)])
                bf = plsc.bitcast(gi, jnp.bfloat16)
                a, b = plsc.unpack(bf, format=plsc.PackFormat.INTERLEAVED)
                plsc.addupdate_scatter(o_v, [d16 + (2 * p * N_PAD)], a * w16)
                plsc.addupdate_scatter(o_v, [d16 + ((2 * p + 1) * N_PAD)], b * w16)

    def chunk_body(j, c):
        for b in range(2):
            process(pk_b[b], w_b[b], b, 2 * j + b)
        return c
    lax.fori_loop(0, NCH // 2, chunk_body, 0)

    pltpu.make_async_copy(pk_hbm.at[pl.ds(0, CH)], pk0_v, sem0).wait()
    pltpu.make_async_copy(w_hbm.at[pl.ds(0, CH)], w0_v, sem0).wait()

    pltpu.sync_copy(o_v, out_hbm.at[pl.ds(fbase, D_TILE * N_PAD)])



def kernel(x, edge_index, W1, a1_src, a1_dst, b1, W2, a2_src, a2_dst, b2):
    src = edge_index[0]
    dst = edge_index[1]
    x_pad = jnp.pad(x, ((0, N_PAD - N), (0, 0)))

    hT1, hTp1, as1, ad1, ws1 = _tc_pre(x_pad, W1, a1_src, a1_dst)
    w1, pk, den1 = _sc_weights(src, dst, as1.reshape(-1), ad1.reshape(-1))
    numT1 = _sc_agg(hTp1.reshape(-1), pk, w1)

    hT2, hTp2, as2, ad2, ws2 = _tc_epi_pre(
        numT1.reshape(D, N_PAD), hT1, ws1, den1, b1, W2, a2_src, a2_dst)

    w2, _, den2 = _sc_weights(src, dst, as2.reshape(-1), ad2.reshape(-1))
    numT2 = _sc_agg(hTp2.reshape(-1), pk, w2)
    out_pad = _tc_epi(numT2.reshape(D, N_PAD), hT2, ws2, den2, b2, True)
    return out_pad[:N]

# --- scband reference (transcript-rebuilt; emitter-appended) ---
"""Pipeline reference for scband-gcn-24034636989227 (READ-ONLY COPY).

The authoritative reference and input builder live on the scoring server;
editing this copy changes nothing except your own understanding.
"""

import jax, jax.numpy as jnp
import numpy as np

N = 10000
E = 320000
D_IN = 128
D_HID = 128
D_OUT = 128


def setup_inputs(seed: int = 0):
    key = jax.random.key(seed)
    ks = jax.random.split(key, 12)
    x = jax.random.normal(ks[0], (N, D_IN), dtype=jnp.float32)
    edge_index = jax.random.randint(ks[1], (2, E), 0, N, dtype=jnp.int32)
    W1 = jax.random.normal(ks[2], (D_IN, D_HID), dtype=jnp.float32) * 0.05
    a1_src = jax.random.normal(ks[3], (D_HID,), dtype=jnp.float32) * 0.05
    a1_dst = jax.random.normal(ks[4], (D_HID,), dtype=jnp.float32) * 0.05
    b1 = jnp.zeros((D_HID,), dtype=jnp.float32)
    W2 = jax.random.normal(ks[5], (D_HID, D_OUT), dtype=jnp.float32) * 0.05
    a2_src = jax.random.normal(ks[6], (D_OUT,), dtype=jnp.float32) * 0.05
    a2_dst = jax.random.normal(ks[7], (D_OUT,), dtype=jnp.float32) * 0.05
    b2 = jnp.zeros((D_OUT,), dtype=jnp.float32)
    return {"x": x, "edge_index": edge_index, "W1": W1, "a1_src": a1_src, "a1_dst": a1_dst, "b1": b1, "W2": W2, "a2_src": a2_src, "a2_dst": a2_dst, "b2": b2}


def gat_layer(x, edge_index, W, a_src, a_dst, b):
    n = x.shape[0]
    loop = jnp.arange(n, dtype=edge_index.dtype)
    src = jnp.concatenate([edge_index[0], loop])
    dst = jnp.concatenate([edge_index[1], loop])
    h = x @ W
    alpha_src = h @ a_src
    alpha_dst = h @ a_dst
    e = jax.nn.leaky_relu(alpha_src[src] + alpha_dst[dst], negative_slope=0.2)
    e_max = jax.ops.segment_max(e, dst, num_segments=n)
    e_exp = jnp.exp(e - e_max[dst])
    denom = jax.ops.segment_sum(e_exp, dst, num_segments=n)
    alpha = e_exp / (denom[dst] + 1e-16)
    out = jax.ops.segment_sum(h[src] * alpha[:, None], dst, num_segments=n)
    return out + b


def reference(x, edge_index, W1, a1_src, a1_dst, b1, W2, a2_src, a2_dst, b2):
    h = gat_layer(x, edge_index, W1, a1_src, a1_dst, b1)
    h = jax.nn.relu(h)
    # dropout is identity in eval mode
    out = gat_layer(h, edge_index, W2, a2_src, a2_dst, b2)
    return out

if __name__ == "__main__":
    import jax
    _d = setup_inputs()
    print(jax.jit(kernel)(*tuple(_d.values())))

</pallas_src>

<mosaic_0001>
#map = affine_map<(d0, d1) -> (0)>
module attributes {stable_mosaic.version = 14 : i64} {
  func.func @_sc_agg(%arg0: i32, %arg1: i32, %arg2: memref<655360xi32, #tpu.memory_space<hbm>>, %arg3: memref<320000xi32, #tpu.memory_space<hbm>>, %arg4: memref<320000xf32, #tpu.memory_space<hbm>>, %arg5: memref<1310720xf32, #tpu.memory_space<hbm>>, %arg6: memref<20480xi32, #tpu.memory_space<vmem>>, %arg7: memref<40960xf32, #tpu.memory_space<vmem>>, %arg8: memref<6400xi32, #tpu.memory_space<vmem>>, %arg9: memref<6400xi32, #tpu.memory_space<vmem>>, %arg10: memref<6400xf32, #tpu.memory_space<vmem>>, %arg11: memref<6400xf32, #tpu.memory_space<vmem>>, %arg12: memref<!tpu.dma_semaphore, #tpu.memory_space<semaphore_mem>>, %arg13: memref<!tpu.dma_semaphore, #tpu.memory_space<semaphore_mem>>, %arg14: memref<!tpu.dma_semaphore, #tpu.memory_space<semaphore_mem>>) attributes {dimension_semantics = [#tpu.dimension_semantics<core_parallel>, #tpu.dimension_semantics<subcore_parallel>], iteration_bounds = array<i64: 2, 16>, scalar_prefetch = 0 : i64, scratch_operands = 9 : i64, tpu.core_type = #tpu.core_type<sc_vector_subcore>, window_params = [{transform_indices = #map}, {transform_indices = #map}, {transform_indices = #map}, {transform_indices = #map}]} {
    %mul3A = arith.constant 2 : i32
    %mul3A_0 = arith.muli %arg1, %mul3A : i32
    %add3A = arith.addi %mul3A_0, %arg0 : i32
    %mul3A_1 = arith.constant 20480 : i32
    %mul3A_2 = arith.muli %add3A, %mul3A_1 : i32
    %multiple_of3A = tpu.assume_multiple %mul3A_2, 8 : i32
    %mul3A_3 = arith.constant 40960 : i32
    %mul3A_4 = arith.muli %add3A, %mul3A_3 : i32
    %multiple_of3A_5 = tpu.assume_multiple %mul3A_4, 8 : i32
    %dma_start3A = tpu.memref_slice %arg2[%multiple_of3A] : memref<655360xi32, #tpu.memory_space<hbm>> -> memref<20480xi32, #tpu.memory_space<hbm>>
    %dma_start3A_6 = tpu.memref_slice %arg2[%multiple_of3A] : memref<655360xi32, #tpu.memory_space<hbm>> -> memref<20480xi32, #tpu.memory_space<hbm>>
    tpu.enqueue_dma source(%dma_start3A_6 : memref<20480xi32, #tpu.memory_space<hbm>>) target(%arg6 : memref<20480xi32, #tpu.memory_space<vmem>>) target_semaphore(%arg14 : memref<!tpu.dma_semaphore, #tpu.memory_space<semaphore_mem>>)
    %dma_start3A_7 = arith.constant 0 : i32
    %dma_start3A_8 = tpu.memref_slice %arg3[%dma_start3A_7] : memref<320000xi32, #tpu.memory_space<hbm>> -> memref<6400xi32, #tpu.memory_space<hbm>>
    %dma_start3A_9 = arith.constant 0 : i32
    %dma_start3A_10 = tpu.memref_slice %arg3[%dma_start3A_9] : memref<320000xi32, #tpu.memory_space<hbm>> -> memref<6400xi32, #tpu.memory_space<hbm>>
    tpu.enqueue_dma source(%dma_start3A_10 : memref<6400xi32, #tpu.memory_space<hbm>>) target(%arg8 : memref<6400xi32, #tpu.memory_space<vmem>>) target_semaphore(%arg12 : memref<!tpu.dma_semaphore, #tpu.memory_space<semaphore_mem>>)
    %dma_start3A_11 = arith.constant 0 : i32
    %dma_start3A_12 = tpu.memref_slice %arg4[%dma_start3A_11] : memref<320000xf32, #tpu.memory_space<hbm>> -> memref<6400xf32, #tpu.memory_space<hbm>>
    %dma_start3A_13 = arith.constant 0 : i32
    %dma_start3A_14 = tpu.memref_slice %arg4[%dma_start3A_13] : memref<320000xf32, #tpu.memory_space<hbm>> -> memref<6400xf32, #tpu.memory_space<hbm>>
    tpu.enqueue_dma source(%dma_start3A_14 : memref<6400xf32, #tpu.memory_space<hbm>>) target(%arg10 : memref<6400xf32, #tpu.memory_space<vmem>>) target_semaphore(%arg12 : memref<!tpu.dma_semaphore, #tpu.memory_space<semaphore_mem>>)
    %parallel_loop3A = arith.constant 0 : i32
    %parallel_loop3A_15 = arith.constant 2560 : i32
    %parallel_loop3A_16 = arith.constant 1 : i32
    scf.for %parallel_loop3A_31 = %parallel_loop3A to %parallel_loop3A_15 step %parallel_loop3A_16  : i32 {
      %parallel_loop3A_32 = arith.constant 0.000000e+00 : f32
      %parallel_loop3A_33 = vector.broadcast %parallel_loop3A_32 : f32 to vector<16xf32>
      %parallel_loop3A_34 = arith.constant 16 : i32
      %parallel_loop3A_35 = arith.muli %parallel_loop3A_31, %parallel_loop3A_34 : i32
      %parallel_loop3A_36 = tpu.assume_multiple %parallel_loop3A_35, 8 : i32
      %parallel_loop3A_37 = arith.index_cast %parallel_loop3A_36 : i32 to index
      %parallel_loop3A_38 = tpu.vector_load %arg7[%parallel_loop3A_37] {strides = array<i32>} : memref<40960xf32, #tpu.memory_space<vmem>>, vector<16xf32>,
      tpu.vector_store %arg7[%parallel_loop3A_37], %parallel_loop3A_33 {strides = array<i32>} : memref<40960xf32, #tpu.memory_space<vmem>>, vector<16xf32>,
    } {sc.loop_unroll_factor = 8 : i64, sc.parallel_access}
    %dma_wait3A = tpu.memref_slice %arg2[%multiple_of3A] : memref<655360xi32, #tpu.memory_space<hbm>> -> memref<20480xi32, #tpu.memory_space<hbm>>
    %dma_wait3A_17 = tpu.memref_slice %arg2[%multiple_of3A] : memref<655360xi32, #tpu.memory_space<hbm>> -> memref<20480xi32, #tpu.memory_space<hbm>>
    tpu.wait_dma2 semaphore(%arg14 : memref<!tpu.dma_semaphore, #tpu.memory_space<semaphore_mem>>) src(%dma_wait3A_17 : memref<20480xi32, #tpu.memory_space<hbm>>) dst(%arg6 : memref<20480xi32, #tpu.memory_space<vmem>>)
    %scan3A = arith.constant 0 : i32
    %scan3A_18 = arith.constant 0 : i32
    %scan3A_19 = arith.constant 25 : i32
    %scan3A_20 = arith.addi %scan3A_18, %scan3A_19 : i32
    %scan3A_21 = arith.constant 1 : i32
    scf.for %scan3A_31 = %scan3A_18 to %scan3A_20 step %scan3A_21  : i32 {
      %mul3A_32 = arith.constant 2 : i32
      %mul3A_33 = arith.muli %mul3A_32, %scan3A_31 : i32
      %add3A_34 = arith.constant 0 : i32
      %add3A_35 = arith.addi %mul3A_33, %add3A_34 : i32
      %dma_wait3A_36 = arith.constant 0 : i32
      %dma_wait3A_37 = tpu.memref_slice %arg3[%dma_wait3A_36] : memref<320000xi32, #tpu.memory_space<hbm>> -> memref<6400xi32, #tpu.memory_space<hbm>>
      %dma_wait3A_38 = arith.constant 0 : i32
      %dma_wait3A_39 = tpu.memref_slice %arg3[%dma_wait3A_38] : memref<320000xi32, #tpu.memory_space<hbm>> -> memref<6400xi32, #tpu.memory_space<hbm>>
      tpu.wait_dma2 semaphore(%arg12 : memref<!tpu.dma_semaphore, #tpu.memory_space<semaphore_mem>>) src(%dma_wait3A_39 : memref<6400xi32, #tpu.memory_space<hbm>>) dst(%arg8 : memref<6400xi32, #tpu.memory_space<vmem>>)
      %dma_wait3A_40 = arith.constant 0 : i32
      %dma_wait3A_41 = tpu.memref_slice %arg4[%dma_wait3A_40] : memref<320000xf32, #tpu.memory_space<hbm>> -> memref<6400xf32, #tpu.memory_space<hbm>>
      %dma_wait3A_42 = arith.constant 0 : i32
      %dma_wait3A_43 = tpu.memref_slice %arg4[%dma_wait3A_42] : memref<320000xf32, #tpu.memory_space<hbm>> -> memref<6400xf32, #tpu.memory_space<hbm>>
      tpu.wait_dma2 semaphore(%arg12 : memref<!tpu.dma_semaphore, #tpu.memory_space<semaphore_mem>>) src(%dma_wait3A_43 : memref<6400xf32, #tpu.memory_space<hbm>>) dst(%arg10 : memref<6400xf32, #tpu.memory_space<vmem>>)
      %add3A_44 = arith.constant 1 : i32
      %add3A_45 = arith.addi %add3A_35, %add3A_44 : i32
      %rem3A = arith.constant 50 : i32
      %rem3A_46 = arith.remsi %add3A_45, %rem3A : i32
      %mul3A_47 = arith.constant 6400 : i32
      %mul3A_48 = arith.muli %rem3A_46, %mul3A_47 : i32
      %multiple_of3A_49 = tpu.assume_multiple %mul3A_48, 8 : i32
      %dma_start3A_50 = tpu.memref_slice %arg3[%multiple_of3A_49] : memref<320000xi32, #tpu.memory_space<hbm>> -> memref<6400xi32, #tpu.memory_space<hbm>>
      %dma_start3A_51 = tpu.memref_slice %arg3[%multiple_of3A_49] : memref<320000xi32, #tpu.memory_space<hbm>> -> memref<6400xi32, #tpu.memory_space<hbm>>
      tpu.enqueue_dma source(%dma_start3A_51 : memref<6400xi32, #tpu.memory_space<hbm>>) target(%arg9 : memref<6400xi32, #tpu.memory_space<vmem>>) target_semaphore(%arg13 : memref<!tpu.dma_semaphore, #tpu.memory_space<semaphore_mem>>)
      %dma_start3A_52 = tpu.memref_slice %arg4[%multiple_of3A_49] : memref<320000xf32, #tpu.memory_space<hbm>> -> memref<6400xf32, #tpu.memory_space<hbm>>
      %dma_start3A_53 = tpu.memref_slice %arg4[%multiple_of3A_49] : memref<320000xf32, #tpu.memory_space<hbm>> -> memref<6400xf32, #tpu.memory_space<hbm>>
      tpu.enqueue_dma source(%dma_start3A_53 : memref<6400xf32, #tpu.memory_space<hbm>>) target(%arg11 : memref<6400xf32, #tpu.memory_space<vmem>>) target_semaphore(%arg13 : memref<!tpu.dma_semaphore, #tpu.memory_space<semaphore_mem>>)
      %parallel_loop3A_54 = arith.constant 0 : i32
      %parallel_loop3A_55 = arith.constant 400 : i32
      %parallel_loop3A_56 = arith.constant 1 : i32
      scf.for %parallel_loop3A_83 = %parallel_loop3A_54 to %parallel_loop3A_55 step %parallel_loop3A_56  : i32 {
        %parallel_loop3A_84 = arith.constant 16 : i32
        %parallel_loop3A_85 = arith.muli %parallel_loop3A_83, %parallel_loop3A_84 : i32
        %parallel_loop3A_86 = tpu.assume_multiple %parallel_loop3A_85, 8 : i32
        %parallel_loop3A_87 = arith.index_cast %parallel_loop3A_86 : i32 to index
        %parallel_loop3A_88 = tpu.vector_load %arg8[%parallel_loop3A_87] {strides = array<i32>} : memref<6400xi32, #tpu.memory_space<vmem>>, vector<16xi32>,
        %parallel_loop3A_89 = arith.index_cast %parallel_loop3A_86 : i32 to index
        %parallel_loop3A_90 = tpu.vector_load %arg10[%parallel_loop3A_89] {strides = array<i32>} : memref<6400xf32, #tpu.memory_space<vmem>>, vector<16xf32>,
        %parallel_loop3A_91 = arith.constant 14 : i32
        %parallel_loop3A_92 = vector.broadcast %parallel_loop3A_91 : i32 to vector<16xi32>
        %parallel_loop3A_93 = arith.shrui %parallel_loop3A_88, %parallel_loop3A_92 : vector<16xi32>
        %parallel_loop3A_94 = arith.constant 16383 : i32
        %parallel_loop3A_95 = vector.broadcast %parallel_loop3A_94 : i32 to vector<16xi32>
        %parallel_loop3A_96 = arith.andi %parallel_loop3A_88, %parallel_loop3A_95 : vector<16xi32>
        %parallel_loop3A_97 = arith.constant 0 : i32
        %parallel_loop3A_98 = vector.broadcast %parallel_loop3A_97 : i32 to vector<16xi32>
        %parallel_loop3A_99 = arith.addi %parallel_loop3A_93, %parallel_loop3A_98 : vector<16xi32>
        %parallel_loop3A_100 = tpu.vector_load_idx %arg6[%parallel_loop3A_99] : memref<20480xi32, #tpu.memory_space<vmem>>[vector<16xi32>], vector<16xi32>,
        %parallel_loop3A_101 = vector.bitcast %parallel_loop3A_100 : vector<16xi32> to vector<32xbf16>
        %parallel_loop3A_102 = tpu.unpack_subelements %parallel_loop3A_101, 0 {pack_format = #tpu.pack_format<interleaved>} : vector<32xbf16> -> vector<16xf32>
        %parallel_loop3A_103 = tpu.unpack_subelements %parallel_loop3A_101, 1 {pack_format = #tpu.pack_format<interleaved>} : vector<32xbf16> -> vector<16xf32>
        %parallel_loop3A_104 = arith.constant 0 : i32
        %parallel_loop3A_105 = vector.broadcast %parallel_loop3A_104 : i32 to vector<16xi32>
        %parallel_loop3A_106 = arith.addi %parallel_loop3A_96, %parallel_loop3A_105 : vector<16xi32>
        %parallel_loop3A_107 = arith.mulf %parallel_loop3A_102, %parallel_loop3A_90 : vector<16xf32>
        tpu.vector_store_idx %arg7[%parallel_loop3A_106], %parallel_loop3A_107 {add = true} : memref<40960xf32, #tpu.memory_space<vmem>>[vector<16xi32>], vector<16xf32>,
        %parallel_loop3A_108 = arith.constant 10240 : i32
        %parallel_loop3A_109 = vector.broadcast %parallel_loop3A_108 : i32 to vector<16xi32>
        %parallel_loop3A_110 = arith.addi %parallel_loop3A_96, %parallel_loop3A_109 : vector<16xi32>
        %parallel_loop3A_111 = arith.mulf %parallel_loop3A_103, %parallel_loop3A_90 : vector<16xf32>
        tpu.vector_store_idx %arg7[%parallel_loop3A_110], %parallel_loop3A_111 {add = true} : memref<40960xf32, #tpu.memory_space<vmem>>[vector<16xi32>], vector<16xf32>,
        %parallel_loop3A_112 = arith.constant 10240 : i32
        %parallel_loop3A_113 = vector.broadcast %parallel_loop3A_112 : i32 to vector<16xi32>
        %parallel_loop3A_114 = arith.addi %parallel_loop3A_93, %parallel_loop3A_113 : vector<16xi32>
        %parallel_loop3A_115 = tpu.vector_load_idx %arg6[%parallel_loop3A_114] : memref<20480xi32, #tpu.memory_space<vmem>>[vector<16xi32>], vector<16xi32>,
        %parallel_loop3A_116 = vector.bitcast %parallel_loop3A_115 : vector<16xi32> to vector<32xbf16>
        %parallel_loop3A_117 = tpu.unpack_subelements %parallel_loop3A_116, 0 {pack_format = #tpu.pack_format<interleaved>} : vector<32xbf16> -> vector<16xf32>
        %parallel_loop3A_118 = tpu.unpack_subelements %parallel_loop3A_116, 1 {pack_format = #tpu.pack_format<interleaved>} : vector<32xbf16> -> vector<16xf32>
        %parallel_loop3A_119 = arith.constant 20480 : i32
        %parallel_loop3A_120 = vector.broadcast %parallel_loop3A_119 : i32 to vector<16xi32>
        %parallel_loop3A_121 = arith.addi %parallel_loop3A_96, %parallel_loop3A_120 : vector<16xi32>
        %parallel_loop3A_122 = arith.mulf %parallel_loop3A_117, %parallel_loop3A_90 : vector<16xf32>
        tpu.vector_store_idx %arg7[%parallel_loop3A_121], %parallel_loop3A_122 {add = true} : memref<40960xf32, #tpu.memory_space<vmem>>[vector<16xi32>], vector<16xf32>,
        %parallel_loop3A_123 = arith.constant 30720 : i32
        %parallel_loop3A_124 = vector.broadcast %parallel_loop3A_123 : i32 to vector<16xi32>
        %parallel_loop3A_125 = arith.addi %parallel_loop3A_96, %parallel_loop3A_124 : vector<16xi32>
        %parallel_loop3A_126 = arith.mulf %parallel_loop3A_118, %parallel_loop3A_90 : vector<16xf32>
        tpu.vector_store_idx %arg7[%parallel_loop3A_125], %parallel_loop3A_126 {add = true} : memref<40960xf32, #tpu.memory_space<vmem>>[vector<16xi32>], vector<16xf32>,
      } {sc.loop_unroll_factor = 8 : i64, sc.parallel_access}
      %mul3A_57 = arith.constant 2 : i32
      %mul3A_58 = arith.muli %mul3A_57, %scan3A_31 : i32
      %add3A_59 = arith.constant 1 : i32
      %add3A_60 = arith.addi %mul3A_58, %add3A_59 : i32
      %dma_wait3A_61 = arith.constant 0 : i32
      %dma_wait3A_62 = tpu.memref_slice %arg3[%dma_wait3A_61] : memref<320000xi32, #tpu.memory_space<hbm>> -> memref<6400xi32, #tpu.memory_space<hbm>>
      %dma_wait3A_63 = arith.constant 0 : i32
      %dma_wait3A_64 = tpu.memref_slice %arg3[%dma_wait3A_63] : memref<320000xi32, #tpu.memory_space<hbm>> -> memref<6400xi32, #tpu.memory_space<hbm>>
      tpu.wait_dma2 semaphore(%arg13 : memref<!tpu.dma_semaphore, #tpu.memory_space<semaphore_mem>>) src(%dma_wait3A_64 : memref<6400xi32, #tpu.memory_space<hbm>>) dst(%arg9 : memref<6400xi32, #tpu.memory_space<vmem>>)
      %dma_wait3A_65 = arith.constant 0 : i32
      %dma_wait3A_66 = tpu.memref_slice %arg4[%dma_wait3A_65] : memref<320000xf32, #tpu.memory_space<hbm>> -> memref<6400xf32, #tpu.memory_space<hbm>>
      %dma_wait3A_67 = arith.constant 0 : i32
      %dma_wait3A_68 = tpu.memref_slice %arg4[%dma_wait3A_67] : memref<320000xf32, #tpu.memory_space<hbm>> -> memref<6400xf32, #tpu.memory_space<hbm>>
      tpu.wait_dma2 semaphore(%arg13 : memref<!tpu.dma_semaphore, #tpu.memory_space<semaphore_mem>>) src(%dma_wait3A_68 : memref<6400xf32, #tpu.memory_space<hbm>>) dst(%arg11 : memref<6400xf32, #tpu.memory_space<vmem>>)
      %add3A_69 = arith.constant 1 : i32
      %add3A_70 = arith.addi %add3A_60, %add3A_69 : i32
      %rem3A_71 = arith.constant 50 : i32
      %rem3A_72 = arith.remsi %add3A_70, %rem3A_71 : i32
      %mul3A_73 = arith.constant 6400 : i32
      %mul3A_74 = arith.muli %rem3A_72, %mul3A_73 : i32
      %multiple_of3A_75 = tpu.assume_multiple %mul3A_74, 8 : i32
      %dma_start3A_76 = tpu.memref_slice %arg3[%multiple_of3A_75] : memref<320000xi32, #tpu.memory_space<hbm>> -> memref<6400xi32, #tpu.memory_space<hbm>>
      %dma_start3A_77 = tpu.memref_slice %arg3[%multiple_of3A_75] : memref<320000xi32, #tpu.memory_space<hbm>> -> memref<6400xi32, #tpu.memory_space<hbm>>
      tpu.enqueue_dma source(%dma_start3A_77 : memref<6400xi32, #tpu.memory_space<hbm>>) target(%arg8 : memref<6400xi32, #tpu.memory_space<vmem>>) target_semaphore(%arg12 : memref<!tpu.dma_semaphore, #tpu.memory_space<semaphore_mem>>)
      %dma_start3A_78 = tpu.memref_slice %arg4[%multiple_of3A_75] : memref<320000xf32, #tpu.memory_space<hbm>> -> memref<6400xf32, #tpu.memory_space<hbm>>
      %dma_start3A_79 = tpu.memref_slice %arg4[%multiple_of3A_75] : memref<320000xf32, #tpu.memory_space<hbm>> -> memref<6400xf32, #tpu.memory_space<hbm>>
      tpu.enqueue_dma source(%dma_start3A_79 : memref<6400xf32, #tpu.memory_space<hbm>>) target(%arg10 : memref<6400xf32, #tpu.memory_space<vmem>>) target_semaphore(%arg12 : memref<!tpu.dma_semaphore, #tpu.memory_space<semaphore_mem>>)
      %parallel_loop3A_80 = arith.constant 0 : i32
      %parallel_loop3A_81 = arith.constant 400 : i32
      %parallel_loop3A_82 = arith.constant 1 : i32
      scf.for %parallel_loop3A_83 = %parallel_loop3A_80 to %parallel_loop3A_81 step %parallel_loop3A_82  : i32 {
        %parallel_loop3A_84 = arith.constant 16 : i32
        %parallel_loop3A_85 = arith.muli %parallel_loop3A_83, %parallel_loop3A_84 : i32
        %parallel_loop3A_86 = tpu.assume_multiple %parallel_loop3A_85, 8 : i32
        %parallel_loop3A_87 = arith.index_cast %parallel_loop3A_86 : i32 to index
        %parallel_loop3A_88 = tpu.vector_load %arg9[%parallel_loop3A_87] {strides = array<i32>} : memref<6400xi32, #tpu.memory_space<vmem>>, vector<16xi32>,
        %parallel_loop3A_89 = arith.index_cast %parallel_loop3A_86 : i32 to index
        %parallel_loop3A_90 = tpu.vector_load %arg11[%parallel_loop3A_89] {strides = array<i32>} : memref<6400xf32, #tpu.memory_space<vmem>>, vector<16xf32>,
        %parallel_loop3A_91 = arith.constant 14 : i32
        %parallel_loop3A_92 = vector.broadcast %parallel_loop3A_91 : i32 to vector<16xi32>
        %parallel_loop3A_93 = arith.shrui %parallel_loop3A_88, %parallel_loop3A_92 : vector<16xi32>
        %parallel_loop3A_94 = arith.constant 16383 : i32
        %parallel_loop3A_95 = vector.broadcast %parallel_loop3A_94 : i32 to vector<16xi32>
        %parallel_loop3A_96 = arith.andi %parallel_loop3A_88, %parallel_loop3A_95 : vector<16xi32>
        %parallel_loop3A_97 = arith.constant 0 : i32
        %parallel_loop3A_98 = vector.broadcast %parallel_loop3A_97 : i32 to vector<16xi32>
        %parallel_loop3A_99 = arith.addi %parallel_loop3A_93, %parallel_loop3A_98 : vector<16xi32>
        %parallel_loop3A_100 = tpu.vector_load_idx %arg6[%parallel_loop3A_99] : memref<20480xi32, #tpu.memory_space<vmem>>[vector<16xi32>], vector<16xi32>,
        %parallel_loop3A_101 = vector.bitcast %parallel_loop3A_100 : vector<16xi32> to vector<32xbf16>
        %parallel_loop3A_102 = tpu.unpack_subelements %parallel_loop3A_101, 0 {pack_format = #tpu.pack_format<interleaved>} : vector<32xbf16> -> vector<16xf32>
        %parallel_loop3A_103 = tpu.unpack_subelements %parallel_loop3A_101, 1 {pack_format = #tpu.pack_format<interleaved>} : vector<32xbf16> -> vector<16xf32>
        %parallel_loop3A_104 = arith.constant 0 : i32
        %parallel_loop3A_105 = vector.broadcast %parallel_loop3A_104 : i32 to vector<16xi32>
        %parallel_loop3A_106 = arith.addi %parallel_loop3A_96, %parallel_loop3A_105 : vector<16xi32>
        %parallel_loop3A_107 = arith.mulf %parallel_loop3A_102, %parallel_loop3A_90 : vector<16xf32>
        tpu.vector_store_idx %arg7[%parallel_loop3A_106], %parallel_loop3A_107 {add = true} : memref<40960xf32, #tpu.memory_space<vmem>>[vector<16xi32>], vector<16xf32>,
        %parallel_loop3A_108 = arith.constant 10240 : i32
        %parallel_loop3A_109 = vector.broadcast %parallel_loop3A_108 : i32 to vector<16xi32>
        %parallel_loop3A_110 = arith.addi %parallel_loop3A_96, %parallel_loop3A_109 : vector<16xi32>
        %parallel_loop3A_111 = arith.mulf %parallel_loop3A_103, %parallel_loop3A_90 : vector<16xf32>
        tpu.vector_store_idx %arg7[%parallel_loop3A_110], %parallel_loop3A_111 {add = true} : memref<40960xf32, #tpu.memory_space<vmem>>[vector<16xi32>], vector<16xf32>,
        %parallel_loop3A_112 = arith.constant 10240 : i32
        %parallel_loop3A_113 = vector.broadcast %parallel_loop3A_112 : i32 to vector<16xi32>
        %parallel_loop3A_114 = arith.addi %parallel_loop3A_93, %parallel_loop3A_113 : vector<16xi32>
        %parallel_loop3A_115 = tpu.vector_load_idx %arg6[%parallel_loop3A_114] : memref<20480xi32, #tpu.memory_space<vmem>>[vector<16xi32>], vector<16xi32>,
        %parallel_loop3A_116 = vector.bitcast %parallel_loop3A_115 : vector<16xi32> to vector<32xbf16>
        %parallel_loop3A_117 = tpu.unpack_subelements %parallel_loop3A_116, 0 {pack_format = #tpu.pack_format<interleaved>} : vector<32xbf16> -> vector<16xf32>
        %parallel_loop3A_118 = tpu.unpack_subelements %parallel_loop3A_116, 1 {pack_format = #tpu.pack_format<interleaved>} : vector<32xbf16> -> vector<16xf32>
        %parallel_loop3A_119 = arith.constant 20480 : i32
        %parallel_loop3A_120 = vector.broadcast %parallel_loop3A_119 : i32 to vector<16xi32>
        %parallel_loop3A_121 = arith.addi %parallel_loop3A_96, %parallel_loop3A_120 : vector<16xi32>
        %parallel_loop3A_122 = arith.mulf %parallel_loop3A_117, %parallel_loop3A_90 : vector<16xf32>
        tpu.vector_store_idx %arg7[%parallel_loop3A_121], %parallel_loop3A_122 {add = true} : memref<40960xf32, #tpu.memory_space<vmem>>[vector<16xi32>], vector<16xf32>,
        %parallel_loop3A_123 = arith.constant 30720 : i32
        %parallel_loop3A_124 = vector.broadcast %parallel_loop3A_123 : i32 to vector<16xi32>
        %parallel_loop3A_125 = arith.addi %parallel_loop3A_96, %parallel_loop3A_124 : vector<16xi32>
        %parallel_loop3A_126 = arith.mulf %parallel_loop3A_118, %parallel_loop3A_90 : vector<16xf32>
        tpu.vector_store_idx %arg7[%parallel_loop3A_125], %parallel_loop3A_126 {add = true} : memref<40960xf32, #tpu.memory_space<vmem>>[vector<16xi32>], vector<16xf32>,
      } {sc.loop_unroll_factor = 8 : i64, sc.parallel_access}
    }
    %scan3A_22 = arith.constant 25 : i32
    %dma_wait3A_23 = arith.constant 0 : i32
    %dma_wait3A_24 = tpu.memref_slice %arg3[%dma_wait3A_23] : memref<320000xi32, #tpu.memory_space<hbm>> -> memref<6400xi32, #tpu.memory_space<hbm>>
    %dma_wait3A_25 = arith.constant 0 : i32
    %dma_wait3A_26 = tpu.memref_slice %arg3[%dma_wait3A_25] : memref<320000xi32, #tpu.memory_space<hbm>> -> memref<6400xi32, #tpu.memory_space<hbm>>
    tpu.wait_dma2 semaphore(%arg12 : memref<!tpu.dma_semaphore, #tpu.memory_space<semaphore_mem>>) src(%dma_wait3A_26 : memref<6400xi32, #tpu.memory_space<hbm>>) dst(%arg8 : memref<6400xi32, #tpu.memory_space<vmem>>)
    %dma_wait3A_27 = arith.constant 0 : i32
    %dma_wait3A_28 = tpu.memref_slice %arg4[%dma_wait3A_27] : memref<320000xf32, #tpu.memory_space<hbm>> -> memref<6400xf32, #tpu.memory_space<hbm>>
    %dma_wait3A_29 = arith.constant 0 : i32
    %dma_wait3A_30 = tpu.memref_slice %arg4[%dma_wait3A_29] : memref<320000xf32, #tpu.memory_space<hbm>> -> memref<6400xf32, #tpu.memory_space<hbm>>
    tpu.wait_dma2 semaphore(%arg12 : memref<!tpu.dma_semaphore, #tpu.memory_space<semaphore_mem>>) src(%dma_wait3A_30 : memref<6400xf32, #tpu.memory_space<hbm>>) dst(%arg10 : memref<6400xf32, #tpu.memory_space<vmem>>)
    "tpu.region"() ({
      %run_scoped3A = tpu.sem_alloc : memref<!tpu.dma_semaphore, #tpu.memory_space<semaphore_mem>>
      %dma_start3A_31 = tpu.memref_slice %arg5[%multiple_of3A_5] : memref<1310720xf32, #tpu.memory_space<hbm>> -> memref<40960xf32, #tpu.memory_space<hbm>>
      %dma_start3A_32 = tpu.memref_slice %arg5[%multiple_of3A_5] : memref<1310720xf32, #tpu.memory_space<hbm>> -> memref<40960xf32, #tpu.memory_space<hbm>>
      tpu.enqueue_dma source(%arg7 : memref<40960xf32, #tpu.memory_space<vmem>>) target(%dma_start3A_32 : memref<40960xf32, #tpu.memory_space<hbm>>) target_semaphore(%run_scoped3A : memref<!tpu.dma_semaphore, #tpu.memory_space<semaphore_mem>>)
      %dma_wait3A_33 = tpu.memref_slice %arg5[%multiple_of3A_5] : memref<1310720xf32, #tpu.memory_space<hbm>> -> memref<40960xf32, #tpu.memory_space<hbm>>
      %dma_wait3A_34 = tpu.memref_slice %arg5[%multiple_of3A_5] : memref<1310720xf32, #tpu.memory_space<hbm>> -> memref<40960xf32, #tpu.memory_space<hbm>>
      tpu.wait_dma2 semaphore(%run_scoped3A : memref<!tpu.dma_semaphore, #tpu.memory_space<semaphore_mem>>) src(%arg7 : memref<40960xf32, #tpu.memory_space<vmem>>) dst(%dma_wait3A_34 : memref<40960xf32, #tpu.memory_space<hbm>>)
      tpu.yield
    }) : () -> ()
    return
  }
}

#map = affine_map<(d0, d1) -> (0)>
#map1 = affine_map<(d0, d1) -> (0, 0)>
module attributes {stable_mosaic.version = 14 : i64} {
  func.func @_sc_weights(%arg0: i32, %arg1: i32, %arg2: memref<320000xi32, #tpu.memory_space<hbm>>, %arg3: memref<320000xi32, #tpu.memory_space<hbm>>, %arg4: memref<10240xf32, #tpu.memory_space<hbm>>, %arg5: memref<10240xf32, #tpu.memory_space<hbm>>, %arg6: memref<320000xf32, #tpu.memory_space<hbm>>, %arg7: memref<320000xi32, #tpu.memory_space<hbm>>, %arg8: memref<32x10240xf32, #tpu.memory_space<hbm>>, %arg9: memref<10000xi32, #tpu.memory_space<vmem>>, %arg10: memref<10000xi32, #tpu.memory_space<vmem>>, %arg11: memref<10000xf32, #tpu.memory_space<vmem>>, %arg12: memref<10000xi32, #tpu.memory_space<vmem>>, %arg13: memref<10240xf32, #tpu.memory_space<vmem>>, %arg14: memref<10240xf32, #tpu.memory_space<vmem>>, %arg15: memref<10240xf32, #tpu.memory_space<vmem>>) attributes {dimension_semantics = [#tpu.dimension_semantics<core_parallel>, #tpu.dimension_semantics<subcore_parallel>], iteration_bounds = array<i64: 2, 16>, scalar_prefetch = 0 : i64, scratch_operands = 7 : i64, tpu.core_type = #tpu.core_type<sc_vector_subcore>, window_params = [{transform_indices = #map}, {transform_indices = #map}, {transform_indices = #map}, {transform_indices = #map}, {transform_indices = #map}, {transform_indices = #map}, {transform_indices = #map1}]} {
    %mul3A = arith.constant 2 : i32
    %mul3A_0 = arith.muli %arg1, %mul3A : i32
    %add3A = arith.addi %mul3A_0, %arg0 : i32
    %mul3A_1 = arith.constant 10000 : i32
    %mul3A_2 = arith.muli %add3A, %mul3A_1 : i32
    %multiple_of3A = tpu.assume_multiple %mul3A_2, 8 : i32
    "tpu.region"() ({
      %run_scoped3A = tpu.sem_alloc : memref<!tpu.dma_semaphore, #tpu.memory_space<semaphore_mem>>
      %dma_start3A = tpu.memref_slice %arg2[%multiple_of3A] : memref<320000xi32, #tpu.memory_space<hbm>> -> memref<10000xi32, #tpu.memory_space<hbm>>
      %dma_start3A_8 = tpu.memref_slice %arg2[%multiple_of3A] : memref<320000xi32, #tpu.memory_space<hbm>> -> memref<10000xi32, #tpu.memory_space<hbm>>
      tpu.enqueue_dma source(%dma_start3A_8 : memref<10000xi32, #tpu.memory_space<hbm>>) target(%arg9 : memref<10000xi32, #tpu.memory_space<vmem>>) target_semaphore(%run_scoped3A : memref<!tpu.dma_semaphore, #tpu.memory_space<semaphore_mem>>)
      %dma_wait3A = tpu.memref_slice %arg2[%multiple_of3A] : memref<320000xi32, #tpu.memory_space<hbm>> -> memref<10000xi32, #tpu.memory_space<hbm>>
      %dma_wait3A_9 = tpu.memref_slice %arg2[%multiple_of3A] : memref<320000xi32, #tpu.memory_space<hbm>> -> memref<10000xi32, #tpu.memory_space<hbm>>
      tpu.wait_dma2 semaphore(%run_scoped3A : memref<!tpu.dma_semaphore, #tpu.memory_space<semaphore_mem>>) src(%dma_wait3A_9 : memref<10000xi32, #tpu.memory_space<hbm>>) dst(%arg9 : memref<10000xi32, #tpu.memory_space<vmem>>)
      tpu.yield
    }) : () -> ()
    "tpu.region"() ({
      %run_scoped3A = tpu.sem_alloc : memref<!tpu.dma_semaphore, #tpu.memory_space<semaphore_mem>>
      %dma_start3A = tpu.memref_slice %arg3[%multiple_of3A] : memref<320000xi32, #tpu.memory_space<hbm>> -> memref<10000xi32, #tpu.memory_space<hbm>>
      %dma_start3A_8 = tpu.memref_slice %arg3[%multiple_of3A] : memref<320000xi32, #tpu.memory_space<hbm>> -> memref<10000xi32, #tpu.memory_space<hbm>>
      tpu.enqueue_dma source(%dma_start3A_8 : memref<10000xi32, #tpu.memory_space<hbm>>) target(%arg10 : memref<10000xi32, #tpu.memory_space<vmem>>) target_semaphore(%run_scoped3A : memref<!tpu.dma_semaphore, #tpu.memory_space<semaphore_mem>>)
      %dma_wait3A = tpu.memref_slice %arg3[%multiple_of3A] : memref<320000xi32, #tpu.memory_space<hbm>> -> memref<10000xi32, #tpu.memory_space<hbm>>
      %dma_wait3A_9 = tpu.memref_slice %arg3[%multiple_of3A] : memref<320000xi32, #tpu.memory_space<hbm>> -> memref<10000xi32, #tpu.memory_space<hbm>>
      tpu.wait_dma2 semaphore(%run_scoped3A : memref<!tpu.dma_semaphore, #tpu.memory_space<semaphore_mem>>) src(%dma_wait3A_9 : memref<10000xi32, #tpu.memory_space<hbm>>) dst(%arg10 : memref<10000xi32, #tpu.memory_space<vmem>>)
      tpu.yield
    }) : () -> ()
    "tpu.region"() ({
      %run_scoped3A = tpu.sem_alloc : memref<!tpu.dma_semaphore, #tpu.memory_space<semaphore_mem>>
      tpu.enqueue_dma source(%arg4 : memref<10240xf32, #tpu.memory_space<hbm>>) target(%arg13 : memref<10240xf32, #tpu.memory_space<vmem>>) target_semaphore(%run_scoped3A : memref<!tpu.dma_semaphore, #tpu.memory_space<semaphore_mem>>)
      tpu.wait_dma2 semaphore(%run_scoped3A : memref<!tpu.dma_semaphore, #tpu.memory_space<semaphore_mem>>) src(%arg4 : memref<10240xf32, #tpu.memory_space<hbm>>) dst(%arg13 : memref<10240xf32, #tpu.memory_space<vmem>>)
      tpu.yield
    }) : () -> ()
    "tpu.region"() ({
      %run_scoped3A = tpu.sem_alloc : memref<!tpu.dma_semaphore, #tpu.memory_space<semaphore_mem>>
      tpu.enqueue_dma source(%arg5 : memref<10240xf32, #tpu.memory_space<hbm>>) target(%arg14 : memref<10240xf32, #tpu.memory_space<vmem>>) target_semaphore(%run_scoped3A : memref<!tpu.dma_semaphore, #tpu.memory_space<semaphore_mem>>)
      tpu.wait_dma2 semaphore(%run_scoped3A : memref<!tpu.dma_semaphore, #tpu.memory_space<semaphore_mem>>) src(%arg5 : memref<10240xf32, #tpu.memory_space<hbm>>) dst(%arg14 : memref<10240xf32, #tpu.memory_space<vmem>>)
      tpu.yield
    }) : () -> ()
    %parallel_loop3A = arith.constant 0 : i32
    %parallel_loop3A_3 = arith.constant 640 : i32
    %parallel_loop3A_4 = arith.constant 1 : i32
    scf.for %parallel_loop3A_8 = %parallel_loop3A to %parallel_loop3A_3 step %parallel_loop3A_4  : i32 {
      %parallel_loop3A_9 = arith.constant 0.000000e+00 : f32
      %parallel_loop3A_10 = vector.broadcast %parallel_loop3A_9 : f32 to vector<16xf32>
      %parallel_loop3A_11 = arith.constant 16 : i32
      %parallel_loop3A_12 = arith.muli %parallel_loop3A_8, %parallel_loop3A_11 : i32
      %parallel_loop3A_13 = tpu.assume_multiple %parallel_loop3A_12, 8 : i32
      %parallel_loop3A_14 = arith.index_cast %parallel_loop3A_13 : i32 to index
      %parallel_loop3A_15 = tpu.vector_load %arg15[%parallel_loop3A_14] {strides = array<i32>} : memref<10240xf32, #tpu.memory_space<vmem>>, vector<16xf32>,
      tpu.vector_store %arg15[%parallel_loop3A_14], %parallel_loop3A_10 {strides = array<i32>} : memref<10240xf32, #tpu.memory_space<vmem>>, vector<16xf32>,
    } {sc.loop_unroll_factor = 8 : i64, sc.parallel_access}
    %parallel_loop3A_5 = arith.constant 0 : i32
    %parallel_loop3A_6 = arith.constant 625 : i32
    %parallel_loop3A_7 = arith.constant 1 : i32
    scf.for %parallel_loop3A_8 = %parallel_loop3A_5 to %parallel_loop3A_6 step %parallel_loop3A_7  : i32 {
      %parallel_loop3A_9 = arith.constant 16 : i32
      %parallel_loop3A_10 = arith.muli %parallel_loop3A_8, %parallel_loop3A_9 : i32
      %parallel_loop3A_11 = tpu.assume_multiple %parallel_loop3A_10, 8 : i32
      %parallel_loop3A_12 = arith.index_cast %parallel_loop3A_11 : i32 to index
      %parallel_loop3A_13 = tpu.vector_load %arg9[%parallel_loop3A_12] {strides = array<i32>} : memref<10000xi32, #tpu.memory_space<vmem>>, vector<16xi32>,
      %parallel_loop3A_14 = arith.index_cast %parallel_loop3A_11 : i32 to index
      %parallel_loop3A_15 = tpu.vector_load %arg10[%parallel_loop3A_14] {strides = array<i32>} : memref<10000xi32, #tpu.memory_space<vmem>>, vector<16xi32>,
      %parallel_loop3A_16 = tpu.vector_load_idx %arg13[%parallel_loop3A_13] : memref<10240xf32, #tpu.memory_space<vmem>>[vector<16xi32>], vector<16xf32>,
      %parallel_loop3A_17 = tpu.vector_load_idx %arg14[%parallel_loop3A_15] : memref<10240xf32, #tpu.memory_space<vmem>>[vector<16xi32>], vector<16xf32>,
      %parallel_loop3A_18 = arith.addf %parallel_loop3A_16, %parallel_loop3A_17 : vector<16xf32>
      %parallel_loop3A_19 = arith.constant 2.000000e-01 : f32
      %parallel_loop3A_20 = vector.broadcast %parallel_loop3A_19 : f32 to vector<16xf32>
      %parallel_loop3A_21 = arith.mulf %parallel_loop3A_20, %parallel_loop3A_18 : vector<16xf32>
      %parallel_loop3A_22 = arith.maximumf %parallel_loop3A_18, %parallel_loop3A_21 : vector<16xf32>
      %parallel_loop3A_23 = math.exp %parallel_loop3A_22 : vector<16xf32>
      %parallel_loop3A_24 = arith.index_cast %parallel_loop3A_11 : i32 to index
      %parallel_loop3A_25 = tpu.vector_load %arg11[%parallel_loop3A_24] {strides = array<i32>} : memref<10000xf32, #tpu.memory_space<vmem>>, vector<16xf32>,
      tpu.vector_store %arg11[%parallel_loop3A_24], %parallel_loop3A_23 {strides = array<i32>} : memref<10000xf32, #tpu.memory_space<vmem>>, vector<16xf32>,
      %parallel_loop3A_26 = arith.constant 14 : i32
      %parallel_loop3A_27 = vector.broadcast %parallel_loop3A_26 : i32 to vector<16xi32>
      %parallel_loop3A_28 = arith.shli %parallel_loop3A_13, %parallel_loop3A_27 : vector<16xi32>
      %parallel_loop3A_29 = arith.ori %parallel_loop3A_28, %parallel_loop3A_15 : vector<16xi32>
      %parallel_loop3A_30 = arith.index_cast %parallel_loop3A_11 : i32 to index
      %parallel_loop3A_31 = tpu.vector_load %arg12[%parallel_loop3A_30] {strides = array<i32>} : memref<10000xi32, #tpu.memory_space<vmem>>, vector<16xi32>,
      tpu.vector_store %arg12[%parallel_loop3A_30], %parallel_loop3A_29 {strides = array<i32>} : memref<10000xi32, #tpu.memory_space<vmem>>, vector<16xi32>,
      tpu.vector_store_idx %arg15[%parallel_loop3A_15], %parallel_loop3A_23 {add = true} : memref<10240xf32, #tpu.memory_space<vmem>>[vector<16xi32>], vector<16xf32>,
    } {sc.loop_unroll_factor = 5 : i64, sc.parallel_access}
    "tpu.region"() ({
      %run_scoped3A = tpu.sem_alloc : memref<!tpu.dma_semaphore, #tpu.memory_space<semaphore_mem>>
      %dma_start3A = tpu.memref_slice %arg6[%multiple_of3A] : memref<320000xf32, #tpu.memory_space<hbm>> -> memref<10000xf32, #tpu.memory_space<hbm>>
      %dma_start3A_8 = tpu.memref_slice %arg6[%multiple_of3A] : memref<320000xf32, #tpu.memory_space<hbm>> -> memref<10000xf32, #tpu.memory_space<hbm>>
      tpu.enqueue_dma source(%arg11 : memref<10000xf32, #tpu.memory_space<vmem>>) target(%dma_start3A_8 : memref<10000xf32, #tpu.memory_space<hbm>>) target_semaphore(%run_scoped3A : memref<!tpu.dma_semaphore, #tpu.memory_space<semaphore_mem>>)
      %dma_wait3A = tpu.memref_slice %arg6[%multiple_of3A] : memref<320000xf32, #tpu.memory_space<hbm>> -> memref<10000xf32, #tpu.memory_space<hbm>>
      %dma_wait3A_9 = tpu.memref_slice %arg6[%multiple_of3A] : memref<320000xf32, #tpu.memory_space<hbm>> -> memref<10000xf32, #tpu.memory_space<hbm>>
      tpu.wait_dma2 semaphore(%run_scoped3A : memref<!tpu.dma_semaphore, #tpu.memory_space<semaphore_mem>>) src(%arg11 : memref<10000xf32, #tpu.memory_space<vmem>>) dst(%dma_wait3A_9 : memref<10000xf32, #tpu.memory_space<hbm>>)
      tpu.yield
    }) : () -> ()
    "tpu.region"() ({
      %run_scoped3A = tpu.sem_alloc : memref<!tpu.dma_semaphore, #tpu.memory_space<semaphore_mem>>
      %dma_start3A = tpu.memref_slice %arg7[%multiple_of3A] : memref<320000xi32, #tpu.memory_space<hbm>> -> memref<10000xi32, #tpu.memory_space<hbm>>
      %dma_start3A_8 = tpu.memref_slice %arg7[%multiple_of3A] : memref<320000xi32, #tpu.memory_space<hbm>> -> memref<10000xi32, #tpu.memory_space<hbm>>
      tpu.enqueue_dma source(%arg12 : memref<10000xi32, #tpu.memory_space<vmem>>) target(%dma_start3A_8 : memref<10000xi32, #tpu.memory_space<hbm>>) target_semaphore(%run_scoped3A : memref<!tpu.dma_semaphore, #tpu.memory_space<semaphore_mem>>)
      %dma_wait3A = tpu.memref_slice %arg7[%multiple_of3A] : memref<320000xi32, #tpu.memory_space<hbm>> -> memref<10000xi32, #tpu.memory_space<hbm>>
      %dma_wait3A_9 = tpu.memref_slice %arg7[%multiple_of3A] : memref<320000xi32, #tpu.memory_space<hbm>> -> memref<10000xi32, #tpu.memory_space<hbm>>
      tpu.wait_dma2 semaphore(%run_scoped3A : memref<!tpu.dma_semaphore, #tpu.memory_space<semaphore_mem>>) src(%arg12 : memref<10000xi32, #tpu.memory_space<vmem>>) dst(%dma_wait3A_9 : memref<10000xi32, #tpu.memory_space<hbm>>)
      tpu.yield
    }) : () -> ()
    "tpu.region"() ({
      %run_scoped3A = tpu.sem_alloc : memref<!tpu.dma_semaphore, #tpu.memory_space<semaphore_mem>>
      %dma_start3A = arith.constant 0 : i32
      %dma_start3A_8 = tpu.memref_slice %arg8[%add3A, %dma_start3A] : memref<32x10240xf32, #tpu.memory_space<hbm>> -> memref<1x10240xf32, #tpu.memory_space<hbm>>
      %dma_start3A_9 = tpu.memref_squeeze %dma_start3A_8 : memref<1x10240xf32, #tpu.memory_space<hbm>> -> memref<10240xf32, #tpu.memory_space<hbm>>
      %dma_start3A_10 = arith.constant 0 : i32
      %dma_start3A_11 = tpu.memref_slice %arg8[%add3A, %dma_start3A_10] : memref<32x10240xf32, #tpu.memory_space<hbm>> -> memref<1x10240xf32, #tpu.memory_space<hbm>>
      %dma_start3A_12 = tpu.memref_squeeze %dma_start3A_11 : memref<1x10240xf32, #tpu.memory_space<hbm>> -> memref<10240xf32, #tpu.memory_space<hbm>>
      tpu.enqueue_dma source(%arg15 : memref<10240xf32, #tpu.memory_space<vmem>>) target(%dma_start3A_12 : memref<10240xf32, #tpu.memory_space<hbm>>) target_semaphore(%run_scoped3A : memref<!tpu.dma_semaphore, #tpu.memory_space<semaphore_mem>>)
      %dma_wait3A = arith.constant 0 : i32
      %dma_wait3A_13 = tpu.memref_slice %arg8[%add3A, %dma_wait3A] : memref<32x10240xf32, #tpu.memory_space<hbm>> -> memref<1x10240xf32, #tpu.memory_space<hbm>>
      %dma_wait3A_14 = tpu.memref_squeeze %dma_wait3A_13 : memref<1x10240xf32, #tpu.memory_space<hbm>> -> memref<10240xf32, #tpu.memory_space<hbm>>
      %dma_wait3A_15 = arith.constant 0 : i32
      %dma_wait3A_16 = tpu.memref_slice %arg8[%add3A, %dma_wait3A_15] : memref<32x10240xf32, #tpu.memory_space<hbm>> -> memref<1x10240xf32, #tpu.memory_space<hbm>>
      %dma_wait3A_17 = tpu.memref_squeeze %dma_wait3A_16 : memref<1x10240xf32, #tpu.memory_space<hbm>> -> memref<10240xf32, #tpu.memory_space<hbm>>
      tpu.wait_dma2 semaphore(%run_scoped3A : memref<!tpu.dma_semaphore, #tpu.memory_space<semaphore_mem>>) src(%arg15 : memref<10240xf32, #tpu.memory_space<vmem>>) dst(%dma_wait3A_17 : memref<10240xf32, #tpu.memory_space<hbm>>)
      tpu.yield
    }) : () -> ()
    return
  }
}

#map = affine_map<(d0, d1) -> (0)>
#map1 = affine_map<(d0, d1) -> (0, 0)>
module attributes {stable_mosaic.version = 14 : i64} {
  func.func @_sc_weights(%arg0: i32, %arg1: i32, %arg2: memref<320000xi32, #tpu.memory_space<hbm>>, %arg3: memref<320000xi32, #tpu.memory_space<hbm>>, %arg4: memref<10240xf32, #tpu.memory_space<hbm>>, %arg5: memref<10240xf32, #tpu.memory_space<hbm>>, %arg6: memref<320000xf32, #tpu.memory_space<hbm>>, %arg7: memref<320000xi32, #tpu.memory_space<hbm>>, %arg8: memref<32x10240xf32, #tpu.memory_space<hbm>>, %arg9: memref<10000xi32, #tpu.memory_space<vmem>>, %arg10: memref<10000xi32, #tpu.memory_space<vmem>>, %arg11: memref<10000xf32, #tpu.memory_space<vmem>>, %arg12: memref<10000xi32, #tpu.memory_space<vmem>>, %arg13: memref<10240xf32, #tpu.memory_space<vmem>>, %arg14: memref<10240xf32, #tpu.memory_space<vmem>>, %arg15: memref<10240xf32, #tpu.memory_space<vmem>>) attributes {dimension_semantics = [#tpu.dimension_semantics<core_parallel>, #tpu.dimension_semantics<subcore_parallel>], iteration_bounds = array<i64: 2, 16>, scalar_prefetch = 0 : i64, scratch_operands = 7 : i64, tpu.core_type = #tpu.core_type<sc_vector_subcore>, window_params = [{transform_indices = #map}, {transform_indices = #map}, {transform_indices = #map}, {transform_indices = #map}, {transform_indices = #map}, {transform_indices = #map}, {transform_indices = #map1}]} {
    %mul3A = arith.constant 2 : i32
    %mul3A_0 = arith.muli %arg1, %mul3A : i32
    %add3A = arith.addi %mul3A_0, %arg0 : i32
    %mul3A_1 = arith.constant 10000 : i32
    %mul3A_2 = arith.muli %add3A, %mul3A_1 : i32
    %multiple_of3A = tpu.assume_multiple %mul3A_2, 8 : i32
    "tpu.region"() ({
      %run_scoped3A = tpu.sem_alloc : memref<!tpu.dma_semaphore, #tpu.memory_space<semaphore_mem>>
      %dma_start3A = tpu.memref_slice %arg2[%multiple_of3A] : memref<320000xi32, #tpu.memory_space<hbm>> -> memref<10000xi32, #tpu.memory_space<hbm>>
      %dma_start3A_8 = tpu.memref_slice %arg2[%multiple_of3A] : memref<320000xi32, #tpu.memory_space<hbm>> -> memref<10000xi32, #tpu.memory_space<hbm>>
      tpu.enqueue_dma source(%dma_start3A_8 : memref<10000xi32, #tpu.memory_space<hbm>>) target(%arg9 : memref<10000xi32, #tpu.memory_space<vmem>>) target_semaphore(%run_scoped3A : memref<!tpu.dma_semaphore, #tpu.memory_space<semaphore_mem>>)
      %dma_wait3A = tpu.memref_slice %arg2[%multiple_of3A] : memref<320000xi32, #tpu.memory_space<hbm>> -> memref<10000xi32, #tpu.memory_space<hbm>>
      %dma_wait3A_9 = tpu.memref_slice %arg2[%multiple_of3A] : memref<320000xi32, #tpu.memory_space<hbm>> -> memref<10000xi32, #tpu.memory_space<hbm>>
      tpu.wait_dma2 semaphore(%run_scoped3A : memref<!tpu.dma_semaphore, #tpu.memory_space<semaphore_mem>>) src(%dma_wait3A_9 : memref<10000xi32, #tpu.memory_space<hbm>>) dst(%arg9 : memref<10000xi32, #tpu.memory_space<vmem>>)
      tpu.yield
    }) : () -> ()
    "tpu.region"() ({
      %run_scoped3A = tpu.sem_alloc : memref<!tpu.dma_semaphore, #tpu.memory_space<semaphore_mem>>
      %dma_start3A = tpu.memref_slice %arg3[%multiple_of3A] : memref<320000xi32, #tpu.memory_space<hbm>> -> memref<10000xi32, #tpu.memory_space<hbm>>
      %dma_start3A_8 = tpu.memref_slice %arg3[%multiple_of3A] : memref<320000xi32, #tpu.memory_space<hbm>> -> memref<10000xi32, #tpu.memory_space<hbm>>
      tpu.enqueue_dma source(%dma_start3A_8 : memref<10000xi32, #tpu.memory_space<hbm>>) target(%arg10 : memref<10000xi32, #tpu.memory_space<vmem>>) target_semaphore(%run_scoped3A : memref<!tpu.dma_semaphore, #tpu.memory_space<semaphore_mem>>)
      %dma_wait3A = tpu.memref_slice %arg3[%multiple_of3A] : memref<320000xi32, #tpu.memory_space<hbm>> -> memref<10000xi32, #tpu.memory_space<hbm>>
      %dma_wait3A_9 = tpu.memref_slice %arg3[%multiple_of3A] : memref<320000xi32, #tpu.memory_space<hbm>> -> memref<10000xi32, #tpu.memory_space<hbm>>
      tpu.wait_dma2 semaphore(%run_scoped3A : memref<!tpu.dma_semaphore, #tpu.memory_space<semaphore_mem>>) src(%dma_wait3A_9 : memref<10000xi32, #tpu.memory_space<hbm>>) dst(%arg10 : memref<10000xi32, #tpu.memory_space<vmem>>)
      tpu.yield
    }) : () -> ()
    "tpu.region"() ({
      %run_scoped3A = tpu.sem_alloc : memref<!tpu.dma_semaphore, #tpu.memory_space<semaphore_mem>>
      tpu.enqueue_dma source(%arg4 : memref<10240xf32, #tpu.memory_space<hbm>>) target(%arg13 : memref<10240xf32, #tpu.memory_space<vmem>>) target_semaphore(%run_scoped3A : memref<!tpu.dma_semaphore, #tpu.memory_space<semaphore_mem>>)
      tpu.wait_dma2 semaphore(%run_scoped3A : memref<!tpu.dma_semaphore, #tpu.memory_space<semaphore_mem>>) src(%arg4 : memref<10240xf32, #tpu.memory_space<hbm>>) dst(%arg13 : memref<10240xf32, #tpu.memory_space<vmem>>)
      tpu.yield
    }) : () -> ()
    "tpu.region"() ({
      %run_scoped3A = tpu.sem_alloc : memref<!tpu.dma_semaphore, #tpu.memory_space<semaphore_mem>>
      tpu.enqueue_dma source(%arg5 : memref<10240xf32, #tpu.memory_space<hbm>>) target(%arg14 : memref<10240xf32, #tpu.memory_space<vmem>>) target_semaphore(%run_scoped3A : memref<!tpu.dma_semaphore, #tpu.memory_space<semaphore_mem>>)
      tpu.wait_dma2 semaphore(%run_scoped3A : memref<!tpu.dma_semaphore, #tpu.memory_space<semaphore_mem>>) src(%arg5 : memref<10240xf32, #tpu.memory_space<hbm>>) dst(%arg14 : memref<10240xf32, #tpu.memory_space<vmem>>)
      tpu.yield
    }) : () -> ()
    %parallel_loop3A = arith.constant 0 : i32
    %parallel_loop3A_3 = arith.constant 640 : i32
    %parallel_loop3A_4 = arith.constant 1 : i32
    scf.for %parallel_loop3A_8 = %parallel_loop3A to %parallel_loop3A_3 step %parallel_loop3A_4  : i32 {
      %parallel_loop3A_9 = arith.constant 0.000000e+00 : f32
      %parallel_loop3A_10 = vector.broadcast %parallel_loop3A_9 : f32 to vector<16xf32>
      %parallel_loop3A_11 = arith.constant 16 : i32
      %parallel_loop3A_12 = arith.muli %parallel_loop3A_8, %parallel_loop3A_11 : i32
      %parallel_loop3A_13 = tpu.assume_multiple %parallel_loop3A_12, 8 : i32
      %parallel_loop3A_14 = arith.index_cast %parallel_loop3A_13 : i32 to index
      %parallel_loop3A_15 = tpu.vector_load %arg15[%parallel_loop3A_14] {strides = array<i32>} : memref<10240xf32, #tpu.memory_space<vmem>>, vector<16xf32>,
      tpu.vector_store %arg15[%parallel_loop3A_14], %parallel_loop3A_10 {strides = array<i32>} : memref<10240xf32, #tpu.memory_space<vmem>>, vector<16xf32>,
    } {sc.loop_unroll_factor = 8 : i64, sc.parallel_access}
    %parallel_loop3A_5 = arith.constant 0 : i32
    %parallel_loop3A_6 = arith.constant 625 : i32
    %parallel_loop3A_7 = arith.constant 1 : i32
    scf.for %parallel_loop3A_8 = %parallel_loop3A_5 to %parallel_loop3A_6 step %parallel_loop3A_7  : i32 {
      %parallel_loop3A_9 = arith.constant 16 : i32
      %parallel_loop3A_10 = arith.muli %parallel_loop3A_8, %parallel_loop3A_9 : i32
      %parallel_loop3A_11 = tpu.assume_multiple %parallel_loop3A_10, 8 : i32
      %parallel_loop3A_12 = arith.index_cast %parallel_loop3A_11 : i32 to index
      %parallel_loop3A_13 = tpu.vector_load %arg9[%parallel_loop3A_12] {strides = array<i32>} : memref<10000xi32, #tpu.memory_space<vmem>>, vector<16xi32>,
      %parallel_loop3A_14 = arith.index_cast %parallel_loop3A_11 : i32 to index
      %parallel_loop3A_15 = tpu.vector_load %arg10[%parallel_loop3A_14] {strides = array<i32>} : memref<10000xi32, #tpu.memory_space<vmem>>, vector<16xi32>,
      %parallel_loop3A_16 = tpu.vector_load_idx %arg13[%parallel_loop3A_13] : memref<10240xf32, #tpu.memory_space<vmem>>[vector<16xi32>], vector<16xf32>,
      %parallel_loop3A_17 = tpu.vector_load_idx %arg14[%parallel_loop3A_15] : memref<10240xf32, #tpu.memory_space<vmem>>[vector<16xi32>], vector<16xf32>,
      %parallel_loop3A_18 = arith.addf %parallel_loop3A_16, %parallel_loop3A_17 : vector<16xf32>
      %parallel_loop3A_19 = arith.constant 2.000000e-01 : f32
      %parallel_loop3A_20 = vector.broadcast %parallel_loop3A_19 : f32 to vector<16xf32>
      %parallel_loop3A_21 = arith.mulf %parallel_loop3A_20, %parallel_loop3A_18 : vector<16xf32>
      %parallel_loop3A_22 = arith.maximumf %parallel_loop3A_18, %parallel_loop3A_21 : vector<16xf32>
      %parallel_loop3A_23 = math.exp %parallel_loop3A_22 : vector<16xf32>
      %parallel_loop3A_24 = arith.index_cast %parallel_loop3A_11 : i32 to index
      %parallel_loop3A_25 = tpu.vector_load %arg11[%parallel_loop3A_24] {strides = array<i32>} : memref<10000xf32, #tpu.memory_space<vmem>>, vector<16xf32>,
      tpu.vector_store %arg11[%parallel_loop3A_24], %parallel_loop3A_23 {strides = array<i32>} : memref<10000xf32, #tpu.memory_space<vmem>>, vector<16xf32>,
      %parallel_loop3A_26 = arith.constant 14 : i32
      %parallel_loop3A_27 = vector.broadcast %parallel_loop3A_26 : i32 to vector<16xi32>
      %parallel_loop3A_28 = arith.shli %parallel_loop3A_13, %parallel_loop3A_27 : vector<16xi32>
      %parallel_loop3A_29 = arith.ori %parallel_loop3A_28, %parallel_loop3A_15 : vector<16xi32>
      %parallel_loop3A_30 = arith.index_cast %parallel_loop3A_11 : i32 to index
      %parallel_loop3A_31 = tpu.vector_load %arg12[%parallel_loop3A_30] {strides = array<i32>} : memref<10000xi32, #tpu.memory_space<vmem>>, vector<16xi32>,
      tpu.vector_store %arg12[%parallel_loop3A_30], %parallel_loop3A_29 {strides = array<i32>} : memref<10000xi32, #tpu.memory_space<vmem>>, vector<16xi32>,
      tpu.vector_store_idx %arg15[%parallel_loop3A_15], %parallel_loop3A_23 {add = true} : memref<10240xf32, #tpu.memory_space<vmem>>[vector<16xi32>], vector<16xf32>,
    } {sc.loop_unroll_factor = 5 : i64, sc.parallel_access}
    "tpu.region"() ({
      %run_scoped3A = tpu.sem_alloc : memref<!tpu.dma_semaphore, #tpu.memory_space<semaphore_mem>>
      %dma_start3A = tpu.memref_slice %arg6[%multiple_of3A] : memref<320000xf32, #tpu.memory_space<hbm>> -> memref<10000xf32, #tpu.memory_space<hbm>>
      %dma_start3A_8 = tpu.memref_slice %arg6[%multiple_of3A] : memref<320000xf32, #tpu.memory_space<hbm>> -> memref<10000xf32, #tpu.memory_space<hbm>>
      tpu.enqueue_dma source(%arg11 : memref<10000xf32, #tpu.memory_space<vmem>>) target(%dma_start3A_8 : memref<10000xf32, #tpu.memory_space<hbm>>) target_semaphore(%run_scoped3A : memref<!tpu.dma_semaphore, #tpu.memory_space<semaphore_mem>>)
      %dma_wait3A = tpu.memref_slice %arg6[%multiple_of3A] : memref<320000xf32, #tpu.memory_space<hbm>> -> memref<10000xf32, #tpu.memory_space<hbm>>
      %dma_wait3A_9 = tpu.memref_slice %arg6[%multiple_of3A] : memref<320000xf32, #tpu.memory_space<hbm>> -> memref<10000xf32, #tpu.memory_space<hbm>>
      tpu.wait_dma2 semaphore(%run_scoped3A : memref<!tpu.dma_semaphore, #tpu.memory_space<semaphore_mem>>) src(%arg11 : memref<10000xf32, #tpu.memory_space<vmem>>) dst(%dma_wait3A_9 : memref<10000xf32, #tpu.memory_space<hbm>>)
      tpu.yield
    }) : () -> ()
    "tpu.region"() ({
      %run_scoped3A = tpu.sem_alloc : memref<!tpu.dma_semaphore, #tpu.memory_space<semaphore_mem>>
      %dma_start3A = tpu.memref_slice %arg7[%multiple_of3A] : memref<320000xi32, #tpu.memory_space<hbm>> -> memref<10000xi32, #tpu.memory_space<hbm>>
      %dma_start3A_8 = tpu.memref_slice %arg7[%multiple_of3A] : memref<320000xi32, #tpu.memory_space<hbm>> -> memref<10000xi32, #tpu.memory_space<hbm>>
      tpu.enqueue_dma source(%arg12 : memref<10000xi32, #tpu.memory_space<vmem>>) target(%dma_start3A_8 : memref<10000xi32, #tpu.memory_space<hbm>>) target_semaphore(%run_scoped3A : memref<!tpu.dma_semaphore, #tpu.memory_space<semaphore_mem>>)
      %dma_wait3A = tpu.memref_slice %arg7[%multiple_of3A] : memref<320000xi32, #tpu.memory_space<hbm>> -> memref<10000xi32, #tpu.memory_space<hbm>>
      %dma_wait3A_9 = tpu.memref_slice %arg7[%multiple_of3A] : memref<320000xi32, #tpu.memory_space<hbm>> -> memref<10000xi32, #tpu.memory_space<hbm>>
      tpu.wait_dma2 semaphore(%run_scoped3A : memref<!tpu.dma_semaphore, #tpu.memory_space<semaphore_mem>>) src(%arg12 : memref<10000xi32, #tpu.memory_space<vmem>>) dst(%dma_wait3A_9 : memref<10000xi32, #tpu.memory_space<hbm>>)
      tpu.yield
    }) : () -> ()
    "tpu.region"() ({
      %run_scoped3A = tpu.sem_alloc : memref<!tpu.dma_semaphore, #tpu.memory_space<semaphore_mem>>
      %dma_start3A = arith.constant 0 : i32
      %dma_start3A_8 = tpu.memref_slice %arg8[%add3A, %dma_start3A] : memref<32x10240xf32, #tpu.memory_space<hbm>> -> memref<1x10240xf32, #tpu.memory_space<hbm>>
      %dma_start3A_9 = tpu.memref_squeeze %dma_start3A_8 : memref<1x10240xf32, #tpu.memory_space<hbm>> -> memref<10240xf32, #tpu.memory_space<hbm>>
      %dma_start3A_10 = arith.constant 0 : i32
      %dma_start3A_11 = tpu.memref_slice %arg8[%add3A, %dma_start3A_10] : memref<32x10240xf32, #tpu.memory_space<hbm>> -> memref<1x10240xf32, #tpu.memory_space<hbm>>
      %dma_start3A_12 = tpu.memref_squeeze %dma_start3A_11 : memref<1x10240xf32, #tpu.memory_space<hbm>> -> memref<10240xf32, #tpu.memory_space<hbm>>
      tpu.enqueue_dma source(%arg15 : memref<10240xf32, #tpu.memory_space<vmem>>) target(%dma_start3A_12 : memref<10240xf32, #tpu.memory_space<hbm>>) target_semaphore(%run_scoped3A : memref<!tpu.dma_semaphore, #tpu.memory_space<semaphore_mem>>)
      %dma_wait3A = arith.constant 0 : i32
      %dma_wait3A_13 = tpu.memref_slice %arg8[%add3A, %dma_wait3A] : memref<32x10240xf32, #tpu.memory_space<hbm>> -> memref<1x10240xf32, #tpu.memory_space<hbm>>
      %dma_wait3A_14 = tpu.memref_squeeze %dma_wait3A_13 : memref<1x10240xf32, #tpu.memory_space<hbm>> -> memref<10240xf32, #tpu.memory_space<hbm>>
      %dma_wait3A_15 = arith.constant 0 : i32
      %dma_wait3A_16 = tpu.memref_slice %arg8[%add3A, %dma_wait3A_15] : memref<32x10240xf32, #tpu.memory_space<hbm>> -> memref<1x10240xf32, #tpu.memory_space<hbm>>
      %dma_wait3A_17 = tpu.memref_squeeze %dma_wait3A_16 : memref<1x10240xf32, #tpu.memory_space<hbm>> -> memref<10240xf32, #tpu.memory_space<hbm>>
      tpu.wait_dma2 semaphore(%run_scoped3A : memref<!tpu.dma_semaphore, #tpu.memory_space<semaphore_mem>>) src(%arg15 : memref<10240xf32, #tpu.memory_space<vmem>>) dst(%dma_wait3A_17 : memref<10240xf32, #tpu.memory_space<hbm>>)
      tpu.yield
    }) : () -> ()
    return
  }
}

#map = affine_map<(d0, d1) -> (0)>
module attributes {stable_mosaic.version = 14 : i64} {
  func.func @_sc_agg(%arg0: i32, %arg1: i32, %arg2: memref<655360xi32, #tpu.memory_space<hbm>>, %arg3: memref<320000xi32, #tpu.memory_space<hbm>>, %arg4: memref<320000xf32, #tpu.memory_space<hbm>>, %arg5: memref<1310720xf32, #tpu.memory_space<hbm>>, %arg6: memref<20480xi32, #tpu.memory_space<vmem>>, %arg7: memref<40960xf32, #tpu.memory_space<vmem>>, %arg8: memref<6400xi32, #tpu.memory_space<vmem>>, %arg9: memref<6400xi32, #tpu.memory_space<vmem>>, %arg10: memref<6400xf32, #tpu.memory_space<vmem>>, %arg11: memref<6400xf32, #tpu.memory_space<vmem>>, %arg12: memref<!tpu.dma_semaphore, #tpu.memory_space<semaphore_mem>>, %arg13: memref<!tpu.dma_semaphore, #tpu.memory_space<semaphore_mem>>, %arg14: memref<!tpu.dma_semaphore, #tpu.memory_space<semaphore_mem>>) attributes {dimension_semantics = [#tpu.dimension_semantics<core_parallel>, #tpu.dimension_semantics<subcore_parallel>], iteration_bounds = array<i64: 2, 16>, scalar_prefetch = 0 : i64, scratch_operands = 9 : i64, tpu.core_type = #tpu.core_type<sc_vector_subcore>, window_params = [{transform_indices = #map}, {transform_indices = #map}, {transform_indices = #map}, {transform_indices = #map}]} {
    %mul3A = arith.constant 2 : i32
    %mul3A_0 = arith.muli %arg1, %mul3A : i32
    %add3A = arith.addi %mul3A_0, %arg0 : i32
    %mul3A_1 = arith.constant 20480 : i32
    %mul3A_2 = arith.muli %add3A, %mul3A_1 : i32
    %multiple_of3A = tpu.assume_multiple %mul3A_2, 8 : i32
    %mul3A_3 = arith.constant 40960 : i32
    %mul3A_4 = arith.muli %add3A, %mul3A_3 : i32
    %multiple_of3A_5 = tpu.assume_multiple %mul3A_4, 8 : i32
    %dma_start3A = tpu.memref_slice %arg2[%multiple_of3A] : memref<655360xi32, #tpu.memory_space<hbm>> -> memref<20480xi32, #tpu.memory_space<hbm>>
    %dma_start3A_6 = tpu.memref_slice %arg2[%multiple_of3A] : memref<655360xi32, #tpu.memory_space<hbm>> -> memref<20480xi32, #tpu.memory_space<hbm>>
    tpu.enqueue_dma source(%dma_start3A_6 : memref<20480xi32, #tpu.memory_space<hbm>>) target(%arg6 : memref<20480xi32, #tpu.memory_space<vmem>>) target_semaphore(%arg14 : memref<!tpu.dma_semaphore, #tpu.memory_space<semaphore_mem>>)
    %dma_start3A_7 = arith.constant 0 : i32
    %dma_start3A_8 = tpu.memref_slice %arg3[%dma_start3A_7] : memref<320000xi32, #tpu.memory_space<hbm>> -> memref<6400xi32, #tpu.memory_space<hbm>>
    %dma_start3A_9 = arith.constant 0 : i32
    %dma_start3A_10 = tpu.memref_slice %arg3[%dma_start3A_9] : memref<320000xi32, #tpu.memory_space<hbm>> -> memref<6400xi32, #tpu.memory_space<hbm>>
    tpu.enqueue_dma source(%dma_start3A_10 : memref<6400xi32, #tpu.memory_space<hbm>>) target(%arg8 : memref<6400xi32, #tpu.memory_space<vmem>>) target_semaphore(%arg12 : memref<!tpu.dma_semaphore, #tpu.memory_space<semaphore_mem>>)
    %dma_start3A_11 = arith.constant 0 : i32
    %dma_start3A_12 = tpu.memref_slice %arg4[%dma_start3A_11] : memref<320000xf32, #tpu.memory_space<hbm>> -> memref<6400xf32, #tpu.memory_space<hbm>>
    %dma_start3A_13 = arith.constant 0 : i32
    %dma_start3A_14 = tpu.memref_slice %arg4[%dma_start3A_13] : memref<320000xf32, #tpu.memory_space<hbm>> -> memref<6400xf32, #tpu.memory_space<hbm>>
    tpu.enqueue_dma source(%dma_start3A_14 : memref<6400xf32, #tpu.memory_space<hbm>>) target(%arg10 : memref<6400xf32, #tpu.memory_space<vmem>>) target_semaphore(%arg12 : memref<!tpu.dma_semaphore, #tpu.memory_space<semaphore_mem>>)
    %parallel_loop3A = arith.constant 0 : i32
    %parallel_loop3A_15 = arith.constant 2560 : i32
    %parallel_loop3A_16 = arith.constant 1 : i32
    scf.for %parallel_loop3A_31 = %parallel_loop3A to %parallel_loop3A_15 step %parallel_loop3A_16  : i32 {
      %parallel_loop3A_32 = arith.constant 0.000000e+00 : f32
      %parallel_loop3A_33 = vector.broadcast %parallel_loop3A_32 : f32 to vector<16xf32>
      %parallel_loop3A_34 = arith.constant 16 : i32
      %parallel_loop3A_35 = arith.muli %parallel_loop3A_31, %parallel_loop3A_34 : i32
      %parallel_loop3A_36 = tpu.assume_multiple %parallel_loop3A_35, 8 : i32
      %parallel_loop3A_37 = arith.index_cast %parallel_loop3A_36 : i32 to index
      %parallel_loop3A_38 = tpu.vector_load %arg7[%parallel_loop3A_37] {strides = array<i32>} : memref<40960xf32, #tpu.memory_space<vmem>>, vector<16xf32>,
      tpu.vector_store %arg7[%parallel_loop3A_37], %parallel_loop3A_33 {strides = array<i32>} : memref<40960xf32, #tpu.memory_space<vmem>>, vector<16xf32>,
    } {sc.loop_unroll_factor = 8 : i64, sc.parallel_access}
    %dma_wait3A = tpu.memref_slice %arg2[%multiple_of3A] : memref<655360xi32, #tpu.memory_space<hbm>> -> memref<20480xi32, #tpu.memory_space<hbm>>
    %dma_wait3A_17 = tpu.memref_slice %arg2[%multiple_of3A] : memref<655360xi32, #tpu.memory_space<hbm>> -> memref<20480xi32, #tpu.memory_space<hbm>>
    tpu.wait_dma2 semaphore(%arg14 : memref<!tpu.dma_semaphore, #tpu.memory_space<semaphore_mem>>) src(%dma_wait3A_17 : memref<20480xi32, #tpu.memory_space<hbm>>) dst(%arg6 : memref<20480xi32, #tpu.memory_space<vmem>>)
    %scan3A = arith.constant 0 : i32
    %scan3A_18 = arith.constant 0 : i32
    %scan3A_19 = arith.constant 25 : i32
    %scan3A_20 = arith.addi %scan3A_18, %scan3A_19 : i32
    %scan3A_21 = arith.constant 1 : i32
    scf.for %scan3A_31 = %scan3A_18 to %scan3A_20 step %scan3A_21  : i32 {
      %mul3A_32 = arith.constant 2 : i32
      %mul3A_33 = arith.muli %mul3A_32, %scan3A_31 : i32
      %add3A_34 = arith.constant 0 : i32
      %add3A_35 = arith.addi %mul3A_33, %add3A_34 : i32
      %dma_wait3A_36 = arith.constant 0 : i32
      %dma_wait3A_37 = tpu.memref_slice %arg3[%dma_wait3A_36] : memref<320000xi32, #tpu.memory_space<hbm>> -> memref<6400xi32, #tpu.memory_space<hbm>>
      %dma_wait3A_38 = arith.constant 0 : i32
      %dma_wait3A_39 = tpu.memref_slice %arg3[%dma_wait3A_38] : memref<320000xi32, #tpu.memory_space<hbm>> -> memref<6400xi32, #tpu.memory_space<hbm>>
      tpu.wait_dma2 semaphore(%arg12 : memref<!tpu.dma_semaphore, #tpu.memory_space<semaphore_mem>>) src(%dma_wait3A_39 : memref<6400xi32, #tpu.memory_space<hbm>>) dst(%arg8 : memref<6400xi32, #tpu.memory_space<vmem>>)
      %dma_wait3A_40 = arith.constant 0 : i32
      %dma_wait3A_41 = tpu.memref_slice %arg4[%dma_wait3A_40] : memref<320000xf32, #tpu.memory_space<hbm>> -> memref<6400xf32, #tpu.memory_space<hbm>>
      %dma_wait3A_42 = arith.constant 0 : i32
      %dma_wait3A_43 = tpu.memref_slice %arg4[%dma_wait3A_42] : memref<320000xf32, #tpu.memory_space<hbm>> -> memref<6400xf32, #tpu.memory_space<hbm>>
      tpu.wait_dma2 semaphore(%arg12 : memref<!tpu.dma_semaphore, #tpu.memory_space<semaphore_mem>>) src(%dma_wait3A_43 : memref<6400xf32, #tpu.memory_space<hbm>>) dst(%arg10 : memref<6400xf32, #tpu.memory_space<vmem>>)
      %add3A_44 = arith.constant 1 : i32
      %add3A_45 = arith.addi %add3A_35, %add3A_44 : i32
      %rem3A = arith.constant 50 : i32
      %rem3A_46 = arith.remsi %add3A_45, %rem3A : i32
      %mul3A_47 = arith.constant 6400 : i32
      %mul3A_48 = arith.muli %rem3A_46, %mul3A_47 : i32
      %multiple_of3A_49 = tpu.assume_multiple %mul3A_48, 8 : i32
      %dma_start3A_50 = tpu.memref_slice %arg3[%multiple_of3A_49] : memref<320000xi32, #tpu.memory_space<hbm>> -> memref<6400xi32, #tpu.memory_space<hbm>>
      %dma_start3A_51 = tpu.memref_slice %arg3[%multiple_of3A_49] : memref<320000xi32, #tpu.memory_space<hbm>> -> memref<6400xi32, #tpu.memory_space<hbm>>
      tpu.enqueue_dma source(%dma_start3A_51 : memref<6400xi32, #tpu.memory_space<hbm>>) target(%arg9 : memref<6400xi32, #tpu.memory_space<vmem>>) target_semaphore(%arg13 : memref<!tpu.dma_semaphore, #tpu.memory_space<semaphore_mem>>)
      %dma_start3A_52 = tpu.memref_slice %arg4[%multiple_of3A_49] : memref<320000xf32, #tpu.memory_space<hbm>> -> memref<6400xf32, #tpu.memory_space<hbm>>
      %dma_start3A_53 = tpu.memref_slice %arg4[%multiple_of3A_49] : memref<320000xf32, #tpu.memory_space<hbm>> -> memref<6400xf32, #tpu.memory_space<hbm>>
      tpu.enqueue_dma source(%dma_start3A_53 : memref<6400xf32, #tpu.memory_space<hbm>>) target(%arg11 : memref<6400xf32, #tpu.memory_space<vmem>>) target_semaphore(%arg13 : memref<!tpu.dma_semaphore, #tpu.memory_space<semaphore_mem>>)
      %parallel_loop3A_54 = arith.constant 0 : i32
      %parallel_loop3A_55 = arith.constant 400 : i32
      %parallel_loop3A_56 = arith.constant 1 : i32
      scf.for %parallel_loop3A_83 = %parallel_loop3A_54 to %parallel_loop3A_55 step %parallel_loop3A_56  : i32 {
        %parallel_loop3A_84 = arith.constant 16 : i32
        %parallel_loop3A_85 = arith.muli %parallel_loop3A_83, %parallel_loop3A_84 : i32
        %parallel_loop3A_86 = tpu.assume_multiple %parallel_loop3A_85, 8 : i32
        %parallel_loop3A_87 = arith.index_cast %parallel_loop3A_86 : i32 to index
        %parallel_loop3A_88 = tpu.vector_load %arg8[%parallel_loop3A_87] {strides = array<i32>} : memref<6400xi32, #tpu.memory_space<vmem>>, vector<16xi32>,
        %parallel_loop3A_89 = arith.index_cast %parallel_loop3A_86 : i32 to index
        %parallel_loop3A_90 = tpu.vector_load %arg10[%parallel_loop3A_89] {strides = array<i32>} : memref<6400xf32, #tpu.memory_space<vmem>>, vector<16xf32>,
        %parallel_loop3A_91 = arith.constant 14 : i32
        %parallel_loop3A_92 = vector.broadcast %parallel_loop3A_91 : i32 to vector<16xi32>
        %parallel_loop3A_93 = arith.shrui %parallel_loop3A_88, %parallel_loop3A_92 : vector<16xi32>
        %parallel_loop3A_94 = arith.constant 16383 : i32
        %parallel_loop3A_95 = vector.broadcast %parallel_loop3A_94 : i32 to vector<16xi32>
        %parallel_loop3A_96 = arith.andi %parallel_loop3A_88, %parallel_loop3A_95 : vector<16xi32>
        %parallel_loop3A_97 = arith.constant 0 : i32
        %parallel_loop3A_98 = vector.broadcast %parallel_loop3A_97 : i32 to vector<16xi32>
        %parallel_loop3A_99 = arith.addi %parallel_loop3A_93, %parallel_loop3A_98 : vector<16xi32>
        %parallel_loop3A_100 = tpu.vector_load_idx %arg6[%parallel_loop3A_99] : memref<20480xi32, #tpu.memory_space<vmem>>[vector<16xi32>], vector<16xi32>,
        %parallel_loop3A_101 = vector.bitcast %parallel_loop3A_100 : vector<16xi32> to vector<32xbf16>
        %parallel_loop3A_102 = tpu.unpack_subelements %parallel_loop3A_101, 0 {pack_format = #tpu.pack_format<interleaved>} : vector<32xbf16> -> vector<16xf32>
        %parallel_loop3A_103 = tpu.unpack_subelements %parallel_loop3A_101, 1 {pack_format = #tpu.pack_format<interleaved>} : vector<32xbf16> -> vector<16xf32>
        %parallel_loop3A_104 = arith.constant 0 : i32
        %parallel_loop3A_105 = vector.broadcast %parallel_loop3A_104 : i32 to vector<16xi32>
        %parallel_loop3A_106 = arith.addi %parallel_loop3A_96, %parallel_loop3A_105 : vector<16xi32>
        %parallel_loop3A_107 = arith.mulf %parallel_loop3A_102, %parallel_loop3A_90 : vector<16xf32>
        tpu.vector_store_idx %arg7[%parallel_loop3A_106], %parallel_loop3A_107 {add = true} : memref<40960xf32, #tpu.memory_space<vmem>>[vector<16xi32>], vector<16xf32>,
        %parallel_loop3A_108 = arith.constant 10240 : i32
        %parallel_loop3A_109 = vector.broadcast %parallel_loop3A_108 : i32 to vector<16xi32>
        %parallel_loop3A_110 = arith.addi %parallel_loop3A_96, %parallel_loop3A_109 : vector<16xi32>
        %parallel_loop3A_111 = arith.mulf %parallel_loop3A_103, %parallel_loop3A_90 : vector<16xf32>
        tpu.vector_store_idx %arg7[%parallel_loop3A_110], %parallel_loop3A_111 {add = true} : memref<40960xf32, #tpu.memory_space<vmem>>[vector<16xi32>], vector<16xf32>,
        %parallel_loop3A_112 = arith.constant 10240 : i32
        %parallel_loop3A_113 = vector.broadcast %parallel_loop3A_112 : i32 to vector<16xi32>
        %parallel_loop3A_114 = arith.addi %parallel_loop3A_93, %parallel_loop3A_113 : vector<16xi32>
        %parallel_loop3A_115 = tpu.vector_load_idx %arg6[%parallel_loop3A_114] : memref<20480xi32, #tpu.memory_space<vmem>>[vector<16xi32>], vector<16xi32>,
        %parallel_loop3A_116 = vector.bitcast %parallel_loop3A_115 : vector<16xi32> to vector<32xbf16>
        %parallel_loop3A_117 = tpu.unpack_subelements %parallel_loop3A_116, 0 {pack_format = #tpu.pack_format<interleaved>} : vector<32xbf16> -> vector<16xf32>
        %parallel_loop3A_118 = tpu.unpack_subelements %parallel_loop3A_116, 1 {pack_format = #tpu.pack_format<interleaved>} : vector<32xbf16> -> vector<16xf32>
        %parallel_loop3A_119 = arith.constant 20480 : i32
        %parallel_loop3A_120 = vector.broadcast %parallel_loop3A_119 : i32 to vector<16xi32>
        %parallel_loop3A_121 = arith.addi %parallel_loop3A_96, %parallel_loop3A_120 : vector<16xi32>
        %parallel_loop3A_122 = arith.mulf %parallel_loop3A_117, %parallel_loop3A_90 : vector<16xf32>
        tpu.vector_store_idx %arg7[%parallel_loop3A_121], %parallel_loop3A_122 {add = true} : memref<40960xf32, #tpu.memory_space<vmem>>[vector<16xi32>], vector<16xf32>,
        %parallel_loop3A_123 = arith.constant 30720 : i32
        %parallel_loop3A_124 = vector.broadcast %parallel_loop3A_123 : i32 to vector<16xi32>
        %parallel_loop3A_125 = arith.addi %parallel_loop3A_96, %parallel_loop3A_124 : vector<16xi32>
        %parallel_loop3A_126 = arith.mulf %parallel_loop3A_118, %parallel_loop3A_90 : vector<16xf32>
        tpu.vector_store_idx %arg7[%parallel_loop3A_125], %parallel_loop3A_126 {add = true} : memref<40960xf32, #tpu.memory_space<vmem>>[vector<16xi32>], vector<16xf32>,
      } {sc.loop_unroll_factor = 8 : i64, sc.parallel_access}
      %mul3A_57 = arith.constant 2 : i32
      %mul3A_58 = arith.muli %mul3A_57, %scan3A_31 : i32
      %add3A_59 = arith.constant 1 : i32
      %add3A_60 = arith.addi %mul3A_58, %add3A_59 : i32
      %dma_wait3A_61 = arith.constant 0 : i32
      %dma_wait3A_62 = tpu.memref_slice %arg3[%dma_wait3A_61] : memref<320000xi32, #tpu.memory_space<hbm>> -> memref<6400xi32, #tpu.memory_space<hbm>>
      %dma_wait3A_63 = arith.constant 0 : i32
      %dma_wait3A_64 = tpu.memref_slice %arg3[%dma_wait3A_63] : memref<320000xi32, #tpu.memory_space<hbm>> -> memref<6400xi32, #tpu.memory_space<hbm>>
      tpu.wait_dma2 semaphore(%arg13 : memref<!tpu.dma_semaphore, #tpu.memory_space<semaphore_mem>>) src(%dma_wait3A_64 : memref<6400xi32, #tpu.memory_space<hbm>>) dst(%arg9 : memref<6400xi32, #tpu.memory_space<vmem>>)
      %dma_wait3A_65 = arith.constant 0 : i32
      %dma_wait3A_66 = tpu.memref_slice %arg4[%dma_wait3A_65] : memref<320000xf32, #tpu.memory_space<hbm>> -> memref<6400xf32, #tpu.memory_space<hbm>>
      %dma_wait3A_67 = arith.constant 0 : i32
      %dma_wait3A_68 = tpu.memref_slice %arg4[%dma_wait3A_67] : memref<320000xf32, #tpu.memory_space<hbm>> -> memref<6400xf32, #tpu.memory_space<hbm>>
      tpu.wait_dma2 semaphore(%arg13 : memref<!tpu.dma_semaphore, #tpu.memory_space<semaphore_mem>>) src(%dma_wait3A_68 : memref<6400xf32, #tpu.memory_space<hbm>>) dst(%arg11 : memref<6400xf32, #tpu.memory_space<vmem>>)
      %add3A_69 = arith.constant 1 : i32
      %add3A_70 = arith.addi %add3A_60, %add3A_69 : i32
      %rem3A_71 = arith.constant 50 : i32
      %rem3A_72 = arith.remsi %add3A_70, %rem3A_71 : i32
      %mul3A_73 = arith.constant 6400 : i32
      %mul3A_74 = arith.muli %rem3A_72, %mul3A_73 : i32
      %multiple_of3A_75 = tpu.assume_multiple %mul3A_74, 8 : i32
      %dma_start3A_76 = tpu.memref_slice %arg3[%multiple_of3A_75] : memref<320000xi32, #tpu.memory_space<hbm>> -> memref<6400xi32, #tpu.memory_space<hbm>>
      %dma_start3A_77 = tpu.memref_slice %arg3[%multiple_of3A_75] : memref<320000xi32, #tpu.memory_space<hbm>> -> memref<6400xi32, #tpu.memory_space<hbm>>
      tpu.enqueue_dma source(%dma_start3A_77 : memref<6400xi32, #tpu.memory_space<hbm>>) target(%arg8 : memref<6400xi32, #tpu.memory_space<vmem>>) target_semaphore(%arg12 : memref<!tpu.dma_semaphore, #tpu.memory_space<semaphore_mem>>)
      %dma_start3A_78 = tpu.memref_slice %arg4[%multiple_of3A_75] : memref<320000xf32, #tpu.memory_space<hbm>> -> memref<6400xf32, #tpu.memory_space<hbm>>
      %dma_start3A_79 = tpu.memref_slice %arg4[%multiple_of3A_75] : memref<320000xf32, #tpu.memory_space<hbm>> -> memref<6400xf32, #tpu.memory_space<hbm>>
      tpu.enqueue_dma source(%dma_start3A_79 : memref<6400xf32, #tpu.memory_space<hbm>>) target(%arg10 : memref<6400xf32, #tpu.memory_space<vmem>>) target_semaphore(%arg12 : memref<!tpu.dma_semaphore, #tpu.memory_space<semaphore_mem>>)
      %parallel_loop3A_80 = arith.constant 0 : i32
      %parallel_loop3A_81 = arith.constant 400 : i32
      %parallel_loop3A_82 = arith.constant 1 : i32
      scf.for %parallel_loop3A_83 = %parallel_loop3A_80 to %parallel_loop3A_81 step %parallel_loop3A_82  : i32 {
        %parallel_loop3A_84 = arith.constant 16 : i32
        %parallel_loop3A_85 = arith.muli %parallel_loop3A_83, %parallel_loop3A_84 : i32
        %parallel_loop3A_86 = tpu.assume_multiple %parallel_loop3A_85, 8 : i32
        %parallel_loop3A_87 = arith.index_cast %parallel_loop3A_86 : i32 to index
        %parallel_loop3A_88 = tpu.vector_load %arg9[%parallel_loop3A_87] {strides = array<i32>} : memref<6400xi32, #tpu.memory_space<vmem>>, vector<16xi32>,
        %parallel_loop3A_89 = arith.index_cast %parallel_loop3A_86 : i32 to index
        %parallel_loop3A_90 = tpu.vector_load %arg11[%parallel_loop3A_89] {strides = array<i32>} : memref<6400xf32, #tpu.memory_space<vmem>>, vector<16xf32>,
        %parallel_loop3A_91 = arith.constant 14 : i32
        %parallel_loop3A_92 = vector.broadcast %parallel_loop3A_91 : i32 to vector<16xi32>
        %parallel_loop3A_93 = arith.shrui %parallel_loop3A_88, %parallel_loop3A_92 : vector<16xi32>
        %parallel_loop3A_94 = arith.constant 16383 : i32
        %parallel_loop3A_95 = vector.broadcast %parallel_loop3A_94 : i32 to vector<16xi32>
        %parallel_loop3A_96 = arith.andi %parallel_loop3A_88, %parallel_loop3A_95 : vector<16xi32>
        %parallel_loop3A_97 = arith.constant 0 : i32
        %parallel_loop3A_98 = vector.broadcast %parallel_loop3A_97 : i32 to vector<16xi32>
        %parallel_loop3A_99 = arith.addi %parallel_loop3A_93, %parallel_loop3A_98 : vector<16xi32>
        %parallel_loop3A_100 = tpu.vector_load_idx %arg6[%parallel_loop3A_99] : memref<20480xi32, #tpu.memory_space<vmem>>[vector<16xi32>], vector<16xi32>,
        %parallel_loop3A_101 = vector.bitcast %parallel_loop3A_100 : vector<16xi32> to vector<32xbf16>
        %parallel_loop3A_102 = tpu.unpack_subelements %parallel_loop3A_101, 0 {pack_format = #tpu.pack_format<interleaved>} : vector<32xbf16> -> vector<16xf32>
        %parallel_loop3A_103 = tpu.unpack_subelements %parallel_loop3A_101, 1 {pack_format = #tpu.pack_format<interleaved>} : vector<32xbf16> -> vector<16xf32>
        %parallel_loop3A_104 = arith.constant 0 : i32
        %parallel_loop3A_105 = vector.broadcast %parallel_loop3A_104 : i32 to vector<16xi32>
        %parallel_loop3A_106 = arith.addi %parallel_loop3A_96, %parallel_loop3A_105 : vector<16xi32>
        %parallel_loop3A_107 = arith.mulf %parallel_loop3A_102, %parallel_loop3A_90 : vector<16xf32>
        tpu.vector_store_idx %arg7[%parallel_loop3A_106], %parallel_loop3A_107 {add = true} : memref<40960xf32, #tpu.memory_space<vmem>>[vector<16xi32>], vector<16xf32>,
        %parallel_loop3A_108 = arith.constant 10240 : i32
        %parallel_loop3A_109 = vector.broadcast %parallel_loop3A_108 : i32 to vector<16xi32>
        %parallel_loop3A_110 = arith.addi %parallel_loop3A_96, %parallel_loop3A_109 : vector<16xi32>
        %parallel_loop3A_111 = arith.mulf %parallel_loop3A_103, %parallel_loop3A_90 : vector<16xf32>
        tpu.vector_store_idx %arg7[%parallel_loop3A_110], %parallel_loop3A_111 {add = true} : memref<40960xf32, #tpu.memory_space<vmem>>[vector<16xi32>], vector<16xf32>,
        %parallel_loop3A_112 = arith.constant 10240 : i32
        %parallel_loop3A_113 = vector.broadcast %parallel_loop3A_112 : i32 to vector<16xi32>
        %parallel_loop3A_114 = arith.addi %parallel_loop3A_93, %parallel_loop3A_113 : vector<16xi32>
        %parallel_loop3A_115 = tpu.vector_load_idx %arg6[%parallel_loop3A_114] : memref<20480xi32, #tpu.memory_space<vmem>>[vector<16xi32>], vector<16xi32>,
        %parallel_loop3A_116 = vector.bitcast %parallel_loop3A_115 : vector<16xi32> to vector<32xbf16>
        %parallel_loop3A_117 = tpu.unpack_subelements %parallel_loop3A_116, 0 {pack_format = #tpu.pack_format<interleaved>} : vector<32xbf16> -> vector<16xf32>
        %parallel_loop3A_118 = tpu.unpack_subelements %parallel_loop3A_116, 1 {pack_format = #tpu.pack_format<interleaved>} : vector<32xbf16> -> vector<16xf32>
        %parallel_loop3A_119 = arith.constant 20480 : i32
        %parallel_loop3A_120 = vector.broadcast %parallel_loop3A_119 : i32 to vector<16xi32>
        %parallel_loop3A_121 = arith.addi %parallel_loop3A_96, %parallel_loop3A_120 : vector<16xi32>
        %parallel_loop3A_122 = arith.mulf %parallel_loop3A_117, %parallel_loop3A_90 : vector<16xf32>
        tpu.vector_store_idx %arg7[%parallel_loop3A_121], %parallel_loop3A_122 {add = true} : memref<40960xf32, #tpu.memory_space<vmem>>[vector<16xi32>], vector<16xf32>,
        %parallel_loop3A_123 = arith.constant 30720 : i32
        %parallel_loop3A_124 = vector.broadcast %parallel_loop3A_123 : i32 to vector<16xi32>
        %parallel_loop3A_125 = arith.addi %parallel_loop3A_96, %parallel_loop3A_124 : vector<16xi32>
        %parallel_loop3A_126 = arith.mulf %parallel_loop3A_118, %parallel_loop3A_90 : vector<16xf32>
        tpu.vector_store_idx %arg7[%parallel_loop3A_125], %parallel_loop3A_126 {add = true} : memref<40960xf32, #tpu.memory_space<vmem>>[vector<16xi32>], vector<16xf32>,
      } {sc.loop_unroll_factor = 8 : i64, sc.parallel_access}
    }
    %scan3A_22 = arith.constant 25 : i32
    %dma_wait3A_23 = arith.constant 0 : i32
    %dma_wait3A_24 = tpu.memref_slice %arg3[%dma_wait3A_23] : memref<320000xi32, #tpu.memory_space<hbm>> -> memref<6400xi32, #tpu.memory_space<hbm>>
    %dma_wait3A_25 = arith.constant 0 : i32
    %dma_wait3A_26 = tpu.memref_slice %arg3[%dma_wait3A_25] : memref<320000xi32, #tpu.memory_space<hbm>> -> memref<6400xi32, #tpu.memory_space<hbm>>
    tpu.wait_dma2 semaphore(%arg12 : memref<!tpu.dma_semaphore, #tpu.memory_space<semaphore_mem>>) src(%dma_wait3A_26 : memref<6400xi32, #tpu.memory_space<hbm>>) dst(%arg8 : memref<6400xi32, #tpu.memory_space<vmem>>)
    %dma_wait3A_27 = arith.constant 0 : i32
    %dma_wait3A_28 = tpu.memref_slice %arg4[%dma_wait3A_27] : memref<320000xf32, #tpu.memory_space<hbm>> -> memref<6400xf32, #tpu.memory_space<hbm>>
    %dma_wait3A_29 = arith.constant 0 : i32
    %dma_wait3A_30 = tpu.memref_slice %arg4[%dma_wait3A_29] : memref<320000xf32, #tpu.memory_space<hbm>> -> memref<6400xf32, #tpu.memory_space<hbm>>
    tpu.wait_dma2 semaphore(%arg12 : memref<!tpu.dma_semaphore, #tpu.memory_space<semaphore_mem>>) src(%dma_wait3A_30 : memref<6400xf32, #tpu.memory_space<hbm>>) dst(%arg10 : memref<6400xf32, #tpu.memory_space<vmem>>)
    "tpu.region"() ({
      %run_scoped3A = tpu.sem_alloc : memref<!tpu.dma_semaphore, #tpu.memory_space<semaphore_mem>>
      %dma_start3A_31 = tpu.memref_slice %arg5[%multiple_of3A_5] : memref<1310720xf32, #tpu.memory_space<hbm>> -> memref<40960xf32, #tpu.memory_space<hbm>>
      %dma_start3A_32 = tpu.memref_slice %arg5[%multiple_of3A_5] : memref<1310720xf32, #tpu.memory_space<hbm>> -> memref<40960xf32, #tpu.memory_space<hbm>>
      tpu.enqueue_dma source(%arg7 : memref<40960xf32, #tpu.memory_space<vmem>>) target(%dma_start3A_32 : memref<40960xf32, #tpu.memory_space<hbm>>) target_semaphore(%run_scoped3A : memref<!tpu.dma_semaphore, #tpu.memory_space<semaphore_mem>>)
      %dma_wait3A_33 = tpu.memref_slice %arg5[%multiple_of3A_5] : memref<1310720xf32, #tpu.memory_space<hbm>> -> memref<40960xf32, #tpu.memory_space<hbm>>
      %dma_wait3A_34 = tpu.memref_slice %arg5[%multiple_of3A_5] : memref<1310720xf32, #tpu.memory_space<hbm>> -> memref<40960xf32, #tpu.memory_space<hbm>>
      tpu.wait_dma2 semaphore(%run_scoped3A : memref<!tpu.dma_semaphore, #tpu.memory_space<semaphore_mem>>) src(%arg7 : memref<40960xf32, #tpu.memory_space<vmem>>) dst(%dma_wait3A_34 : memref<40960xf32, #tpu.memory_space<hbm>>)
      tpu.yield
    }) : () -> ()
    return
  }
}

module attributes {stable_mosaic.version = 14 : i64} {
  func.func @_pre1_body(%arg0: i32, %arg1: memref<1024x128xf32, #tpu.memory_space<vmem>>, %arg2: memref<128x128xf32, #tpu.memory_space<vmem>>, %arg3: memref<128x64xf32, #tpu.memory_space<vmem>>, %arg4: memref<128x64xf32, #tpu.memory_space<vmem>>, %arg5: memref<128x1xf32, #tpu.memory_space<vmem>>, %arg6: memref<128x1xf32, #tpu.memory_space<vmem>>, %arg7: memref<128x1024xf32, #tpu.memory_space<vmem>>, %arg8: memref<64x1024xi32, #tpu.memory_space<vmem>>, %arg9: memref<1x1024xf32, #tpu.memory_space<vmem>>, %arg10: memref<1x1024xf32, #tpu.memory_space<vmem>>, %arg11: memref<1x1024xf32, #tpu.memory_space<vmem>>) attributes {dimension_semantics = [#tpu.dimension_semantics<arbitrary>], iteration_bounds = array<i64: 10>, scalar_prefetch = 0 : i64, scratch_operands = 0 : i64, tpu.core_type = #tpu.core_type<tc>, window_params = [{transform_indices = @transform_0, window_bounds = array<i64: 1024, 128>}, {pipeline_mode = #tpu.pipeline_mode<synchronous>, transform_indices = @transform_1, window_bounds = array<i64: 128, 128>}, {pipeline_mode = #tpu.pipeline_mode<synchronous>, transform_indices = @transform_2, window_bounds = array<i64: 128, 64>}, {pipeline_mode = #tpu.pipeline_mode<synchronous>, transform_indices = @transform_3, window_bounds = array<i64: 128, 64>}, {pipeline_mode = #tpu.pipeline_mode<synchronous>, transform_indices = @transform_4, window_bounds = array<i64: 128, 1>}, {pipeline_mode = #tpu.pipeline_mode<synchronous>, transform_indices = @transform_5, window_bounds = array<i64: 128, 1>}, {transform_indices = @transform_6, window_bounds = array<i64: 128, 1024>}, {transform_indices = @transform_7, window_bounds = array<i64: 64, 1024>}, {transform_indices = @transform_8, window_bounds = array<i64: 1, 1024>}, {transform_indices = @transform_9, window_bounds = array<i64: 1, 1024>}, {transform_indices = @transform_10, window_bounds = array<i64: 1, 1024>}]} {
    %get3A = arith.constant 0 : index
    %get3A_0 = arith.constant 0 : index
    %get3A_1 = vector.load %arg1[%get3A, %get3A_0] : memref<1024x128xf32, #tpu.memory_space<vmem>>, vector<1024x128xf32>
    %get3A_2 = arith.constant 0 : index
    %get3A_3 = arith.constant 0 : index
    %get3A_4 = vector.load %arg2[%get3A_2, %get3A_3] : memref<128x128xf32, #tpu.memory_space<vmem>>, vector<128x128xf32>
    %dot_general3A = arith.constant dense<0.000000e+00> : vector<128x1024xf32>
    %dot_general3A_5 = tpu.matmul %get3A_4, %get3A_1, %dot_general3A {dimension_numbers = #tpu.dot_dimension_numbers<[0], [1], [1], [0], [0, 1, 1, 0], [], []>, transpose_lhs_hint = false} : vector<128x128xf32>, vector<1024x128xf32>, vector<128x1024xf32> -> vector<128x1024xf32>
    %get3A_6 = arith.constant 0 : index
    %get3A_7 = arith.constant 0 : index
    %get3A_8 = vector.load %arg3[%get3A_6, %get3A_7] : memref<128x64xf32, #tpu.memory_space<vmem>>, vector<128x64xf32>
    %dot_general3A_9 = arith.constant dense<0.000000e+00> : vector<64x1024xf32>
    %dot_general3A_10 = tpu.matmul %get3A_8, %get3A_1, %dot_general3A_9 {dimension_numbers = #tpu.dot_dimension_numbers<[0], [1], [1], [0], [0, 1, 1, 0], [], []>, transpose_lhs_hint = false} : vector<128x64xf32>, vector<1024x128xf32>, vector<64x1024xf32> -> vector<64x1024xf32>
    %get3A_11 = arith.constant 0 : index
    %get3A_12 = arith.constant 0 : index
    %get3A_13 = vector.load %arg4[%get3A_11, %get3A_12] : memref<128x64xf32, #tpu.memory_space<vmem>>, vector<128x64xf32>
    %dot_general3A_14 = arith.constant dense<0.000000e+00> : vector<64x1024xf32>
    %dot_general3A_15 = tpu.matmul %get3A_13, %get3A_1, %dot_general3A_14 {dimension_numbers = #tpu.dot_dimension_numbers<[0], [1], [1], [0], [0, 1, 1, 0], [], []>, transpose_lhs_hint = false} : vector<128x64xf32>, vector<1024x128xf32>, vector<64x1024xf32> -> vector<64x1024xf32>
    %swap3A = arith.constant 0 : index
    %swap3A_16 = arith.constant 0 : index
    %swap3A_17 = vector.load %arg7[%swap3A, %swap3A_16] : memref<128x1024xf32, #tpu.memory_space<vmem>>, vector<128x1024xf32>
    tpu.vector_store %arg7[%swap3A, %swap3A_16], %dot_general3A_5 {strides = array<i32>} : memref<128x1024xf32, #tpu.memory_space<vmem>>, vector<128x1024xf32>,
    %convert_element_type3A = arith.truncf %dot_general3A_10 : vector<64x1024xf32> to vector<64x1024xbf16>
    %bitcast_convert_type3A = tpu.bitcast %convert_element_type3A : vector<64x1024xbf16> -> vector<64x1024xi16>
    %convert_element_type3A_18 = arith.truncf %dot_general3A_15 : vector<64x1024xf32> to vector<64x1024xbf16>
    %bitcast_convert_type3A_19 = tpu.bitcast %convert_element_type3A_18 : vector<64x1024xbf16> -> vector<64x1024xi16>
    %convert_element_type3A_20 = arith.extsi %bitcast_convert_type3A : vector<64x1024xi16> to vector<64x1024xi32>
    %and3A = arith.constant 65535 : i32
    %and3A_21 = vector.broadcast %and3A : i32 to vector<64x1024xi32>
    %and3A_22 = arith.andi %convert_element_type3A_20, %and3A_21 : vector<64x1024xi32>
    %convert_element_type3A_23 = arith.extsi %bitcast_convert_type3A_19 : vector<64x1024xi16> to vector<64x1024xi32>
    %shift_left3A = arith.constant 16 : i32
    %shift_left3A_24 = vector.broadcast %shift_left3A : i32 to vector<64x1024xi32>
    %shift_left3A_25 = arith.shli %convert_element_type3A_23, %shift_left3A_24 : vector<64x1024xi32>
    %or3A = arith.ori %and3A_22, %shift_left3A_25 : vector<64x1024xi32>
    %swap3A_26 = arith.constant 0 : index
    %swap3A_27 = arith.constant 0 : index
    %swap3A_28 = vector.load %arg8[%swap3A_26, %swap3A_27] : memref<64x1024xi32, #tpu.memory_space<vmem>>, vector<64x1024xi32>
    tpu.vector_store %arg8[%swap3A_26, %swap3A_27], %or3A {strides = array<i32>} : memref<64x1024xi32, #tpu.memory_space<vmem>>, vector<64x1024xi32>,
    %get3A_29 = arith.constant 0 : index
    %get3A_30 = arith.constant 0 : index
    %get3A_31 = vector.load %arg5[%get3A_29, %get3A_30] : memref<128x1xf32, #tpu.memory_space<vmem>>, vector<128x1xf32>
    %mul3A = vector.broadcast %get3A_31 : vector<128x1xf32> to vector<128x1024xf32>
    %mul3A_32 = arith.mulf %dot_general3A_5, %mul3A : vector<128x1024xf32>
    %reduce_sum3A = arith.constant dense<0.000000e+00> : vector<1024xf32>
    %reduce_sum3A_33 = vector.multi_reduction <add>, %mul3A_32, %reduce_sum3A [0] : vector<128x1024xf32> to vector<1024xf32>
    %broadcast_in_dim3A = vector.shape_cast %reduce_sum3A_33 : vector<1024xf32> to vector<1x1024xf32>
    %get3A_34 = arith.constant 0 : index
    %get3A_35 = arith.constant 0 : index
    %get3A_36 = vector.load %arg6[%get3A_34, %get3A_35] : memref<128x1xf32, #tpu.memory_space<vmem>>, vector<128x1xf32>
    %mul3A_37 = vector.broadcast %get3A_36 : vector<128x1xf32> to vector<128x1024xf32>
    %mul3A_38 = arith.mulf %dot_general3A_5, %mul3A_37 : vector<128x1024xf32>
    %reduce_sum3A_39 = arith.constant dense<0.000000e+00> : vector<1024xf32>
    %reduce_sum3A_40 = vector.multi_reduction <add>, %mul3A_38, %reduce_sum3A_39 [0] : vector<128x1024xf32> to vector<1024xf32>
    %broadcast_in_dim3A_41 = vector.shape_cast %reduce_sum3A_40 : vector<1024xf32> to vector<1x1024xf32>
    %swap3A_42 = arith.constant 0 : index
    %swap3A_43 = arith.constant 0 : index
    %swap3A_44 = vector.load %arg9[%swap3A_42, %swap3A_43] : memref<1x1024xf32, #tpu.memory_space<vmem>>, vector<1x1024xf32>
    tpu.vector_store %arg9[%swap3A_42, %swap3A_43], %broadcast_in_dim3A {strides = array<i32>} : memref<1x1024xf32, #tpu.memory_space<vmem>>, vector<1x1024xf32>,
    %swap3A_45 = arith.constant 0 : index
    %swap3A_46 = arith.constant 0 : index
    %swap3A_47 = vector.load %arg10[%swap3A_45, %swap3A_46] : memref<1x1024xf32, #tpu.memory_space<vmem>>, vector<1x1024xf32>
    tpu.vector_store %arg10[%swap3A_45, %swap3A_46], %broadcast_in_dim3A_41 {strides = array<i32>} : memref<1x1024xf32, #tpu.memory_space<vmem>>, vector<1x1024xf32>,
    %add3A = arith.addf %broadcast_in_dim3A, %broadcast_in_dim3A_41 : vector<1x1024xf32>
    %mul3A_48 = arith.constant 2.000000e-01 : f32
    %mul3A_49 = vector.broadcast %mul3A_48 : f32 to vector<1x1024xf32>
    %mul3A_50 = arith.mulf %mul3A_49, %add3A : vector<1x1024xf32>
    %max3A = arith.maximumf %add3A, %mul3A_50 : vector<1x1024xf32>
    %exp3A = math.exp %max3A : vector<1x1024xf32>
    %swap3A_51 = arith.constant 0 : index
    %swap3A_52 = arith.constant 0 : index
    %swap3A_53 = vector.load %arg11[%swap3A_51, %swap3A_52] : memref<1x1024xf32, #tpu.memory_space<vmem>>, vector<1x1024xf32>
    tpu.vector_store %arg11[%swap3A_51, %swap3A_52], %exp3A {strides = array<i32>} : memref<1x1024xf32, #tpu.memory_space<vmem>>, vector<1x1024xf32>,
    return
  }
  func.func @transform_0(%arg0: i32) -> (i32, i32) {
    %c0_i32 = arith.constant 0 : i32
    %c0_i32_0 = arith.constant 0 : i32
    return %arg0, %c0_i32 : i32, i32
  }
  func.func @transform_1(%arg0: i32) -> (i32, i32) {
    %c0_i32 = arith.constant 0 : i32
    %c0_i32_0 = arith.constant 0 : i32
    %c0_i32_1 = arith.constant 0 : i32
    return %c0_i32, %c0_i32_0 : i32, i32
  }
  func.func @transform_2(%arg0: i32) -> (i32, i32) {
    %c0_i32 = arith.constant 0 : i32
    %c0_i32_0 = arith.constant 0 : i32
    %c0_i32_1 = arith.constant 0 : i32
    return %c0_i32, %c0_i32_0 : i32, i32
  }
  func.func @transform_3(%arg0: i32) -> (i32, i32) {
    %c0_i32 = arith.constant 0 : i32
    %c0_i32_0 = arith.constant 0 : i32
    %c0_i32_1 = arith.constant 0 : i32
    return %c0_i32, %c0_i32_0 : i32, i32
  }
  func.func @transform_4(%arg0: i32) -> (i32, i32) {
    %c0_i32 = arith.constant 0 : i32
    %c0_i32_0 = arith.constant 0 : i32
    %c0_i32_1 = arith.constant 0 : i32
    return %c0_i32, %c0_i32_0 : i32, i32
  }
  func.func @transform_5(%arg0: i32) -> (i32, i32) {
    %c0_i32 = arith.constant 0 : i32
    %c0_i32_0 = arith.constant 0 : i32
    %c0_i32_1 = arith.constant 0 : i32
    return %c0_i32, %c0_i32_0 : i32, i32
  }
  func.func @transform_6(%arg0: i32) -> (i32, i32) {
    %c0_i32 = arith.constant 0 : i32
    %c0_i32_0 = arith.constant 0 : i32
    return %c0_i32, %arg0 : i32, i32
  }
  func.func @transform_7(%arg0: i32) -> (i32, i32) {
    %c0_i32 = arith.constant 0 : i32
    %c0_i32_0 = arith.constant 0 : i32
    return %c0_i32, %arg0 : i32, i32
  }
  func.func @transform_8(%arg0: i32) -> (i32, i32) {
    %c0_i32 = arith.constant 0 : i32
    %c0_i32_0 = arith.constant 0 : i32
    return %c0_i32, %arg0 : i32, i32
  }
  func.func @transform_9(%arg0: i32) -> (i32, i32) {
    %c0_i32 = arith.constant 0 : i32
    %c0_i32_0 = arith.constant 0 : i32
    return %c0_i32, %arg0 : i32, i32
  }
  func.func @transform_10(%arg0: i32) -> (i32, i32) {
    %c0_i32 = arith.constant 0 : i32
    %c0_i32_0 = arith.constant 0 : i32
    return %c0_i32, %arg0 : i32, i32
  }
}

module attributes {stable_mosaic.version = 14 : i64} {
  func.func @_epi_body(%arg0: i32, %arg1: memref<128x1024xf32, #tpu.memory_space<vmem>>, %arg2: memref<128x1024xf32, #tpu.memory_space<vmem>>, %arg3: memref<1x1024xf32, #tpu.memory_space<vmem>>, %arg4: memref<32x1024xf32, #tpu.memory_space<vmem>>, %arg5: memref<128x1xf32, #tpu.memory_space<vmem>>, %arg6: memref<1024x128xf32, #tpu.memory_space<vmem>>) attributes {dimension_semantics = [#tpu.dimension_semantics<arbitrary>], iteration_bounds = array<i64: 10>, scalar_prefetch = 0 : i64, scratch_operands = 0 : i64, tpu.core_type = #tpu.core_type<tc>, window_params = [{transform_indices = @transform_0, window_bounds = array<i64: 128, 1024>}, {transform_indices = @transform_1, window_bounds = array<i64: 128, 1024>}, {transform_indices = @transform_2, window_bounds = array<i64: 1, 1024>}, {transform_indices = @transform_3, window_bounds = array<i64: 32, 1024>}, {pipeline_mode = #tpu.pipeline_mode<synchronous>, transform_indices = @transform_4, window_bounds = array<i64: 128, 1>}, {transform_indices = @transform_5, window_bounds = array<i64: 1024, 128>}]} {
    %get3A = arith.constant 0 : index
    %get3A_0 = arith.constant 0 : index
    %get3A_1 = vector.load %arg3[%get3A, %get3A_0] : memref<1x1024xf32, #tpu.memory_space<vmem>>, vector<1x1024xf32>
    %get3A_2 = arith.constant 0 : index
    %get3A_3 = arith.constant 0 : index
    %get3A_4 = vector.load %arg4[%get3A_2, %get3A_3] : memref<32x1024xf32, #tpu.memory_space<vmem>>, vector<32x1024xf32>
    %reduce_sum3A = arith.constant dense<0.000000e+00> : vector<1024xf32>
    %reduce_sum3A_5 = vector.multi_reduction <add>, %get3A_4, %reduce_sum3A [0] : vector<32x1024xf32> to vector<1024xf32>
    %broadcast_in_dim3A = vector.shape_cast %reduce_sum3A_5 : vector<1024xf32> to vector<1x1024xf32>
    %add3A = arith.addf %broadcast_in_dim3A, %get3A_1 : vector<1x1024xf32>
    %get3A_6 = arith.constant 0 : index
    %get3A_7 = arith.constant 0 : index
    %get3A_8 = vector.load %arg1[%get3A_6, %get3A_7] : memref<128x1024xf32, #tpu.memory_space<vmem>>, vector<128x1024xf32>
    %get3A_9 = arith.constant 0 : index
    %get3A_10 = arith.constant 0 : index
    %get3A_11 = vector.load %arg2[%get3A_9, %get3A_10] : memref<128x1024xf32, #tpu.memory_space<vmem>>, vector<128x1024xf32>
    %mul3A = vector.broadcast %get3A_1 : vector<1x1024xf32> to vector<128x1024xf32>
    %mul3A_12 = arith.mulf %mul3A, %get3A_11 : vector<128x1024xf32>
    %add3A_13 = arith.addf %get3A_8, %mul3A_12 : vector<128x1024xf32>
    %add3A_14 = arith.constant 1.000000e-16 : f32
    %add3A_15 = vector.broadcast %add3A_14 : f32 to vector<1x1024xf32>
    %add3A_16 = arith.addf %add3A, %add3A_15 : vector<1x1024xf32>
    %div3A = vector.broadcast %add3A_16 : vector<1x1024xf32> to vector<128x1024xf32>
    %div3A_17 = arith.divf %add3A_13, %div3A : vector<128x1024xf32>
    %get3A_18 = arith.constant 0 : index
    %get3A_19 = arith.constant 0 : index
    %get3A_20 = vector.load %arg5[%get3A_18, %get3A_19] : memref<128x1xf32, #tpu.memory_space<vmem>>, vector<128x1xf32>
    %add3A_21 = vector.broadcast %get3A_20 : vector<128x1xf32> to vector<128x1024xf32>
    %add3A_22 = arith.addf %div3A_17, %add3A_21 : vector<128x1024xf32>
    %transpose3A = tpu.transpose %add3A_22, [1, 0] : vector<128x1024xf32> -> vector<1024x128xf32>
    %swap3A = arith.constant 0 : index
    %swap3A_23 = arith.constant 0 : index
    %swap3A_24 = vector.load %arg6[%swap3A, %swap3A_23] : memref<1024x128xf32, #tpu.memory_space<vmem>>, vector<1024x128xf32>
    tpu.vector_store %arg6[%swap3A, %swap3A_23], %transpose3A {strides = array<i32>} : memref<1024x128xf32, #tpu.memory_space<vmem>>, vector<1024x128xf32>,
    return
  }
  func.func @transform_0(%arg0: i32) -> (i32, i32) {
    %c0_i32 = arith.constant 0 : i32
    %c0_i32_0 = arith.constant 0 : i32
    return %c0_i32, %arg0 : i32, i32
  }
  func.func @transform_1(%arg0: i32) -> (i32, i32) {
    %c0_i32 = arith.constant 0 : i32
    %c0_i32_0 = arith.constant 0 : i32
    return %c0_i32, %arg0 : i32, i32
  }
  func.func @transform_2(%arg0: i32) -> (i32, i32) {
    %c0_i32 = arith.constant 0 : i32
    %c0_i32_0 = arith.constant 0 : i32
    return %c0_i32, %arg0 : i32, i32
  }
  func.func @transform_3(%arg0: i32) -> (i32, i32) {
    %c0_i32 = arith.constant 0 : i32
    %c0_i32_0 = arith.constant 0 : i32
    return %c0_i32, %arg0 : i32, i32
  }
  func.func @transform_4(%arg0: i32) -> (i32, i32) {
    %c0_i32 = arith.constant 0 : i32
    %c0_i32_0 = arith.constant 0 : i32
    %c0_i32_1 = arith.constant 0 : i32
    return %c0_i32, %c0_i32_0 : i32, i32
  }
  func.func @transform_5(%arg0: i32) -> (i32, i32) {
    %c0_i32 = arith.constant 0 : i32
    %c0_i32_0 = arith.constant 0 : i32
    return %arg0, %c0_i32 : i32, i32
  }
}

module attributes {stable_mosaic.version = 14 : i64} {
  func.func @_epi_pre_body(%arg0: i32, %arg1: memref<128x1024xf32, #tpu.memory_space<vmem>>, %arg2: memref<128x1024xf32, #tpu.memory_space<vmem>>, %arg3: memref<1x1024xf32, #tpu.memory_space<vmem>>, %arg4: memref<32x1024xf32, #tpu.memory_space<vmem>>, %arg5: memref<128x1xf32, #tpu.memory_space<vmem>>, %arg6: memref<128x128xf32, #tpu.memory_space<vmem>>, %arg7: memref<128x64xf32, #tpu.memory_space<vmem>>, %arg8: memref<128x64xf32, #tpu.memory_space<vmem>>, %arg9: memref<128x1xf32, #tpu.memory_space<vmem>>, %arg10: memref<128x1xf32, #tpu.memory_space<vmem>>, %arg11: memref<128x1024xf32, #tpu.memory_space<vmem>>, %arg12: memref<64x1024xi32, #tpu.memory_space<vmem>>, %arg13: memref<1x1024xf32, #tpu.memory_space<vmem>>, %arg14: memref<1x1024xf32, #tpu.memory_space<vmem>>, %arg15: memref<1x1024xf32, #tpu.memory_space<vmem>>) attributes {dimension_semantics = [#tpu.dimension_semantics<arbitrary>], iteration_bounds = array<i64: 10>, scalar_prefetch = 0 : i64, scratch_operands = 0 : i64, tpu.core_type = #tpu.core_type<tc>, window_params = [{transform_indices = @transform_0, window_bounds = array<i64: 128, 1024>}, {transform_indices = @transform_1, window_bounds = array<i64: 128, 1024>}, {transform_indices = @transform_2, window_bounds = array<i64: 1, 1024>}, {transform_indices = @transform_3, window_bounds = array<i64: 32, 1024>}, {pipeline_mode = #tpu.pipeline_mode<synchronous>, transform_indices = @transform_4, window_bounds = array<i64: 128, 1>}, {pipeline_mode = #tpu.pipeline_mode<synchronous>, transform_indices = @transform_5, window_bounds = array<i64: 128, 128>}, {pipeline_mode = #tpu.pipeline_mode<synchronous>, transform_indices = @transform_6, window_bounds = array<i64: 128, 64>}, {pipeline_mode = #tpu.pipeline_mode<synchronous>, transform_indices = @transform_7, window_bounds = array<i64: 128, 64>}, {pipeline_mode = #tpu.pipeline_mode<synchronous>, transform_indices = @transform_8, window_bounds = array<i64: 128, 1>}, {pipeline_mode = #tpu.pipeline_mode<synchronous>, transform_indices = @transform_9, window_bounds = array<i64: 128, 1>}, {transform_indices = @transform_10, window_bounds = array<i64: 128, 1024>}, {transform_indices = @transform_11, window_bounds = array<i64: 64, 1024>}, {transform_indices = @transform_12, window_bounds = array<i64: 1, 1024>}, {transform_indices = @transform_13, window_bounds = array<i64: 1, 1024>}, {transform_indices = @transform_14, window_bounds = array<i64: 1, 1024>}]} {
    %get3A = arith.constant 0 : index
    %get3A_0 = arith.constant 0 : index
    %get3A_1 = vector.load %arg3[%get3A, %get3A_0] : memref<1x1024xf32, #tpu.memory_space<vmem>>, vector<1x1024xf32>
    %get3A_2 = arith.constant 0 : index
    %get3A_3 = arith.constant 0 : index
    %get3A_4 = vector.load %arg4[%get3A_2, %get3A_3] : memref<32x1024xf32, #tpu.memory_space<vmem>>, vector<32x1024xf32>
    %reduce_sum3A = arith.constant dense<0.000000e+00> : vector<1024xf32>
    %reduce_sum3A_5 = vector.multi_reduction <add>, %get3A_4, %reduce_sum3A [0] : vector<32x1024xf32> to vector<1024xf32>
    %broadcast_in_dim3A = vector.shape_cast %reduce_sum3A_5 : vector<1024xf32> to vector<1x1024xf32>
    %add3A = arith.addf %broadcast_in_dim3A, %get3A_1 : vector<1x1024xf32>
    %get3A_6 = arith.constant 0 : index
    %get3A_7 = arith.constant 0 : index
    %get3A_8 = vector.load %arg1[%get3A_6, %get3A_7] : memref<128x1024xf32, #tpu.memory_space<vmem>>, vector<128x1024xf32>
    %get3A_9 = arith.constant 0 : index
    %get3A_10 = arith.constant 0 : index
    %get3A_11 = vector.load %arg2[%get3A_9, %get3A_10] : memref<128x1024xf32, #tpu.memory_space<vmem>>, vector<128x1024xf32>
    %mul3A = vector.broadcast %get3A_1 : vector<1x1024xf32> to vector<128x1024xf32>
    %mul3A_12 = arith.mulf %mul3A, %get3A_11 : vector<128x1024xf32>
    %add3A_13 = arith.addf %get3A_8, %mul3A_12 : vector<128x1024xf32>
    %add3A_14 = arith.constant 1.000000e-16 : f32
    %add3A_15 = vector.broadcast %add3A_14 : f32 to vector<1x1024xf32>
    %add3A_16 = arith.addf %add3A, %add3A_15 : vector<1x1024xf32>
    %div3A = vector.broadcast %add3A_16 : vector<1x1024xf32> to vector<128x1024xf32>
    %div3A_17 = arith.divf %add3A_13, %div3A : vector<128x1024xf32>
    %get3A_18 = arith.constant 0 : index
    %get3A_19 = arith.constant 0 : index
    %get3A_20 = vector.load %arg5[%get3A_18, %get3A_19] : memref<128x1xf32, #tpu.memory_space<vmem>>, vector<128x1xf32>
    %add3A_21 = vector.broadcast %get3A_20 : vector<128x1xf32> to vector<128x1024xf32>
    %add3A_22 = arith.addf %div3A_17, %add3A_21 : vector<128x1024xf32>
    %max3A = arith.constant 0.000000e+00 : f32
    %max3A_23 = vector.broadcast %max3A : f32 to vector<128x1024xf32>
    %max3A_24 = arith.maximumf %add3A_22, %max3A_23 : vector<128x1024xf32>
    %get3A_25 = arith.constant 0 : index
    %get3A_26 = arith.constant 0 : index
    %get3A_27 = vector.load %arg6[%get3A_25, %get3A_26] : memref<128x128xf32, #tpu.memory_space<vmem>>, vector<128x128xf32>
    %dot_general3A = arith.constant dense<0.000000e+00> : vector<128x1024xf32>
    %dot_general3A_28 = tpu.matmul %get3A_27, %max3A_24, %dot_general3A {dimension_numbers = #tpu.dot_dimension_numbers<[0], [0], [1], [1], [0, 1, 1, 1], [], []>, transpose_lhs_hint = false} : vector<128x128xf32>, vector<128x1024xf32>, vector<128x1024xf32> -> vector<128x1024xf32>
    %get3A_29 = arith.constant 0 : index
    %get3A_30 = arith.constant 0 : index
    %get3A_31 = vector.load %arg7[%get3A_29, %get3A_30] : memref<128x64xf32, #tpu.memory_space<vmem>>, vector<128x64xf32>
    %dot_general3A_32 = arith.constant dense<0.000000e+00> : vector<64x1024xf32>
    %dot_general3A_33 = tpu.matmul %get3A_31, %max3A_24, %dot_general3A_32 {dimension_numbers = #tpu.dot_dimension_numbers<[0], [0], [1], [1], [0, 1, 1, 1], [], []>, transpose_lhs_hint = false} : vector<128x64xf32>, vector<128x1024xf32>, vector<64x1024xf32> -> vector<64x1024xf32>
    %get3A_34 = arith.constant 0 : index
    %get3A_35 = arith.constant 0 : index
    %get3A_36 = vector.load %arg8[%get3A_34, %get3A_35] : memref<128x64xf32, #tpu.memory_space<vmem>>, vector<128x64xf32>
    %dot_general3A_37 = arith.constant dense<0.000000e+00> : vector<64x1024xf32>
    %dot_general3A_38 = tpu.matmul %get3A_36, %max3A_24, %dot_general3A_37 {dimension_numbers = #tpu.dot_dimension_numbers<[0], [0], [1], [1], [0, 1, 1, 1], [], []>, transpose_lhs_hint = false} : vector<128x64xf32>, vector<128x1024xf32>, vector<64x1024xf32> -> vector<64x1024xf32>
    %swap3A = arith.constant 0 : index
    %swap3A_39 = arith.constant 0 : index
    %swap3A_40 = vector.load %arg11[%swap3A, %swap3A_39] : memref<128x1024xf32, #tpu.memory_space<vmem>>, vector<128x1024xf32>
    tpu.vector_store %arg11[%swap3A, %swap3A_39], %dot_general3A_28 {strides = array<i32>} : memref<128x1024xf32, #tpu.memory_space<vmem>>, vector<128x1024xf32>,
    %convert_element_type3A = arith.truncf %dot_general3A_33 : vector<64x1024xf32> to vector<64x1024xbf16>
    %bitcast_convert_type3A = tpu.bitcast %convert_element_type3A : vector<64x1024xbf16> -> vector<64x1024xi16>
    %convert_element_type3A_41 = arith.truncf %dot_general3A_38 : vector<64x1024xf32> to vector<64x1024xbf16>
    %bitcast_convert_type3A_42 = tpu.bitcast %convert_element_type3A_41 : vector<64x1024xbf16> -> vector<64x1024xi16>
    %convert_element_type3A_43 = arith.extsi %bitcast_convert_type3A : vector<64x1024xi16> to vector<64x1024xi32>
    %and3A = arith.constant 65535 : i32
    %and3A_44 = vector.broadcast %and3A : i32 to vector<64x1024xi32>
    %and3A_45 = arith.andi %convert_element_type3A_43, %and3A_44 : vector<64x1024xi32>
    %convert_element_type3A_46 = arith.extsi %bitcast_convert_type3A_42 : vector<64x1024xi16> to vector<64x1024xi32>
    %shift_left3A = arith.constant 16 : i32
    %shift_left3A_47 = vector.broadcast %shift_left3A : i32 to vector<64x1024xi32>
    %shift_left3A_48 = arith.shli %convert_element_type3A_46, %shift_left3A_47 : vector<64x1024xi32>
    %or3A = arith.ori %and3A_45, %shift_left3A_48 : vector<64x1024xi32>
    %swap3A_49 = arith.constant 0 : index
    %swap3A_50 = arith.constant 0 : index
    %swap3A_51 = vector.load %arg12[%swap3A_49, %swap3A_50] : memref<64x1024xi32, #tpu.memory_space<vmem>>, vector<64x1024xi32>
    tpu.vector_store %arg12[%swap3A_49, %swap3A_50], %or3A {strides = array<i32>} : memref<64x1024xi32, #tpu.memory_space<vmem>>, vector<64x1024xi32>,
    %get3A_52 = arith.constant 0 : index
    %get3A_53 = arith.constant 0 : index
    %get3A_54 = vector.load %arg9[%get3A_52, %get3A_53] : memref<128x1xf32, #tpu.memory_space<vmem>>, vector<128x1xf32>
    %mul3A_55 = vector.broadcast %get3A_54 : vector<128x1xf32> to vector<128x1024xf32>
    %mul3A_56 = arith.mulf %dot_general3A_28, %mul3A_55 : vector<128x1024xf32>
    %reduce_sum3A_57 = arith.constant dense<0.000000e+00> : vector<1024xf32>
    %reduce_sum3A_58 = vector.multi_reduction <add>, %mul3A_56, %reduce_sum3A_57 [0] : vector<128x1024xf32> to vector<1024xf32>
    %broadcast_in_dim3A_59 = vector.shape_cast %reduce_sum3A_58 : vector<1024xf32> to vector<1x1024xf32>
    %get3A_60 = arith.constant 0 : index
    %get3A_61 = arith.constant 0 : index
    %get3A_62 = vector.load %arg10[%get3A_60, %get3A_61] : memref<128x1xf32, #tpu.memory_space<vmem>>, vector<128x1xf32>
    %mul3A_63 = vector.broadcast %get3A_62 : vector<128x1xf32> to vector<128x1024xf32>
    %mul3A_64 = arith.mulf %dot_general3A_28, %mul3A_63 : vector<128x1024xf32>
    %reduce_sum3A_65 = arith.constant dense<0.000000e+00> : vector<1024xf32>
    %reduce_sum3A_66 = vector.multi_reduction <add>, %mul3A_64, %reduce_sum3A_65 [0] : vector<128x1024xf32> to vector<1024xf32>
    %broadcast_in_dim3A_67 = vector.shape_cast %reduce_sum3A_66 : vector<1024xf32> to vector<1x1024xf32>
    %swap3A_68 = arith.constant 0 : index
    %swap3A_69 = arith.constant 0 : index
    %swap3A_70 = vector.load %arg13[%swap3A_68, %swap3A_69] : memref<1x1024xf32, #tpu.memory_space<vmem>>, vector<1x1024xf32>
    tpu.vector_store %arg13[%swap3A_68, %swap3A_69], %broadcast_in_dim3A_59 {strides = array<i32>} : memref<1x1024xf32, #tpu.memory_space<vmem>>, vector<1x1024xf32>,
    %swap3A_71 = arith.constant 0 : index
    %swap3A_72 = arith.constant 0 : index
    %swap3A_73 = vector.load %arg14[%swap3A_71, %swap3A_72] : memref<1x1024xf32, #tpu.memory_space<vmem>>, vector<1x1024xf32>
    tpu.vector_store %arg14[%swap3A_71, %swap3A_72], %broadcast_in_dim3A_67 {strides = array<i32>} : memref<1x1024xf32, #tpu.memory_space<vmem>>, vector<1x1024xf32>,
    %add3A_74 = arith.addf %broadcast_in_dim3A_59, %broadcast_in_dim3A_67 : vector<1x1024xf32>
    %mul3A_75 = arith.constant 2.000000e-01 : f32
    %mul3A_76 = vector.broadcast %mul3A_75 : f32 to vector<1x1024xf32>
    %mul3A_77 = arith.mulf %mul3A_76, %add3A_74 : vector<1x1024xf32>
    %max3A_78 = arith.maximumf %add3A_74, %mul3A_77 : vector<1x1024xf32>
    %exp3A = math.exp %max3A_78 : vector<1x1024xf32>
    %swap3A_79 = arith.constant 0 : index
    %swap3A_80 = arith.constant 0 : index
    %swap3A_81 = vector.load %arg15[%swap3A_79, %swap3A_80] : memref<1x1024xf32, #tpu.memory_space<vmem>>, vector<1x1024xf32>
    tpu.vector_store %arg15[%swap3A_79, %swap3A_80], %exp3A {strides = array<i32>} : memref<1x1024xf32, #tpu.memory_space<vmem>>, vector<1x1024xf32>,
    return
  }
  func.func @transform_0(%arg0: i32) -> (i32, i32) {
    %c0_i32 = arith.constant 0 : i32
    %c0_i32_0 = arith.constant 0 : i32
    return %c0_i32, %arg0 : i32, i32
  }
  func.func @transform_1(%arg0: i32) -> (i32, i32) {
    %c0_i32 = arith.constant 0 : i32
    %c0_i32_0 = arith.constant 0 : i32
    return %c0_i32, %arg0 : i32, i32
  }
  func.func @transform_2(%arg0: i32) -> (i32, i32) {
    %c0_i32 = arith.constant 0 : i32
    %c0_i32_0 = arith.constant 0 : i32
    return %c0_i32, %arg0 : i32, i32
  }
  func.func @transform_3(%arg0: i32) -> (i32, i32) {
    %c0_i32 = arith.constant 0 : i32
    %c0_i32_0 = arith.constant 0 : i32
    return %c0_i32, %arg0 : i32, i32
  }
  func.func @transform_4(%arg0: i32) -> (i32, i32) {
    %c0_i32 = arith.constant 0 : i32
    %c0_i32_0 = arith.constant 0 : i32
    %c0_i32_1 = arith.constant 0 : i32
    return %c0_i32, %c0_i32_0 : i32, i32
  }
  func.func @transform_5(%arg0: i32) -> (i32, i32) {
    %c0_i32 = arith.constant 0 : i32
    %c0_i32_0 = arith.constant 0 : i32
    %c0_i32_1 = arith.constant 0 : i32
    return %c0_i32, %c0_i32_0 : i32, i32
  }
  func.func @transform_6(%arg0: i32) -> (i32, i32) {
    %c0_i32 = arith.constant 0 : i32
    %c0_i32_0 = arith.constant 0 : i32
    %c0_i32_1 = arith.constant 0 : i32
    return %c0_i32, %c0_i32_0 : i32, i32
  }
  func.func @transform_7(%arg0: i32) -> (i32, i32) {
    %c0_i32 = arith.constant 0 : i32
    %c0_i32_0 = arith.constant 0 : i32
    %c0_i32_1 = arith.constant 0 : i32
    return %c0_i32, %c0_i32_0 : i32, i32
  }
  func.func @transform_8(%arg0: i32) -> (i32, i32) {
    %c0_i32 = arith.constant 0 : i32
    %c0_i32_0 = arith.constant 0 : i32
    %c0_i32_1 = arith.constant 0 : i32
    return %c0_i32, %c0_i32_0 : i32, i32
  }
  func.func @transform_9(%arg0: i32) -> (i32, i32) {
    %c0_i32 = arith.constant 0 : i32
    %c0_i32_0 = arith.constant 0 : i32
    %c0_i32_1 = arith.constant 0 : i32
    return %c0_i32, %c0_i32_0 : i32, i32
  }
  func.func @transform_10(%arg0: i32) -> (i32, i32) {
    %c0_i32 = arith.constant 0 : i32
    %c0_i32_0 = arith.constant 0 : i32
    return %c0_i32, %arg0 : i32, i32
  }
  func.func @transform_11(%arg0: i32) -> (i32, i32) {
    %c0_i32 = arith.constant 0 : i32
    %c0_i32_0 = arith.constant 0 : i32
    return %c0_i32, %arg0 : i32, i32
  }
  func.func @transform_12(%arg0: i32) -> (i32, i32) {
    %c0_i32 = arith.constant 0 : i32
    %c0_i32_0 = arith.constant 0 : i32
    return %c0_i32, %arg0 : i32, i32
  }
  func.func @transform_13(%arg0: i32) -> (i32, i32) {
    %c0_i32 = arith.constant 0 : i32
    %c0_i32_0 = arith.constant 0 : i32
    return %c0_i32, %arg0 : i32, i32
  }
  func.func @transform_14(%arg0: i32) -> (i32, i32) {
    %c0_i32 = arith.constant 0 : i32
    %c0_i32_0 = arith.constant 0 : i32
    return %c0_i32, %arg0 : i32, i32
  }
}

</mosaic_0001>

<sc_bundles>
// kernel: kernel.12.cloned.1.call-start
scs
__scs_entry_jumppad:
0x0: {  	(pc) =	sbr.rel $0x88, $3  }
0x1: {  	(tag) =	ssettag $0x0;
	lr =	simm.s32 $0x1  }
0x2: {  	[smem:$0x3F97] =	sst lr;
	_ =	strace $0xD0000000  }
0x3: {  	_ = 	snop  }
0x4: {  	_ = 	snop  }
0x5: {  	_ = 	snop  }
0x6: {  	_ = 	snop  }
0x7: {  	_ = 	snop  }
__scs_overlays_trampoline_lowered:
0x8: {  	[smem:$0x3FA6] =	sst s0  }
0x9: {  	[smem:$0x3FA7] =	sst s1  }
0xa: {  	[smem:$0x3FA8] =	sst s2  }
0xb: {  	[smem:$0x3FA9] =	sst s3  }
0xc: {  	[smem:$0x3FAA] =	sst s4  }
0xd: {  	[smem:$0x3FAB] =	sst s5  }
0xe: {  	[smem:$0x3FAC] =	sst s6  }
0xf: {  	[smem:$0x3FAD] =	sst s7  }
0x10: {  	[smem:$0x3FAE] =	sst s8  }
0x11: {  	[smem:$0x3FAF] =	sst s9;
	s0 =	simm.s32 @!p0 $0x0  }
0x12: {  	s1 =	sld [smem:$0x3F95];
	s0 =	simm.s32 @p0 $0x1  }
0x13: {  	[smem:$0x3FB0] =	sst s0;
	s0 =	simm.s32 @!p1 $0x0  }
0x14: {  	s2 =	sld [smem:$0x3F94];
	s0 =	simm.s32 @p1 $0x1  }
0x15: {  	[smem:$0x3FB1] =	sst s0;
	s0 =	simm.s32 @!p2 $0x0  }
0x16: {  	s3 =	sld [smem:$0x3FDB];
	s0 =	simm.s32 @p2 $0x1  }
0x17: {  	s4 =	simm.s32 $0x1BF5;
	[smem:$0x3FB3] =	sst s0  }
0x18: {  	s0 =	sld [smem:$0x3F96];
	_ =	swait.ge [sflag:s4], $0x0  }
0x19: {  	s7 =	sld [smem:$0x3F97]  }
0x1a: {  	s8 =	sadd.s32 $0xFFFFE003, lr  }
0x1b: {  	s9 =	sadd.s32 $0xFFFFFEF7, lr;
	s5 =	simm.s32 $0xFFFFFFFF;
	p2 =	slt.u32 s8, $0xFFFFF086  }
0x1c: {  	p1 =	slt.u32 s9, $0xF7A;
	s5 =	simm.s32 @!p2 $0x0  }
0x1d: {  	s5 =	simm.s32 @p1 $0x1;
	p0 =	seq.s32 s7, s2  }
0x1e: {  	s7 =	smul.u32 @!p0 $0xF7A, s2;
	p2 =	seq.s32 @!p0 s5, $0x0  }
0x1f: {  	s9 =	smul.u32 $0xF7A, s1;
	s8 =	simm.s32 @!p0 $0x1BF5;
	p2 =	por !p2, p0  }
0x20: {  	[sflag:s8] =	ssyncset.s32 @!p0 $0xFFFFF086;
	s6 =	sadd.s32 @!p0 s3, s7;
	s7 =	simm.s32 @!p0 $0x108  }
0x21: {  	s3 =	sadd.s32 s3, s9;
	s6 =	sadd.s32 @!p0 $0x88, s6;
	s7 =	simm.s32 @p2 $0x1082  }
0x22: {  	[simem:s7], [sflag:s8] =	dma.local @!p0 [hbm:s6], $0xF7A  }
0x23: {  	s9 =	sor.u32 $0xD0000000, s2;
	s6 =	simm.s32 $0x108;
	_ =	swait.ge @!p0 [sflag:s8], $0x0  }
0x24: {  	s3 =	sadd.s32 $0x88, s3;
	s6 =	simm.s32 @!p1 $0x1082;
	[sflag:s4] =	ssyncset.s32 $0xFFFFF086  }
0x25: {  	[simem:s6], [sflag:s4] =	dma.local [hbm:s3], $0xF7A  }
0x26: {  	[smem:$0x3F97] =	sst s1;
	(tag) =	ssettag s2;
	_ =	strace s9  }
0x27: {  	s1 =	sld [smem:$0x3FA7]  }
0x28: {  	s2 =	sld [smem:$0x3FA8]  }
0x29: {  	s4 =	sld [smem:$0x3FAA]  }
0x2a: {  	p0 =	seq.s32 s5, $0x0;
	s5 =	sld [smem:$0x3FAB]  }
0x2b: {  	s6 =	sld [smem:$0x3FAC]  }
0x2c: {  	s7 =	sld [smem:$0x3FAD]  }
0x2d: {  	s3 =	simm.s32 $0x108;
	s8 =	sld [smem:$0x3FAE]  }
0x2e: {  	s3 =	simm.s32 @!p0 $0x1082;
	s9 =	sld [smem:$0x3FAF]  }
0x2f: {  	lr =	sadd.s32 s0, s3;
	s0 =	sld [smem:$0x3FA6]  }
0x30: {  	s3 =	sld [smem:$0x3FA9]  }
0x31: {  	[smem:$0x3FB2] =	sst s10  }
0x32: {  	s10 =	sld [smem:$0x3FB0];
	_ =	sdelay $0x3  }
0x33: {  	p0 =	seq.s32 s10, $0x1;
	s10 =	sld [smem:$0x3FB2];
	_ =	sdelay $0x3  }
0x34: {  	[smem:$0x3FB2] =	sst s10  }
0x35: {  	s10 =	sld [smem:$0x3FB1];
	_ =	sdelay $0x3  }
0x36: {  	p1 =	seq.s32 s10, $0x1;
	s10 =	sld [smem:$0x3FB2];
	_ =	sdelay $0x3  }
0x37: {  	[smem:$0x3FB2] =	sst s10  }
0x38: {  	s10 =	sld [smem:$0x3FB3]  }
0x39: {  	_ = 	snop;
	(pc) =	sbr.ind lr, $3  }
0x3a: {  	_ = 	snop  }
0x3b: {  	_ = 	snop  }
0x3c: {  	p2 =	seq.s32 s10, $0x1;
	s10 =	sld [smem:$0x3FB2]  }
0x3d: {  	_ =	shalt  }
0x3e: {  	_ =	shalt  }
0x3f: {  	_ =	shalt  }
0x40: {  	_ =	shalt  }
0x41: {  	_ =	shalt  }
0x42: {  	_ =	shalt  }
0x43: {  	_ =	shalt  }
0x44: {  	_ =	shalt  }
0x45: {  	_ =	shalt  }
0x46: {  	_ =	shalt  }
0x47: {  	_ =	shalt  }
0x48: {  	_ =	shalt  }
0x49: {  	_ =	shalt  }
0x4a: {  	_ =	shalt  }
0x4b: {  	_ =	shalt  }
0x4c: {  	_ =	shalt  }
0x4d: {  	_ =	shalt  }
0x4e: {  	_ =	shalt  }
0x4f: {  	_ =	shalt  }
0x50: {  	_ =	shalt  }
0x51: {  	_ =	shalt  }
0x52: {  	_ =	shalt  }
0x53: {  	_ =	shalt  }
0x54: {  	_ =	shalt  }
0x55: {  	_ =	shalt  }
0x56: {  	_ =	shalt  }
0x57: {  	_ =	shalt  }
0x58: {  	_ =	shalt  }
0x59: {  	_ =	shalt  }
0x5a: {  	_ =	shalt  }
0x5b: {  	_ =	shalt  }
0x5c: {  	_ =	shalt  }
0x5d: {  	_ =	shalt  }
0x5e: {  	_ =	shalt  }
0x5f: {  	_ =	shalt  }
0x60: {  	_ =	shalt  }
0x61: {  	_ =	shalt  }
0x62: {  	_ =	shalt  }
0x63: {  	_ =	shalt  }
0x64: {  	_ =	shalt  }
0x65: {  	_ =	shalt  }
0x66: {  	_ =	shalt  }
0x67: {  	_ =	shalt  }
0x68: {  	_ =	shalt  }
0x69: {  	_ =	shalt  }
0x6a: {  	_ =	shalt  }
0x6b: {  	_ =	shalt  }
0x6c: {  	_ =	shalt  }
0x6d: {  	_ =	shalt  }
0x6e: {  	_ =	shalt  }
0x6f: {  	_ =	shalt  }
0x70: {  	_ =	shalt  }
0x71: {  	_ =	shalt  }
0x72: {  	_ =	shalt  }
0x73: {  	_ =	shalt  }
0x74: {  	_ =	shalt  }
0x75: {  	_ =	shalt  }
0x76: {  	_ =	shalt  }
0x77: {  	_ =	shalt  }
0x78: {  	_ =	shalt  }
0x79: {  	_ =	shalt  }
0x7a: {  	_ =	shalt  }
0x7b: {  	_ =	shalt  }
0x7c: {  	_ =	shalt  }
0x7d: {  	_ =	shalt  }
0x7e: {  	_ =	shalt  }
0x7f: {  	_ =	shalt  }
0x80: {  	_ =	shalt  }
0x81: {  	_ =	shalt  }
0x82: {  	_ =	shalt  }
0x83: {  	_ =	shalt  }
0x84: {  	_ =	shalt  }
0x85: {  	_ =	shalt  }
0x86: {  	_ =	shalt  }
0x87: {  	_ =	shalt  }
.Lfunc_end0:
.L_simem_size_0:
called_computation.1_lowered:
.L_overlay_start_0:
0x88: {  	s2 =	sld [smem:$0x3FD9]  }
0x89: {  	s3 =	sld [smem:$0x3FFE];
	_ =	sdelay $0x1  }
0x8a: {  	s1 =	srdreg.scid  }
0x8b: {  	s0 =	sand.u32 $0x1, s1  }
0x8c: {  	s17 =	sshll.u32 s0, $0xA;
	s2 =	sadd.s32 s3, s2  }
0x8d: {  	s2 =	sadd.s32 s2, s17  }
0x8e: {  	[smem:$0x3FBE] =	sst s2  }
0x8f: {  	_ = 	snop  }
0x90: {  	s2 =	sld [smem:$0x3FD0];
	(tm) =	ssettm $0x1  }
0x91: {  	s18 =	sld [smem:$0x3FFB];
	_ =	sdelay $0x3  }
0x92: {  	_ =	strace s18  }
0x93: {  	s3 =	sld [smem:$0x3FFC];
	_ =	sdelay $0x3  }
0x94: {  	_ =	strace s3  }
0x95: {  	s3 =	sld [smem:$0x3FFD];
	_ =	sdelay $0x3  }
0x96: {  	_ =	strace s3  }
0x97: {  	_ =	strace $0x8FFFFFFF  }
0x98: {  	s19 =	sld [smem:$0x3FDB];
	_ =	sdelay $0x1  }
0x99: {  	s4 =	simm.s32 $_scs_section_size  }
0x9a: {  	s5 =	simm.s32 $_size__tile_overlayer_lowered;
	s6 =	simm.s32 $_tile_overlayer_lowered  }
0x9b: {  	s22 =	simm.s32 $0x1BFF;
	s21 =	sshll.u32 s6, $0x1;
	s3 =	sadd.s32 s4, s19  }
0x9c: {  	s7 =	simm.s32 $0x0;
	s20 =	sshll.u32 s5, $0x1;
	s5 =	sadd.s32 s21, s3  }
0x9d: {  	[timem:s7], [sflag:s22] =	dma.local [hbm:s5], s20  }
0x9e: {  	_ =	swait.ge [sflag:s22], s20  }
0x9f: {  	s4 =	ssub.s32 $0x0, s20;
	[sflag:s22] =	ssyncset.done $0x0  }
0xa0: {  	[sflag:s22] =	ssyncadd.s32 s4;
	_ =	sdelay $0x1  }
0xa1: {  	s23 =	simm.s32 $0x1B8B  }
0xa2: {  	_ =	swait.ge [sflag:s23], $0x1  }
0xa3: {  	[sflag:s23] =	ssyncset.done $0x0  }
0xa4: {  	s25 =	simm.s32 $0x1B8E;
	s24 =	sld [smem:$0x3FFE];
	[sflag:s23] =	ssyncadd.s32 $0xFFFFFFFF  }
0xa5: {  	s26 =	simm.s32 $execute0_lowered;
	[smem:$0x3FD2] =	sst s25  }
0xa6: {  	s5 =	sshll.u32 s26, $0x1;
	_ =	strace $0x80000049;
	[dreg:$0x1] =	wrdreg $0xFFFFFFFF  }
0xa7: {  	s28 =	simm.s32 $_size_execute0_lowered;
	s3 =	sadd.s32 s3, s5;
	[dreg:$0x0] =	wrdreg $0x0  }
0xa8: {  	s5 =	sshll.u32 s28, $0x1;
	[dreg:$0x2] =	wrdreg s3  }
0xa9: {  	[dreg:$0x3] =	wrdreg s5  }
0xaa: {  	[dreg:$0x4] =	wrdreg $0xC0  }
0xab: {  	_ =	task [dreg:s7], $0x5FFFF  }
0xac: {  	[dreg:$0x1] =	wrdreg $0xFFFFFFFF  }
0xad: {  	[dreg:$0x0] =	wrdreg $0x60  }
0xae: {  	[dreg:$0x2] =	wrdreg s2  }
0xaf: {  	[dreg:$0x3] =	wrdreg s24  }
0xb0: {  	[dreg:$0x4] =	wrdreg $0x9  }
0xb1: {  	_ =	task.clear_ibuf [dreg:s7], $0x5FFFF;
	_ =	strace $0x90000049  }
0xb2: {  	s29 =	simm.s32 $0x9;
	_ =	strace $0x8000004B  }
0xb3: {  	_ =	swait.ge [sflag:s29], $0x1  }
0xb4: {  	[sflag:s29] =	ssyncadd.s32 $0xFFFFFFFF  }
0xb5: {  	_ =	strace $0x9000004B  }
0xb6: {  	_ =	sfence  }
0xb7: {  	s30 =	sld [smem:$0x0];
	_ =	sdelay $0x2  }
0xb8: {  	s31 =	sshll.u32 s1, $0xD;
	s1 =	sshrl.u32 s1, $0x2  }
0xb9: {  	s3 =	sand.u32 $0x4000, s31;
	s1 =	sadd.s32 s1, s30  }
0xba: {  	s0 =	sor.u32 s3, s0;
	s1 =	sshll.u32 s1, $0x11  }
0xbb: {  	s0 =	sor.u32 s1, s0  }
0xbc: {  	s0 =	sadd.s32 $0x8F2B, s0  }
0xbd: {  	[sflag:s0] =	ssyncadd.remote.s32 $0x1  }
0xbe: {  	_ =	sfence.sel $0xFFFF  }
0xbf: {  	[dreg:$0x0] =	wrdreg $0xFFFFFFFF;
	(pc) =	sbr.abs _section_cstart, $3  }
0xc0: {  	[dreg:$0x1] =	wrdreg $0xFFFFFFFF  }
0xc1: {  	_ =	task.clear_ibuf [dreg:s7], $0x2FFFF;
	_ =	strace $0x9FFFFFFF  }
0xc2: {  	(tm) =	ssettm $0x7FFFFFFF  }
0xc3: {  	_ =	shalt  }
tec
execute0_lowered:
.L_overlay_start_1:
0x0: {  	(tag) =	ssettag $0x1  }
0x1: {  	s5 =	rddreg [dreg:$0x0];
	s1 =	srdreg.scid  }
0x2: {  	s0 =	stileid.u32;
	s6 =	rddreg [dreg:$0x1];
	s2 =	simm.s32 $0x0  }
0x3: {  	s11 =	simm.s32 $0x1;
	s12 =	simm.s32 $0x10900;
	s13 =	simm.s32 $0x13B00  }
0x4: {  	s14 =	simm.s32 $0x5000;
	s15 =	simm.s32 $0x2;
	s16 =	simm.s32 $0x4  }
0x5: {  	s3 =	sand.u32 $0x1, s1;
	s4 =	sshll.u32 s0, $0x1;
	s1 =	rddreg [dreg:$0x2]  }
0x6: {  	s17 =	simm.s32 $0x0;
	[smem:$0x7FF] =	sst s2;
	s4 =	sor.u32 s3, s4  }
0x7: {  	_ =	strace $0x8000004A;
	s8 =	ssub.s32 $0x2, s3;
	s7 =	smul.u32 $0x1400, s4  }
0x8: {  	s3 =	sadd.s32 $0x2B400, s6;
	s9 =	smul.u32 $0xA00, s4;
	s10 =	sshrl.u32 s8, $0x1  }
0x9: {  	s4 =	sadd.s32 $0x17600, s6;
	s31 =	ssub.s32 s8, s10;
	s8 =	simm.s32 $0xF000  }
0xa: {  	s10 =	simm.s32 $0x3;
	s6 =	sadd.s32 s7, s6;
	s5 =	sadd.s32 s5, s9  }
0xb: {  	v0 =	vimm.f32 $0.0e+00;
	s7 =	smax.u32 s31, $0x1;
	s9 =	simm.s32 $0x12200;
	s6 =	sadd.s32 $0x35200, s6  }
.LBB2_1:
0xc: {  	[tilespmem:s2], [sflag:$0x3] =	stream.linear.gather [hbm4b:s5+s2], $0x5000, $0x38;
	[tilespmem:$0x15400] =	vst v63  }
0xd: {  	_ = 	snop  }
0xe: {  	[tilespmem:s8], [sflag:$0x1] =	stream.linear.gather [hbm4b:s3+s2], $0x1900, $0x38;
	[tilespmem:$0x15400] =	vst v63  }
0xf: {  	s18 =	simm.s32 $0x5040  }
0x10: {  	[tilespmem:s9], [sflag:$0x1] =	stream.linear.gather [hbm4b:s4+s2], $0x1900, $0x38;
	[tilespmem:$0x15400] =	vst v63  }
0x11: {  	[tilespmem:s18+$0xFFFFFFC0] =	vst v0  }
0x12: {  	[tilespmem:s18+$0x30] =	vst v0  }
0x13: {  	[tilespmem:s18+$0x20] =	vst v0  }
0x14: {  	[tilespmem:s18+$0x10] =	vst v0  }
0x15: {  	[tilespmem:s18+$0x0] =	vst v0  }
0x16: {  	[tilespmem:s18+$0xFFFFFFF0] =	vst v0  }
0x17: {  	s19 =	simm.s32 $0x0;
	[tilespmem:s18+$0xFFFFFFE0] =	vst v0  }
.LBB2_2:
0x18: {  	s19 =	sadd.s32 $0x8, s19;
	[tilespmem:s18+$0xFFFFFFD0] =	vst v0;
	s18 =	sadd.s32 $0x80, s18  }
0x19: {  	[tilespmem:s18+$0xFFFFFFC0] =	vst v0;
	p0 =	slt.u32 s19, $0x9F8  }
0x1a: {  	[tilespmem:s18+$0x30] =	vst v0  }
.Ltmp0:
0x1b: {  	[tilespmem:s18+$0x20] =	vst v0;
	(pc) =	sbr.rel @p0 .LBB2_2-.Ltmp0, $4  }
0x1c: {  	[tilespmem:s18+$0x10] =	vst v0  }
0x1d: {  	[tilespmem:s18+$0x0] =	vst v0  }
0x1e: {  	[tilespmem:s18+$0xFFFFFFF0] =	vst v0  }
0x1f: {  	[tilespmem:s18+$0xFFFFFFE0] =	vst v0  }
0x20: {  	[tilespmem:s18+$0xFFFFFFD0] =	vst v0  }
0x21: {  	_ =	swait.ge [sflag:s10], $0x5000  }
0x22: {  	[sflag:s10] =	ssyncset.done $0x0  }
0x23: {  	s18 =	simm.s32 $0x0;
	[sflag:s10] =	ssyncadd.s32 $0xFFFFB000  }
.LBB2_4:
0x24: {  	_ =	swait.ge [sflag:s11], $0x1900  }
0x25: {  	[sflag:s11] =	ssyncset.done $0x0  }
0x26: {  	s19 =	smul.u32 $0x640, s18;
	[sflag:s11] =	ssyncadd.s32 $0xFFFFE700  }
0x27: {  	_ =	swait.ge [sflag:s11], $0x1900  }
0x28: {  	s19 =	sadd.s32 $0x320, s19;
	[sflag:s11] =	ssyncset.done $0x0  }
0x29: {  	s20 =	sadd.s32 s3, s19;
	[sflag:s11] =	ssyncadd.s32 $0xFFFFE700  }
0x2a: {  	[tilespmem:s12], [sflag:$0x2] =	stream.linear.gather [hbm4b:s20+s2], $0x1900, $0x38;
	[tilespmem:$0x15400] =	vst v63  }
0x2b: {  	s19 =	sadd.s32 s4, s19  }
0x2c: {  	[tilespmem:s13], [sflag:$0x2] =	stream.linear.gather [hbm4b:s19+s2], $0x1900, $0x38;
	[tilespmem:$0x15400] =	vst v63  }
0x2d: {  	s19 =	simm.s32 $0xF040  }
0x2e: {  	v4 =	vld [tilespmem:s19+$0xFFFFFFE0]  }
0x2f: {  	v2 =	vld [tilespmem:s19+$0xFFFFFFF0]  }
0x30: {  	v10 =	vld [tilespmem:s19+$0x10]  }
0x31: {  	v3 =	vld [tilespmem:s19+$0x30]  }
0x32: {  	v11 =	vld [tilespmem:s19+$0x20]  }
0x33: {  	v13 =	vld [tilespmem:s19+$0xFFFFFFC0];
	_ =	sdelay $0x1  }
0x34: {  	v18 =	vld [tilespmem:s19+$0x0]  }
0x35: {  	v19 =	vld [tilespmem:s19+$0xFFFFFFD0];
	v1 =	vand.u32 $0x7F, v3;
	v28 =	vand.u32 $0x7F, v4;
	v6 =	vand.u32 $0x7F, v2  }
0x36: {  	v14 =	vshrl.u32 v2, $0xE;
	v5 =	vand.u32 $0x7F, v10;
	v7 =	vand.u32 $0x7F, v11  }
0x37: {  	v34 =	vand.u32 $0x3FFF, v11;
	v23 =	vshrl.u32 v13, $0xE;
	v8 =	vand.u32 $0x7F, v13  }
0x38: {  	v9 =	vshrl.u32 v3, $0xE;
	v16 =	vand.u32 $0x3FFF, v13;
	v22 =	vshrl.u32 v11, $0xE  }
0x39: {  	v37 =	vshrl.u32 v10, $0xE;
	v13 =	vshrl.u32 v18, $0xE;
	v21 =	vand.u32 $0x3FFF, v18  }
0x3a: {  	v17 =	vand.u32 $0x3FFF, v2;
	v40 =	vand.u32 $0x3FFF, v19;
	v48 =	vand.u32 $0x3FFF, v4  }
0x3b: {  	v42 =	vshrl.u32 v19, $0xE;
	v43 =	vshrl.u32 v4, $0xE;
	v31 =	vand.u32 $0x7F, v19  }
0x3c: {  	s20 =	simm.s32 $0x12240;
	v33 =	vand.u32 $0x7F, v18;
	v12 =	vadd.s32 $0x7800, v34;
	v24 =	vadd.s32 $0x2800, v23  }
0x3d: {  	v26 =	vld [tilespmem:s20+$0x0];
	v15 =	vadd.s32 $0x5000, v34;
	v20 =	vadd.s32 $0x5000, v21;
	v4 =	vadd.s32 $0x7800, v40  }
0x3e: {  	v2 =	vld [tilespmem:s20+$0xFFFFFFD0];
	v11 =	vand.u32 $0xFF80, v15;
	v15 =	vand.u32 $0x3FFF, v10;
	v10 =	vadd.s32 $0x2800, v13  }
0x3f: {  	v29 =	vadd.s32 $0x2800, v21;
	v27 =	vand.u32 $0x7FF80, v10;
	v10 =	vadd.s32 $0x2800, v16;
	v35 =	vld.idx.msk [tilespmem:v23+s2+$0x0], $0xffff  }
0x40: {  	v47 =	vadd.s32 $0x2800, v37;
	v32 =	vadd.s32 $0x7800, v21;
	v10 =	vand.u32 $0x7F80, v10;
	v38 =	vld.idx.msk [tilespmem:v37+s2+$0x0], $0xffff  }
0x41: {  	v45 =	vadd.s32 $0x2800, v48;
	v19 =	vand.u32 $0x7F80, v29;
	v25 =	vor.u32 v8, v10;
	v10 =	vld [tilespmem:s20+$0x10]  }
0x42: {  	v50 =	vand.u32 $0x7F, v43;
	v52 =	vadd.s32 $0x2800, v17;
	v49 =	vor.u32 v33, v19;
	v19 =	vld.idx.msk [tilespmem:v42+s2+$0x0], $0xffff  }
0x43: {  	v55 =	vadd.s32 $0x2800, v42;
	v4 =	vand.u32 $0xFF80, v4;
	v36 =	vand.u32 $0xFF80, v20;
	v51 =	vld.idx.msk [tilespmem:v43+s2+$0x0], $0xffff  }
0x44: {  	v29 =	vadd.s32 $0x2800, v22;
	v45 =	vand.u32 $0x7F80, v45;
	v44 =	vld.idx.msk [tilespmem:v13+s2+$0x0], $0xffff;
	v13 =	vand.u32 $0x7F, v13  }
0x45: {  	v18 =	vld [tilespmem:s20+$0xFFFFFFC0];
	v55 =	vand.u32 $0x7FF80, v55;
	v54 =	vor.u32 v13, v27;
	v13 =	vadd.s32 $0x2800, v40  }
0x46: {  	v4 =	vor.u32 v31, v4;
	v46 =	vadd.s32 $0x2800, v15;
	v27 =	vld [tilespmem:s20+$0xFFFFFFE0];
	v41 =	vand.u32 $0x7F80, v13  }
0x47: {  	v39 =	vld.idx.msk [tilespmem:v22+s2+$0x0], $0xffff;
	v30 =	vunpack.i.u.bf16.f32 v35;
	v20 =	vunpack.i.u.bf16.f32 v38;
	v60 =	vunpack.i.l.bf16.f32 v35  }
0x48: {  	v61 =	vunpack.i.u.bf16.f32 v19;
	v19 =	vunpack.i.l.bf16.f32 v19;
	v58 =	vunpack.i.u.bf16.f32 v51  }
0x49: {  	v35 =	vmul.f32 v20, v10;
	v20 =	vunpack.i.l.bf16.f32 v44;
	v57 =	vmul.f32 v19, v2;
	v19 =	vld [tilespmem:s20+$0xFFFFFFF0]  }
0x4a: {  	v51 =	vunpack.i.l.bf16.f32 v51;
	v56 =	vmul.f32 v60, v18;
	v13 =	vmul.f32 v20, v26;
	v20 =	vld [tilespmem:s20+$0x20]  }
0x4b: {  	v59 =	vor.u32 v28, v45;
	v37 =	vand.u32 $0x7F, v37;
	v51 =	vmul.f32 v51, v27;
	[tilespmem:v40+s14+$0x0] =	vst.idx.add.f32.msk $0xffff, v57  }
0x4c: {  	v53 =	vunpack.i.l.bf16.f32 v38;
	v62 =	vunpack.i.l.bf16.f32 v39;
	v44 =	vunpack.i.u.bf16.f32 v44;
	[tilespmem:v16+s14+$0x0] =	vst.idx.add.f32.msk $0xffff, v56  }
0x4d: {  	v38 =	vmul.f32 v61, v2;
	v61 =	vadd.s32 $0x5000, v48;
	v53 =	vmul.f32 v53, v10;
	[tilespmem:v48+s14+$0x0] =	vst.idx.add.f32.msk $0xffff, v51  }
0x4e: {  	v57 =	vmul.f32 v58, v27;
	v58 =	vadd.s32 $0x2800, v43;
	[tilespmem:v21+s14+$0x0] =	vst.idx.add.f32.msk $0xffff, v13;
	v21 =	vmul.f32 v44, v26  }
0x4f: {  	v43 =	vand.u32 $0x7F, v42;
	v40 =	vadd.s32 $0x5000, v40;
	v42 =	vand.u32 $0x7F80, v52;
	v44 =	vld.idx.msk [tilespmem:v9+s2+$0x0], $0xffff  }
0x50: {  	v52 =	vadd.s32 $0x5000, v15;
	v13 =	vand.u32 $0x7F80, v46;
	v40 =	vand.u32 $0xFF80, v40;
	[tilespmem:v49+s14+$0x0] =	vst.idx.add.f32.msk $0xffff, v21  }
0x51: {  	v63 =	vand.u32 $0x7FF80, v58;
	v46 =	vor.u32 v5, v13;
	v21 =	vor.u32 v31, v40;
	v45 =	vld.idx.msk [tilespmem:v54+s2+$0x0], $0xffff  }
0x52: {  	[tilespmem:v15+s14+$0x0] =	vst.idx.add.f32.msk $0xffff, v53;
	v49 =	vadd.s32 $0x2800, v14;
	v40 =	vor.u32 v43, v55;
	v55 =	vadd.s32 $0x7800, v48  }
0x53: {  	v13 =	vld [tilespmem:s20+$0x30];
	v60 =	vmul.f32 v62, v20;
	v54 =	vand.u32 $0xFF80, v61;
	v61 =	vand.u32 $0x7FF80, v47  }
0x54: {  	[tilespmem:v59+s14+$0x0] =	vst.idx.add.f32.msk $0xffff, v57;
	v47 =	vor.u32 v50, v63;
	v62 =	vadd.s32 $0x2800, v34;
	v63 =	vand.u32 $0xFF80, v55  }
0x55: {  	v43 =	vld.idx.msk [tilespmem:v14+s2+$0x0], $0xffff;
	v50 =	vand.u32 $0x7F80, v62;
	v37 =	vor.u32 v37, v61;
	v51 =	vunpack.i.l.bf16.f32 v44  }
0x56: {  	s21 =	simm.s32 $0x0;
	[tilespmem:v34+s14+$0x0] =	vst.idx.add.f32.msk $0xffff, v60;
	v34 =	vor.u32 v28, v54;
	v28 =	vor.u32 v28, v63;
	v48 =	vunpack.i.l.bf16.f32 v45  }
.LBB2_5:
0x57: {  	s21 =	sadd.s32 $0x8, s21;
	v49 =	vand.u32 $0x7FF80, v49;
	v53 =	vadd.s32 $0x5000, v17;
	[tilespmem:v46+s14+$0x0] =	vst.idx.add.f32.msk $0xffff, v35;
	v46 =	vand.u32 $0xFF80, v52;
	s19 =	sadd.s32 $0x80, s19;
	s20 =	sadd.s32 $0x80, s20  }
0x58: {  	v41 =	vor.u32 v31, v41;
	v39 =	vunpack.i.u.bf16.f32 v39;
	v35 =	vld [tilespmem:s19+$0xFFFFFFE0];
	p0 =	slt.u32 s21, $0x188;
	v46 =	vor.u32 v5, v46  }
0x59: {  	v52 =	vor.u32 v33, v36;
	v36 =	vand.u32 $0xFF80, v32;
	v51 =	vmul.f32 v51, v13;
	v31 =	vld [tilespmem:s19+$0xFFFFFFD0]  }
0x5a: {  	v44 =	vunpack.i.u.bf16.f32 v44;
	v54 =	vor.u32 v33, v36;
	v39 =	vmul.f32 v39, v20;
	v32 =	vld [tilespmem:s19+$0xFFFFFFF0]  }
0x5b: {  	v55 =	vmul.f32 v30, v18;
	v56 =	vadd.s32 $0x7800, v17;
	v50 =	vor.u32 v7, v50;
	v33 =	vld [tilespmem:s19+$0x0]  }
0x5c: {  	v57 =	vunpack.i.l.bf16.f32 v43;
	v42 =	vor.u32 v6, v42;
	v45 =	vunpack.i.u.bf16.f32 v45;
	v30 =	vld [tilespmem:s19+$0x10]  }
0x5d: {  	v43 =	vunpack.i.u.bf16.f32 v43;
	v57 =	vmul.f32 v57, v19;
	v45 =	vmul.f32 v45, v26;
	v36 =	vld [tilespmem:s19+$0xFFFFFFC0]  }
0x5e: {  	v23 =	vand.u32 $0x7F, v23;
	v58 =	vadd.s32 $0x5000, v16;
	v29 =	vand.u32 $0x7FF80, v29;
	v47 =	vld.idx.msk [tilespmem:v47+s2+$0x0], $0xffff  }
0x5f: {  	v24 =	vand.u32 $0x7FF80, v24;
	v12 =	vand.u32 $0xFF80, v12;
	v58 =	vand.u32 $0xFF80, v58;
	[tilespmem:v41+s14+$0x0] =	vst.idx.add.f32.msk $0xffff, v38  }
0x60: {  	v14 =	vand.u32 $0x7F, v14;
	v23 =	vor.u32 v23, v24;
	v24 =	vor.u32 v8, v58;
	v38 =	vld [tilespmem:s19+$0x20]  }
0x61: {  	v14 =	vor.u32 v14, v49;
	v49 =	vand.u32 $0xFF80, v53;
	v26 =	vmul.f32 v48, v26;
	v41 =	vld [tilespmem:s19+$0x30]  }
0x62: {  	v22 =	vand.u32 $0x7F, v22;
	v48 =	vor.u32 v6, v49;
	v49 =	vand.u32 $0xFF80, v56;
	v37 =	vld.idx.msk [tilespmem:v37+s2+$0x0], $0xffff  }
0x63: {  	v12 =	vor.u32 v7, v12;
	v49 =	vor.u32 v6, v49;
	v6 =	vor.u32 v22, v29;
	v40 =	vld.idx.msk [tilespmem:v40+s2+$0x0], $0xffff  }
0x64: {  	v7 =	vor.u32 v7, v11;
	v22 =	vunpack.i.u.bf16.f32 v47;
	v29 =	vunpack.i.l.bf16.f32 v47;
	[tilespmem:v52+s14+$0x0] =	vst.idx.add.f32.msk $0xffff, v26  }
0x65: {  	v11 =	vmul.f32 v29, v27;
	v22 =	vmul.f32 v22, v27;
	v26 =	vadd.s32 $0x2800, v9;
	[tilespmem:v50+s14+$0x0] =	vst.idx.add.f32.msk $0xffff, v39  }
0x66: {  	v16 =	vadd.s32 $0x7800, v16;
	v27 =	vmul.f32 v43, v19;
	v26 =	vand.u32 $0x7FF80, v26;
	[tilespmem:v54+s14+$0x0] =	vst.idx.add.f32.msk $0xffff, v45  }
0x67: {  	v15 =	vadd.s32 $0x7800, v15;
	v16 =	vand.u32 $0xFF80, v16;
	[tilespmem:v25+s14+$0x0] =	vst.idx.add.f32.msk $0xffff, v55;
	v25 =	vand.u32 $0x3FFF, v3;
	v3 =	vmovc v41  }
0x68: {  	v15 =	vand.u32 $0xFF80, v15;
	v39 =	vmul.f32 v44, v13;
	v29 =	vunpack.i.l.bf16.f32 v37;
	v23 =	vld.idx.msk [tilespmem:v23+s2+$0x0], $0xffff  }
0x69: {  	v37 =	vunpack.i.u.bf16.f32 v37;
	v41 =	vunpack.i.u.bf16.f32 v40;
	v40 =	vunpack.i.l.bf16.f32 v40;
	v6 =	vld.idx.msk [tilespmem:v6+s2+$0x0], $0xffff  }
0x6a: {  	v40 =	vmul.f32 v40, v2;
	[tilespmem:v17+s14+$0x0] =	vst.idx.add.f32.msk $0xffff, v57;
	v17 =	vmul.f32 v29, v10;
	v29 =	vadd.s32 $0x2800, v25  }
0x6b: {  	v8 =	vor.u32 v8, v16;
	v5 =	vor.u32 v5, v15;
	v15 =	vand.u32 $0x7F80, v29  }
0x6c: {  	v9 =	vand.u32 $0x7F, v9;
	v16 =	vadd.s32 $0x5000, v25;
	[tilespmem:v25+s14+$0x0] =	vst.idx.add.f32.msk $0xffff, v51;
	v15 =	vor.u32 v1, v15  }
0x6d: {  	v9 =	vor.u32 v9, v26;
	v16 =	vand.u32 $0xFF80, v16;
	v25 =	vadd.s32 $0x7800, v25;
	[tilespmem:v42+s14+$0x0] =	vst.idx.add.f32.msk $0xffff, v27  }
0x6e: {  	v26 =	vunpack.i.u.bf16.f32 v23;
	v23 =	vunpack.i.l.bf16.f32 v23;
	[tilespmem:v34+s14+$0x0] =	vst.idx.add.f32.msk $0xffff, v11;
	v11 =	vand.u32 $0xFF80, v25  }
0x6f: {  	v23 =	vmul.f32 v23, v18;
	[tilespmem:v46+s14+$0x0] =	vst.idx.add.f32.msk $0xffff, v17;
	v17 =	vunpack.i.u.bf16.f32 v6;
	v6 =	vunpack.i.l.bf16.f32 v6  }
0x70: {  	v18 =	vmul.f32 v26, v18;
	v25 =	vld.idx.msk [tilespmem:v14+s2+$0x0], $0xffff;
	v26 =	vmul.f32 v6, v20  }
0x71: {  	v10 =	vmul.f32 v37, v10;
	v17 =	vmul.f32 v17, v20;
	[tilespmem:v24+s14+$0x0] =	vst.idx.add.f32.msk $0xffff, v23  }
0x72: {  	[tilespmem:v8+s14+$0x0] =	vst.idx.add.f32.msk $0xffff, v18  }
0x73: {  	[tilespmem:v15+s14+$0x0] =	vst.idx.add.f32.msk $0xffff, v39  }
0x74: {  	v20 =	vor.u32 v1, v11;
	v8 =	vand.u32 $0x7F, v3;
	v18 =	vld.idx.msk [tilespmem:v9+s2+$0x0], $0xffff  }
0x75: {  	v37 =	vand.u32 $0x7F, v35;
	v27 =	vor.u32 v1, v16;
	v6 =	vand.u32 $0x7F, v32;
	v1 =	vmovc v8;
	[tilespmem:v5+s14+$0x0] =	vst.idx.add.f32.msk $0xffff, v10  }
0x76: {  	v14 =	vshrl.u32 v32, $0xE;
	v8 =	vunpack.i.u.bf16.f32 v25;
	v9 =	vunpack.i.l.bf16.f32 v25;
	[tilespmem:v7+s14+$0x0] =	vst.idx.add.f32.msk $0xffff, v26  }
0x77: {  	v5 =	vand.u32 $0x7F, v30;
	v7 =	vand.u32 $0x7F, v38;
	v9 =	vmul.f32 v9, v19;
	[tilespmem:v28+s14+$0x0] =	vst.idx.add.f32.msk $0xffff, v22  }
0x78: {  	v2 =	vmul.f32 v41, v2;
	v10 =	vmul.f32 v8, v19;
	v28 =	vand.u32 $0x3FFF, v38;
	[tilespmem:v12+s14+$0x0] =	vst.idx.add.f32.msk $0xffff, v17  }
0x79: {  	v23 =	vshrl.u32 v36, $0xE;
	v8 =	vand.u32 $0x7F, v36;
	v12 =	vadd.s32 $0x7800, v28;
	[tilespmem:v48+s14+$0x0] =	vst.idx.add.f32.msk $0xffff, v9  }
0x7a: {  	v24 =	vadd.s32 $0x2800, v23;
	v11 =	vadd.s32 $0x5000, v28;
	v9 =	vshrl.u32 v3, $0xE;
	[tilespmem:v49+s14+$0x0] =	vst.idx.add.f32.msk $0xffff, v10  }
0x7b: {  	v16 =	vand.u32 $0x3FFF, v36;
	v22 =	vshrl.u32 v38, $0xE;
	v11 =	vand.u32 $0xFF80, v11;
	[tilespmem:v21+s14+$0x0] =	vst.idx.add.f32.msk $0xffff, v40  }
0x7c: {  	v34 =	vshrl.u32 v30, $0xE;
	v15 =	vand.u32 $0x3FFF, v30;
	[tilespmem:v4+s14+$0x0] =	vst.idx.add.f32.msk $0xffff, v2;
	v4 =	vunpack.i.l.bf16.f32 v18  }
0x7d: {  	v19 =	vshrl.u32 v33, $0xE;
	v21 =	vand.u32 $0x3FFF, v33;
	v2 =	vld [tilespmem:s20+$0xFFFFFFD0];
	v4 =	vmul.f32 v4, v13  }
0x7e: {  	v10 =	vadd.s32 $0x2800, v19;
	v29 =	vadd.s32 $0x5000, v21;
	v18 =	vunpack.i.u.bf16.f32 v18;
	v38 =	vld.idx.msk [tilespmem:v23+s2+$0x0], $0xffff  }
0x7f: {  	v17 =	vand.u32 $0x3FFF, v32;
	v40 =	vand.u32 $0x7FF80, v10;
	v13 =	vmul.f32 v18, v13;
	v26 =	vld [tilespmem:s20+$0x0]  }
0x80: {  	v42 =	vand.u32 $0x3FFF, v31;
	v48 =	vand.u32 $0x3FFF, v35;
	v18 =	vadd.s32 $0x2800, v16;
	v10 =	vld [tilespmem:s20+$0x10]  }
0x81: {  	v43 =	vshrl.u32 v31, $0xE;
	v44 =	vshrl.u32 v35, $0xE;
	v18 =	vand.u32 $0x7F80, v18;
	[tilespmem:v27+s14+$0x0] =	vst.idx.add.f32.msk $0xffff, v4  }
0x82: {  	v25 =	vor.u32 v8, v18;
	v18 =	vadd.s32 $0x2800, v21;
	v4 =	vadd.s32 $0x7800, v42;
	v27 =	vld.idx.msk [tilespmem:v34+s2+$0x0], $0xffff  }
0x83: {  	v31 =	vand.u32 $0x7F, v31;
	v47 =	vadd.s32 $0x2800, v34;
	v4 =	vand.u32 $0xFF80, v4;
	v45 =	vld.idx.msk [tilespmem:v19+s2+$0x0], $0xffff  }
0x84: {  	v32 =	vadd.s32 $0x7800, v21;
	v35 =	vand.u32 $0x7F80, v18;
	v4 =	vor.u32 v31, v4;
	[tilespmem:v20+s14+$0x0] =	vst.idx.add.f32.msk $0xffff, v13  }
0x85: {  	v33 =	vand.u32 $0x7F, v33;
	v30 =	vunpack.i.u.bf16.f32 v38;
	v13 =	vadd.s32 $0x2800, v48;
	v18 =	vld [tilespmem:s20+$0xFFFFFFC0]  }
0x86: {  	v50 =	vadd.s32 $0x2800, v15;
	v49 =	vor.u32 v33, v35;
	v19 =	vand.u32 $0x7F, v19;
	v46 =	vld.idx.msk [tilespmem:v43+s2+$0x0], $0xffff  }
0x87: {  	v51 =	vand.u32 $0x7F, v44;
	v36 =	vand.u32 $0xFF80, v29;
	v29 =	vadd.s32 $0x2800, v22;
	v52 =	vld.idx.msk [tilespmem:v44+s2+$0x0], $0xffff  }
0x88: {  	v53 =	vadd.s32 $0x2800, v17;
	v20 =	vunpack.i.u.bf16.f32 v27;
	v54 =	vunpack.i.l.bf16.f32 v27;
	v39 =	vld.idx.msk [tilespmem:v22+s2+$0x0], $0xffff  }
0x89: {  	v38 =	vunpack.i.l.bf16.f32 v38;
	v40 =	vor.u32 v19, v40;
	v35 =	vmul.f32 v20, v10  }
0x8a: {  	v55 =	vadd.s32 $0x2800, v43;
	v19 =	vadd.s32 $0x2800, v42;
	v20 =	vunpack.i.l.bf16.f32 v45;
	v27 =	vld [tilespmem:s20+$0xFFFFFFE0]  }
0x8b: {  	v41 =	vand.u32 $0x7F80, v19;
	v19 =	vmul.f32 v20, v26;
	v56 =	vmul.f32 v38, v18;
	v20 =	vld [tilespmem:s20+$0x20]  }
0x8c: {  	v45 =	vunpack.i.u.bf16.f32 v45;
	v38 =	vunpack.i.u.bf16.f32 v46;
	v46 =	vunpack.i.l.bf16.f32 v46  }
0x8d: {  	v46 =	vmul.f32 v46, v2;
	v57 =	vunpack.i.u.bf16.f32 v52;
	[tilespmem:v21+s14+$0x0] =	vst.idx.add.f32.msk $0xffff, v19;
	v21 =	vmul.f32 v45, v26  }
0x8e: {  	v38 =	vmul.f32 v38, v2;
	v45 =	vand.u32 $0x7F80, v50;
	v50 =	vunpack.i.l.bf16.f32 v39;
	v19 =	vld [tilespmem:s20+$0xFFFFFFF0]  }
0x8f: {  	v58 =	vadd.s32 $0x2800, v44;
	v13 =	vand.u32 $0x7F80, v13;
	[tilespmem:v42+s14+$0x0] =	vst.idx.add.f32.msk $0xffff, v46;
	v57 =	vmul.f32 v57, v27  }
0x90: {  	v59 =	vor.u32 v37, v13;
	v46 =	vor.u32 v5, v45;
	v50 =	vmul.f32 v50, v20;
	v13 =	vld [tilespmem:s20+$0x30]  }
0x91: {  	v43 =	vand.u32 $0x7F, v43;
	v52 =	vunpack.i.l.bf16.f32 v52;
	v42 =	vadd.s32 $0x5000, v42;
	v44 =	vld.idx.msk [tilespmem:v9+s2+$0x0], $0xffff  }
0x92: {  	v55 =	vand.u32 $0x7FF80, v55;
	v60 =	vadd.s32 $0x5000, v48;
	v42 =	vand.u32 $0xFF80, v42;
	[tilespmem:v49+s14+$0x0] =	vst.idx.add.f32.msk $0xffff, v21  }
0x93: {  	v21 =	vor.u32 v31, v42;
	v42 =	vand.u32 $0x7F80, v53;
	v49 =	vadd.s32 $0x2800, v14;
	v45 =	vld.idx.msk [tilespmem:v40+s2+$0x0], $0xffff  }
0x94: {  	v53 =	vand.u32 $0xFF80, v60;
	v40 =	vor.u32 v43, v55;
	v55 =	vadd.s32 $0x7800, v48;
	v43 =	vld.idx.msk [tilespmem:v14+s2+$0x0], $0xffff  }
.Ltmp1:
0x95: {  	v60 =	vmul.f32 v52, v27;
	v52 =	vand.u32 $0x7FF80, v58;
	v58 =	vand.u32 $0x7FF80, v47;
	[tilespmem:v28+s14+$0x0] =	vst.idx.add.f32.msk $0xffff, v50;
	(pc) =	sbr.rel @p0 .LBB2_5-.Ltmp1, $4  }
0x96: {  	v47 =	vor.u32 v51, v52;
	v52 =	vadd.s32 $0x5000, v15;
	[tilespmem:v16+s14+$0x0] =	vst.idx.add.f32.msk $0xffff, v56;
	v56 =	vand.u32 $0x7F, v34  }
0x97: {  	v54 =	vmul.f32 v54, v10;
	v28 =	vadd.s32 $0x2800, v28;
	v51 =	vunpack.i.l.bf16.f32 v44;
	[tilespmem:v48+s14+$0x0] =	vst.idx.add.f32.msk $0xffff, v60  }
0x98: {  	v34 =	vor.u32 v37, v53;
	v50 =	vand.u32 $0x7F80, v28;
	v48 =	vand.u32 $0xFF80, v55;
	[tilespmem:v59+s14+$0x0] =	vst.idx.add.f32.msk $0xffff, v57  }
0x99: {  	v28 =	vor.u32 v37, v48;
	v48 =	vunpack.i.l.bf16.f32 v45;
	v37 =	vor.u32 v56, v58;
	[tilespmem:v15+s14+$0x0] =	vst.idx.add.f32.msk $0xffff, v54  }
0x9a: {  	_ = 	snop  }
0x9b: {  	v31 =	vor.u32 v31, v41;
	v58 =	vand.u32 $0x7FF80, v49;
	v59 =	vadd.s32 $0x5000, v17  }
0x9c: {  	v52 =	vand.u32 $0xFF80, v52;
	v39 =	vunpack.i.u.bf16.f32 v39;
	v32 =	vand.u32 $0xFF80, v32  }
0x9d: {  	v36 =	vor.u32 v33, v36;
	v61 =	vmul.f32 v51, v13;
	v30 =	vmul.f32 v30, v18  }
0x9e: {  	[tilespmem:v46+s14+$0x0] =	vst.idx.add.f32.msk $0xffff, v35;
	v53 =	vadd.s32 $0x7800, v17;
	v45 =	vunpack.i.u.bf16.f32 v45;
	v23 =	vand.u32 $0x7F, v23  }
0x9f: {  	v47 =	vld.idx.msk [tilespmem:v47+s2+$0x0], $0xffff;
	v24 =	vand.u32 $0x7FF80, v24;
	v54 =	vunpack.i.l.bf16.f32 v43;
	v3 =	vand.u32 $0x3FFF, v3  }
0xa0: {  	v29 =	vand.u32 $0x7FF80, v29;
	v22 =	vand.u32 $0x7F, v22;
	v37 =	vld.idx.msk [tilespmem:v37+s2+$0x0], $0xffff;
	v56 =	vmul.f32 v54, v19  }
0xa1: {  	v55 =	vadd.s32 $0x5000, v16;
	v60 =	vor.u32 v5, v52;
	v52 =	vor.u32 v7, v50;
	[tilespmem:v25+s14+$0x0] =	vst.idx.add.f32.msk $0xffff, v30  }
0xa2: {  	v14 =	vand.u32 $0x7F, v14;
	v16 =	vadd.s32 $0x7800, v16;
	v23 =	vor.u32 v23, v24;
	[tilespmem:v17+s14+$0x0] =	vst.idx.add.f32.msk $0xffff, v56  }
0xa3: {  	v15 =	vadd.s32 $0x7800, v15;
	v11 =	vor.u32 v7, v11;
	v32 =	vor.u32 v33, v32;
	[tilespmem:v31+s14+$0x0] =	vst.idx.add.f32.msk $0xffff, v38  }
0xa4: {  	v12 =	vand.u32 $0xFF80, v12;
	v62 =	vmul.f32 v39, v20;
	v22 =	vor.u32 v22, v29;
	[tilespmem:v3+s14+$0x0] =	vst.idx.add.f32.msk $0xffff, v61  }
0xa5: {  	v29 =	vor.u32 v6, v42;
	v14 =	vor.u32 v14, v58;
	v58 =	vadd.s32 $0x2800, v9;
	v24 =	vld.idx.msk [tilespmem:v40+s2+$0x0], $0xffff  }
0xa6: {  	v16 =	vand.u32 $0xFF80, v16;
	v15 =	vand.u32 $0xFF80, v15;
	v31 =	vmul.f32 v48, v26;
	[tilespmem:v52+s14+$0x0] =	vst.idx.add.f32.msk $0xffff, v62  }
0xa7: {  	v9 =	vand.u32 $0x7F, v9;
	v7 =	vor.u32 v7, v12;
	v25 =	vand.u32 $0xFF80, v59;
	v23 =	vld.idx.msk [tilespmem:v23+s2+$0x0], $0xffff  }
0xa8: {  	v59 =	vadd.s32 $0x2800, v3;
	v26 =	vmul.f32 v45, v26;
	v57 =	vunpack.i.l.bf16.f32 v47;
	[tilespmem:v36+s14+$0x0] =	vst.idx.add.f32.msk $0xffff, v31  }
0xa9: {  	v5 =	vor.u32 v5, v15;
	v30 =	vmul.f32 v57, v27;
	v17 =	vunpack.i.l.bf16.f32 v37;
	v22 =	vld.idx.msk [tilespmem:v22+s2+$0x0], $0xffff  }
0xaa: {  	v31 =	vunpack.i.u.bf16.f32 v43;
	v36 =	vand.u32 $0xFF80, v55;
	v17 =	vmul.f32 v17, v10;
	[tilespmem:v32+s14+$0x0] =	vst.idx.add.f32.msk $0xffff, v26  }
0xab: {  	v12 =	vunpack.i.u.bf16.f32 v37;
	v26 =	vor.u32 v8, v36;
	v31 =	vmul.f32 v31, v19;
	[tilespmem:v34+s14+$0x0] =	vst.idx.add.f32.msk $0xffff, v30  }
0xac: {  	v10 =	vmul.f32 v12, v10;
	v8 =	vor.u32 v8, v16;
	v16 =	vand.u32 $0x7F80, v59;
	[tilespmem:v60+s14+$0x0] =	vst.idx.add.f32.msk $0xffff, v17  }
0xad: {  	v32 =	vand.u32 $0x7FF80, v58;
	v16 =	vor.u32 v1, v16;
	[tilespmem:v29+s14+$0x0] =	vst.idx.add.f32.msk $0xffff, v31;
	v29 =	vunpack.i.l.bf16.f32 v23  }
0xae: {  	v9 =	vor.u32 v9, v32;
	[tilespmem:v5+s14+$0x0] =	vst.idx.add.f32.msk $0xffff, v10;
	v23 =	vunpack.i.u.bf16.f32 v23;
	v29 =	vmul.f32 v29, v18  }
0xaf: {  	v63 =	vunpack.i.u.bf16.f32 v44;
	v14 =	vld.idx.msk [tilespmem:v14+s2+$0x0], $0xffff;
	v15 =	vmul.f32 v23, v18  }
0xb0: {  	v18 =	vmul.f32 v63, v13;
	v23 =	vand.u32 $0xFF80, v53;
	[tilespmem:v26+s14+$0x0] =	vst.idx.add.f32.msk $0xffff, v29  }
0xb1: {  	v17 =	vor.u32 v6, v25;
	v6 =	vor.u32 v6, v23;
	[tilespmem:v8+s14+$0x0] =	vst.idx.add.f32.msk $0xffff, v15;
	v15 =	vunpack.i.l.bf16.f32 v22  }
0xb2: {  	[tilespmem:v16+s14+$0x0] =	vst.idx.add.f32.msk $0xffff, v18;
	v16 =	vadd.s32 $0x5000, v3;
	v8 =	vunpack.i.u.bf16.f32 v47;
	v12 =	vmul.f32 v15, v20  }
0xb3: {  	v18 =	vunpack.i.u.bf16.f32 v22;
	v3 =	vadd.s32 $0x7800, v3;
	v9 =	vld.idx.msk [tilespmem:v9+s2+$0x0], $0xffff;
	v8 =	vmul.f32 v8, v27  }
0xb4: {  	v5 =	vand.u32 $0xFF80, v16;
	v10 =	vmul.f32 v18, v20;
	v16 =	vunpack.i.l.bf16.f32 v14;
	[tilespmem:v11+s14+$0x0] =	vst.idx.add.f32.msk $0xffff, v12  }
0xb5: {  	v3 =	vand.u32 $0xFF80, v3;
	v11 =	vunpack.i.u.bf16.f32 v14;
	[tilespmem:v28+s14+$0x0] =	vst.idx.add.f32.msk $0xffff, v8;
	v8 =	vmul.f32 v16, v19  }
0xb6: {  	v15 =	vunpack.i.l.bf16.f32 v24;
	v5 =	vor.u32 v1, v5;
	v11 =	vmul.f32 v11, v19;
	[tilespmem:v7+s14+$0x0] =	vst.idx.add.f32.msk $0xffff, v10  }
0xb7: {  	v1 =	vor.u32 v1, v3;
	v7 =	vunpack.i.u.bf16.f32 v24;
	v10 =	vmul.f32 v15, v2;
	[tilespmem:v17+s14+$0x0] =	vst.idx.add.f32.msk $0xffff, v8  }
0xb8: {  	v2 =	vmul.f32 v7, v2;
	v3 =	vunpack.i.l.bf16.f32 v9;
	[tilespmem:v6+s14+$0x0] =	vst.idx.add.f32.msk $0xffff, v11  }
0xb9: {  	[tilespmem:v21+s14+$0x0] =	vst.idx.add.f32.msk $0xffff, v10;
	v3 =	vmul.f32 v3, v13;
	v6 =	vunpack.i.u.bf16.f32 v9  }
0xba: {  	[tilespmem:v4+s14+$0x0] =	vst.idx.add.f32.msk $0xffff, v2;
	v2 =	vmul.f32 v6, v13  }
0xbb: {  	[tilespmem:v5+s14+$0x0] =	vst.idx.add.f32.msk $0xffff, v3  }
0xbc: {  	[tilespmem:v1+s14+$0x0] =	vst.idx.add.f32.msk $0xffff, v2  }
0xbd: {  	s19 =	sshll.u32 s18, $0x1;
	_ =	swait.ge [sflag:s15], $0x1900  }
0xbe: {  	s19 =	sadd.s32 $0x2, s19;
	[sflag:s15] =	ssyncset.done $0x0  }
0xbf: {  	s20 =	smul.u32 $0x320, s19;
	[sflag:s15] =	ssyncadd.s32 $0xFFFFE700  }
0xc0: {  	p0 =	seq.s32 s19, $0x32;
	_ =	swait.ge [sflag:s15], $0x1900  }
0xc1: {  	s20 =	simm.s32 @p0 $0x0;
	[sflag:s15] =	ssyncset.done $0x0  }
0xc2: {  	s30 =	sadd.s32 s3, s20;
	[sflag:s15] =	ssyncadd.s32 $0xFFFFE700  }
0xc3: {  	[tilespmem:s8], [sflag:$0x1] =	stream.linear.gather [hbm4b:s30+s2], $0x1900, $0x38;
	[tilespmem:$0x15400] =	vst v63  }
0xc4: {  	s19 =	simm.s32 $0x10940;
	s31 =	sadd.s32 s4, s20  }
0xc5: {  	[tilespmem:s9], [sflag:$0x1] =	stream.linear.gather [hbm4b:s31+s2], $0x1900, $0x38;
	[tilespmem:$0x15400] =	vst v63  }
0xc6: {  	v4 =	vld [tilespmem:s19+$0xFFFFFFE0]  }
0xc7: {  	v2 =	vld [tilespmem:s19+$0xFFFFFFF0]  }
0xc8: {  	v10 =	vld [tilespmem:s19+$0x10]  }
0xc9: {  	v3 =	vld [tilespmem:s19+$0x30]  }
0xca: {  	v11 =	vld [tilespmem:s19+$0x20]  }
0xcb: {  	v13 =	vld [tilespmem:s19+$0xFFFFFFC0];
	_ =	sdelay $0x1  }
0xcc: {  	v18 =	vld [tilespmem:s19+$0x0]  }
0xcd: {  	v19 =	vld [tilespmem:s19+$0xFFFFFFD0];
	v1 =	vand.u32 $0x7F, v3;
	v28 =	vand.u32 $0x7F, v4;
	v6 =	vand.u32 $0x7F, v2  }
0xce: {  	v14 =	vshrl.u32 v2, $0xE;
	v5 =	vand.u32 $0x7F, v10;
	v7 =	vand.u32 $0x7F, v11  }
0xcf: {  	v34 =	vand.u32 $0x3FFF, v11;
	v23 =	vshrl.u32 v13, $0xE;
	v8 =	vand.u32 $0x7F, v13  }
0xd0: {  	v9 =	vshrl.u32 v3, $0xE;
	v16 =	vand.u32 $0x3FFF, v13;
	v22 =	vshrl.u32 v11, $0xE  }
0xd1: {  	v37 =	vshrl.u32 v10, $0xE;
	v13 =	vshrl.u32 v18, $0xE;
	v21 =	vand.u32 $0x3FFF, v18  }
0xd2: {  	v17 =	vand.u32 $0x3FFF, v2;
	v40 =	vand.u32 $0x3FFF, v19;
	v48 =	vand.u32 $0x3FFF, v4  }
0xd3: {  	v42 =	vshrl.u32 v19, $0xE;
	v43 =	vshrl.u32 v4, $0xE;
	v31 =	vand.u32 $0x7F, v19  }
0xd4: {  	s20 =	simm.s32 $0x13B40;
	v33 =	vand.u32 $0x7F, v18;
	v12 =	vadd.s32 $0x7800, v34;
	v24 =	vadd.s32 $0x2800, v23  }
0xd5: {  	v26 =	vld [tilespmem:s20+$0x0];
	v15 =	vadd.s32 $0x5000, v34;
	v20 =	vadd.s32 $0x5000, v21;
	v4 =	vadd.s32 $0x7800, v40  }
0xd6: {  	v2 =	vld [tilespmem:s20+$0xFFFFFFD0];
	v11 =	vand.u32 $0xFF80, v15;
	v15 =	vand.u32 $0x3FFF, v10;
	v10 =	vadd.s32 $0x2800, v13  }
0xd7: {  	v29 =	vadd.s32 $0x2800, v21;
	v27 =	vand.u32 $0x7FF80, v10;
	v10 =	vadd.s32 $0x2800, v16;
	v60 =	vld.idx.msk [tilespmem:v23+s2+$0x0], $0xffff  }
0xd8: {  	v47 =	vadd.s32 $0x2800, v37;
	v32 =	vadd.s32 $0x7800, v21;
	v10 =	vand.u32 $0x7F80, v10;
	v61 =	vld.idx.msk [tilespmem:v37+s2+$0x0], $0xffff  }
0xd9: {  	v45 =	vadd.s32 $0x2800, v48;
	v19 =	vand.u32 $0x7F80, v29;
	v25 =	vor.u32 v8, v10;
	v10 =	vld [tilespmem:s20+$0x10]  }
0xda: {  	v50 =	vand.u32 $0x7F, v43;
	v52 =	vadd.s32 $0x2800, v17;
	v49 =	vor.u32 v33, v19;
	v19 =	vld.idx.msk [tilespmem:v42+s2+$0x0], $0xffff  }
0xdb: {  	v55 =	vadd.s32 $0x2800, v42;
	v4 =	vand.u32 $0xFF80, v4;
	v36 =	vand.u32 $0xFF80, v20;
	v51 =	vld.idx.msk [tilespmem:v43+s2+$0x0], $0xffff  }
0xdc: {  	v29 =	vadd.s32 $0x2800, v22;
	v45 =	vand.u32 $0x7F80, v45;
	v62 =	vld.idx.msk [tilespmem:v13+s2+$0x0], $0xffff;
	v13 =	vand.u32 $0x7F, v13  }
0xdd: {  	v18 =	vld [tilespmem:s20+$0xFFFFFFC0];
	v55 =	vand.u32 $0x7FF80, v55;
	v54 =	vor.u32 v13, v27;
	v13 =	vadd.s32 $0x2800, v40  }
0xde: {  	v4 =	vor.u32 v31, v4;
	v27 =	vld [tilespmem:s20+$0xFFFFFFE0];
	v41 =	vand.u32 $0x7F80, v13;
	v30 =	vunpack.i.u.bf16.f32 v60  }
0xdf: {  	v20 =	vunpack.i.u.bf16.f32 v61;
	v53 =	vunpack.i.l.bf16.f32 v61;
	v60 =	vunpack.i.l.bf16.f32 v60  }
0xe0: {  	v39 =	vld.idx.msk [tilespmem:v22+s2+$0x0], $0xffff;
	v61 =	vunpack.i.u.bf16.f32 v19;
	v19 =	vunpack.i.l.bf16.f32 v19;
	v58 =	vunpack.i.u.bf16.f32 v51  }
0xe1: {  	v35 =	vmul.f32 v20, v10;
	v20 =	vunpack.i.l.bf16.f32 v62;
	v57 =	vmul.f32 v19, v2;
	v19 =	vld [tilespmem:s20+$0xFFFFFFF0]  }
0xe2: {  	v51 =	vunpack.i.l.bf16.f32 v51;
	v56 =	vmul.f32 v60, v18;
	v13 =	vmul.f32 v20, v26;
	v20 =	vld [tilespmem:s20+$0x20]  }
0xe3: {  	v63 =	vadd.s32 $0x2800, v15;
	v59 =	vor.u32 v28, v45;
	v51 =	vmul.f32 v51, v27;
	[tilespmem:v40+s14+$0x0] =	vst.idx.add.f32.msk $0xffff, v57  }
0xe4: {  	v37 =	vand.u32 $0x7F, v37;
	v44 =	vunpack.i.u.bf16.f32 v62;
	v38 =	vmul.f32 v61, v2;
	[tilespmem:v16+s14+$0x0] =	vst.idx.add.f32.msk $0xffff, v56  }
0xe5: {  	v62 =	vunpack.i.l.bf16.f32 v39;
	v61 =	vadd.s32 $0x5000, v48;
	v53 =	vmul.f32 v53, v10;
	[tilespmem:v48+s14+$0x0] =	vst.idx.add.f32.msk $0xffff, v51  }
0xe6: {  	v57 =	vmul.f32 v58, v27;
	v58 =	vadd.s32 $0x2800, v43;
	[tilespmem:v21+s14+$0x0] =	vst.idx.add.f32.msk $0xffff, v13;
	v21 =	vmul.f32 v44, v26  }
0xe7: {  	v43 =	vand.u32 $0x7F, v42;
	v40 =	vadd.s32 $0x5000, v40;
	v42 =	vand.u32 $0x7F80, v52;
	v44 =	vld.idx.msk [tilespmem:v9+s2+$0x0], $0xffff  }
0xe8: {  	v52 =	vadd.s32 $0x5000, v15;
	v13 =	vand.u32 $0x7F80, v63;
	v40 =	vand.u32 $0xFF80, v40;
	[tilespmem:v49+s14+$0x0] =	vst.idx.add.f32.msk $0xffff, v21  }
0xe9: {  	v63 =	vand.u32 $0x7FF80, v58;
	v46 =	vor.u32 v5, v13;
	v21 =	vor.u32 v31, v40;
	v45 =	vld.idx.msk [tilespmem:v54+s2+$0x0], $0xffff  }
0xea: {  	[tilespmem:v15+s14+$0x0] =	vst.idx.add.f32.msk $0xffff, v53;
	v49 =	vadd.s32 $0x2800, v14;
	v40 =	vor.u32 v43, v55;
	v55 =	vadd.s32 $0x7800, v48  }
0xeb: {  	v13 =	vld [tilespmem:s20+$0x30];
	v60 =	vmul.f32 v62, v20;
	v54 =	vand.u32 $0xFF80, v61;
	v61 =	vand.u32 $0x7FF80, v47  }
0xec: {  	[tilespmem:v59+s14+$0x0] =	vst.idx.add.f32.msk $0xffff, v57;
	v47 =	vor.u32 v50, v63;
	v62 =	vadd.s32 $0x2800, v34;
	v63 =	vand.u32 $0xFF80, v55  }
0xed: {  	v43 =	vld.idx.msk [tilespmem:v14+s2+$0x0], $0xffff;
	v50 =	vand.u32 $0x7F80, v62;
	v37 =	vor.u32 v37, v61;
	v51 =	vunpack.i.l.bf16.f32 v44  }
0xee: {  	s21 =	simm.s32 $0x0;
	[tilespmem:v34+s14+$0x0] =	vst.idx.add.f32.msk $0xffff, v60;
	v34 =	vor.u32 v28, v54;
	v28 =	vor.u32 v28, v63;
	v48 =	vunpack.i.l.bf16.f32 v45  }
.LBB2_7:
0xef: {  	s21 =	sadd.s32 $0x8, s21;
	v49 =	vand.u32 $0x7FF80, v49;
	v53 =	vadd.s32 $0x5000, v17;
	[tilespmem:v46+s14+$0x0] =	vst.idx.add.f32.msk $0xffff, v35;
	v46 =	vand.u32 $0xFF80, v52;
	s19 =	sadd.s32 $0x80, s19;
	s20 =	sadd.s32 $0x80, s20  }
0xf0: {  	v41 =	vor.u32 v31, v41;
	v39 =	vunpack.i.u.bf16.f32 v39;
	v35 =	vld [tilespmem:s19+$0xFFFFFFE0];
	p0 =	slt.u32 s21, $0x188;
	v46 =	vor.u32 v5, v46  }
0xf1: {  	v52 =	vor.u32 v33, v36;
	v36 =	vand.u32 $0xFF80, v32;
	v51 =	vmul.f32 v51, v13;
	v31 =	vld [tilespmem:s19+$0xFFFFFFD0]  }
0xf2: {  	v44 =	vunpack.i.u.bf16.f32 v44;
	v54 =	vor.u32 v33, v36;
	v39 =	vmul.f32 v39, v20;
	v32 =	vld [tilespmem:s19+$0xFFFFFFF0]  }
0xf3: {  	v55 =	vmul.f32 v30, v18;
	v56 =	vadd.s32 $0x7800, v17;
	v50 =	vor.u32 v7, v50;
	v33 =	vld [tilespmem:s19+$0x0]  }
0xf4: {  	v57 =	vunpack.i.l.bf16.f32 v43;
	v42 =	vor.u32 v6, v42;
	v45 =	vunpack.i.u.bf16.f32 v45;
	v30 =	vld [tilespmem:s19+$0x10]  }
0xf5: {  	v43 =	vunpack.i.u.bf16.f32 v43;
	v57 =	vmul.f32 v57, v19;
	v45 =	vmul.f32 v45, v26;
	v36 =	vld [tilespmem:s19+$0xFFFFFFC0]  }
0xf6: {  	v23 =	vand.u32 $0x7F, v23;
	v58 =	vadd.s32 $0x5000, v16;
	v29 =	vand.u32 $0x7FF80, v29;
	v47 =	vld.idx.msk [tilespmem:v47+s2+$0x0], $0xffff  }
0xf7: {  	v24 =	vand.u32 $0x7FF80, v24;
	v12 =	vand.u32 $0xFF80, v12;
	v58 =	vand.u32 $0xFF80, v58;
	[tilespmem:v41+s14+$0x0] =	vst.idx.add.f32.msk $0xffff, v38  }
0xf8: {  	v14 =	vand.u32 $0x7F, v14;
	v23 =	vor.u32 v23, v24;
	v24 =	vor.u32 v8, v58;
	v38 =	vld [tilespmem:s19+$0x20]  }
0xf9: {  	v14 =	vor.u32 v14, v49;
	v49 =	vand.u32 $0xFF80, v53;
	v26 =	vmul.f32 v48, v26;
	v41 =	vld [tilespmem:s19+$0x30]  }
0xfa: {  	v22 =	vand.u32 $0x7F, v22;
	v48 =	vor.u32 v6, v49;
	v49 =	vand.u32 $0xFF80, v56;
	v37 =	vld.idx.msk [tilespmem:v37+s2+$0x0], $0xffff  }
0xfb: {  	v12 =	vor.u32 v7, v12;
	v49 =	vor.u32 v6, v49;
	v6 =	vor.u32 v22, v29;
	v40 =	vld.idx.msk [tilespmem:v40+s2+$0x0], $0xffff  }
0xfc: {  	v7 =	vor.u32 v7, v11;
	v22 =	vunpack.i.u.bf16.f32 v47;
	v29 =	vunpack.i.l.bf16.f32 v47;
	[tilespmem:v52+s14+$0x0] =	vst.idx.add.f32.msk $0xffff, v26  }
0xfd: {  	v11 =	vmul.f32 v29, v27;
	v22 =	vmul.f32 v22, v27;
	v26 =	vadd.s32 $0x2800, v9;
	[tilespmem:v50+s14+$0x0] =	vst.idx.add.f32.msk $0xffff, v39  }
0xfe: {  	v16 =	vadd.s32 $0x7800, v16;
	v27 =	vmul.f32 v43, v19;
	v26 =	vand.u32 $0x7FF80, v26;
	[tilespmem:v54+s14+$0x0] =	vst.idx.add.f32.msk $0xffff, v45  }
0xff: {  	v15 =	vadd.s32 $0x7800, v15;
	v16 =	vand.u32 $0xFF80, v16;
	[tilespmem:v25+s14+$0x0] =	vst.idx.add.f32.msk $0xffff, v55;
	v25 =	vand.u32 $0x3FFF, v3;
	v3 =	vmovc v41  }
0x100: {  	v15 =	vand.u32 $0xFF80, v15;
	v39 =	vmul.f32 v44, v13;
	v29 =	vunpack.i.l.bf16.f32 v37;
	v23 =	vld.idx.msk [tilespmem:v23+s2+$0x0], $0xffff  }
0x101: {  	v37 =	vunpack.i.u.bf16.f32 v37;
	v41 =	vunpack.i.u.bf16.f32 v40;
	v40 =	vunpack.i.l.bf16.f32 v40;
	v6 =	vld.idx.msk [tilespmem:v6+s2+$0x0], $0xffff  }
0x102: {  	v40 =	vmul.f32 v40, v2;
	[tilespmem:v17+s14+$0x0] =	vst.idx.add.f32.msk $0xffff, v57;
	v17 =	vmul.f32 v29, v10;
	v29 =	vadd.s32 $0x2800, v25  }
0x103: {  	v8 =	vor.u32 v8, v16;
	v5 =	vor.u32 v5, v15;
	v15 =	vand.u32 $0x7F80, v29  }
0x104: {  	v9 =	vand.u32 $0x7F, v9;
	v16 =	vadd.s32 $0x5000, v25;
	[tilespmem:v25+s14+$0x0] =	vst.idx.add.f32.msk $0xffff, v51;
	v15 =	vor.u32 v1, v15  }
0x105: {  	v9 =	vor.u32 v9, v26;
	v16 =	vand.u32 $0xFF80, v16;
	v25 =	vadd.s32 $0x7800, v25;
	[tilespmem:v42+s14+$0x0] =	vst.idx.add.f32.msk $0xffff, v27  }
0x106: {  	v26 =	vunpack.i.u.bf16.f32 v23;
	v23 =	vunpack.i.l.bf16.f32 v23;
	[tilespmem:v34+s14+$0x0] =	vst.idx.add.f32.msk $0xffff, v11;
	v11 =	vand.u32 $0xFF80, v25  }
0x107: {  	v23 =	vmul.f32 v23, v18;
	[tilespmem:v46+s14+$0x0] =	vst.idx.add.f32.msk $0xffff, v17;
	v17 =	vunpack.i.u.bf16.f32 v6;
	v6 =	vunpack.i.l.bf16.f32 v6  }
0x108: {  	v18 =	vmul.f32 v26, v18;
	v25 =	vld.idx.msk [tilespmem:v14+s2+$0x0], $0xffff;
	v26 =	vmul.f32 v6, v20  }
0x109: {  	v10 =	vmul.f32 v37, v10;
	v17 =	vmul.f32 v17, v20;
	[tilespmem:v24+s14+$0x0] =	vst.idx.add.f32.msk $0xffff, v23  }
0x10a: {  	[tilespmem:v8+s14+$0x0] =	vst.idx.add.f32.msk $0xffff, v18  }
0x10b: {  	[tilespmem:v15+s14+$0x0] =	vst.idx.add.f32.msk $0xffff, v39  }
0x10c: {  	v20 =	vor.u32 v1, v11;
	v8 =	vand.u32 $0x7F, v3;
	v18 =	vld.idx.msk [tilespmem:v9+s2+$0x0], $0xffff  }
0x10d: {  	v37 =	vand.u32 $0x7F, v35;
	v27 =	vor.u32 v1, v16;
	v6 =	vand.u32 $0x7F, v32;
	v1 =	vmovc v8;
	[tilespmem:v5+s14+$0x0] =	vst.idx.add.f32.msk $0xffff, v10  }
0x10e: {  	v14 =	vshrl.u32 v32, $0xE;
	v8 =	vunpack.i.u.bf16.f32 v25;
	v9 =	vunpack.i.l.bf16.f32 v25;
	[tilespmem:v7+s14+$0x0] =	vst.idx.add.f32.msk $0xffff, v26  }
0x10f: {  	v5 =	vand.u32 $0x7F, v30;
	v7 =	vand.u32 $0x7F, v38;
	v9 =	vmul.f32 v9, v19;
	[tilespmem:v28+s14+$0x0] =	vst.idx.add.f32.msk $0xffff, v22  }
0x110: {  	v2 =	vmul.f32 v41, v2;
	v10 =	vmul.f32 v8, v19;
	v28 =	vand.u32 $0x3FFF, v38;
	[tilespmem:v12+s14+$0x0] =	vst.idx.add.f32.msk $0xffff, v17  }
0x111: {  	v23 =	vshrl.u32 v36, $0xE;
	v8 =	vand.u32 $0x7F, v36;
	v12 =	vadd.s32 $0x7800, v28;
	[tilespmem:v48+s14+$0x0] =	vst.idx.add.f32.msk $0xffff, v9  }
0x112: {  	v24 =	vadd.s32 $0x2800, v23;
	v11 =	vadd.s32 $0x5000, v28;
	v9 =	vshrl.u32 v3, $0xE;
	[tilespmem:v49+s14+$0x0] =	vst.idx.add.f32.msk $0xffff, v10  }
0x113: {  	v16 =	vand.u32 $0x3FFF, v36;
	v22 =	vshrl.u32 v38, $0xE;
	v11 =	vand.u32 $0xFF80, v11;
	[tilespmem:v21+s14+$0x0] =	vst.idx.add.f32.msk $0xffff, v40  }
0x114: {  	v34 =	vshrl.u32 v30, $0xE;
	v15 =	vand.u32 $0x3FFF, v30;
	[tilespmem:v4+s14+$0x0] =	vst.idx.add.f32.msk $0xffff, v2;
	v4 =	vunpack.i.l.bf16.f32 v18  }
0x115: {  	v19 =	vshrl.u32 v33, $0xE;
	v21 =	vand.u32 $0x3FFF, v33;
	v2 =	vld [tilespmem:s20+$0xFFFFFFD0];
	v4 =	vmul.f32 v4, v13  }
0x116: {  	v10 =	vadd.s32 $0x2800, v19;
	v29 =	vadd.s32 $0x5000, v21;
	v18 =	vunpack.i.u.bf16.f32 v18;
	v38 =	vld.idx.msk [tilespmem:v23+s2+$0x0], $0xffff  }
0x117: {  	v17 =	vand.u32 $0x3FFF, v32;
	v40 =	vand.u32 $0x7FF80, v10;
	v13 =	vmul.f32 v18, v13;
	v26 =	vld [tilespmem:s20+$0x0]  }
0x118: {  	v42 =	vand.u32 $0x3FFF, v31;
	v48 =	vand.u32 $0x3FFF, v35;
	v18 =	vadd.s32 $0x2800, v16;
	v10 =	vld [tilespmem:s20+$0x10]  }
0x119: {  	v43 =	vshrl.u32 v31, $0xE;
	v44 =	vshrl.u32 v35, $0xE;
	v18 =	vand.u32 $0x7F80, v18;
	[tilespmem:v27+s14+$0x0] =	vst.idx.add.f32.msk $0xffff, v4  }
0x11a: {  	v25 =	vor.u32 v8, v18;
	v18 =	vadd.s32 $0x2800, v21;
	v4 =	vadd.s32 $0x7800, v42;
	v27 =	vld.idx.msk [tilespmem:v34+s2+$0x0], $0xffff  }
0x11b: {  	v31 =	vand.u32 $0x7F, v31;
	v47 =	vadd.s32 $0x2800, v34;
	v4 =	vand.u32 $0xFF80, v4;
	v45 =	vld.idx.msk [tilespmem:v19+s2+$0x0], $0xffff  }
0x11c: {  	v32 =	vadd.s32 $0x7800, v21;
	v35 =	vand.u32 $0x7F80, v18;
	v4 =	vor.u32 v31, v4;
	[tilespmem:v20+s14+$0x0] =	vst.idx.add.f32.msk $0xffff, v13  }
0x11d: {  	v33 =	vand.u32 $0x7F, v33;
	v30 =	vunpack.i.u.bf16.f32 v38;
	v13 =	vadd.s32 $0x2800, v48;
	v18 =	vld [tilespmem:s20+$0xFFFFFFC0]  }
0x11e: {  	v50 =	vadd.s32 $0x2800, v15;
	v49 =	vor.u32 v33, v35;
	v19 =	vand.u32 $0x7F, v19;
	v46 =	vld.idx.msk [tilespmem:v43+s2+$0x0], $0xffff  }
0x11f: {  	v51 =	vand.u32 $0x7F, v44;
	v36 =	vand.u32 $0xFF80, v29;
	v29 =	vadd.s32 $0x2800, v22;
	v52 =	vld.idx.msk [tilespmem:v44+s2+$0x0], $0xffff  }
0x120: {  	v53 =	vadd.s32 $0x2800, v17;
	v20 =	vunpack.i.u.bf16.f32 v27;
	v54 =	vunpack.i.l.bf16.f32 v27;
	v39 =	vld.idx.msk [tilespmem:v22+s2+$0x0], $0xffff  }
0x121: {  	v38 =	vunpack.i.l.bf16.f32 v38;
	v40 =	vor.u32 v19, v40;
	v35 =	vmul.f32 v20, v10  }
0x122: {  	v55 =	vadd.s32 $0x2800, v43;
	v19 =	vadd.s32 $0x2800, v42;
	v20 =	vunpack.i.l.bf16.f32 v45;
	v27 =	vld [tilespmem:s20+$0xFFFFFFE0]  }
0x123: {  	v41 =	vand.u32 $0x7F80, v19;
	v19 =	vmul.f32 v20, v26;
	v56 =	vmul.f32 v38, v18;
	v20 =	vld [tilespmem:s20+$0x20]  }
0x124: {  	v45 =	vunpack.i.u.bf16.f32 v45;
	v38 =	vunpack.i.u.bf16.f32 v46;
	v46 =	vunpack.i.l.bf16.f32 v46  }
0x125: {  	v46 =	vmul.f32 v46, v2;
	v57 =	vunpack.i.u.bf16.f32 v52;
	[tilespmem:v21+s14+$0x0] =	vst.idx.add.f32.msk $0xffff, v19;
	v21 =	vmul.f32 v45, v26  }
0x126: {  	v38 =	vmul.f32 v38, v2;
	v45 =	vand.u32 $0x7F80, v50;
	v50 =	vunpack.i.l.bf16.f32 v39;
	v19 =	vld [tilespmem:s20+$0xFFFFFFF0]  }
0x127: {  	v58 =	vadd.s32 $0x2800, v44;
	v13 =	vand.u32 $0x7F80, v13;
	[tilespmem:v42+s14+$0x0] =	vst.idx.add.f32.msk $0xffff, v46;
	v57 =	vmul.f32 v57, v27  }
0x128: {  	v59 =	vor.u32 v37, v13;
	v46 =	vor.u32 v5, v45;
	v50 =	vmul.f32 v50, v20;
	v13 =	vld [tilespmem:s20+$0x30]  }
0x129: {  	v43 =	vand.u32 $0x7F, v43;
	v52 =	vunpack.i.l.bf16.f32 v52;
	v42 =	vadd.s32 $0x5000, v42;
	v44 =	vld.idx.msk [tilespmem:v9+s2+$0x0], $0xffff  }
0x12a: {  	v55 =	vand.u32 $0x7FF80, v55;
	v60 =	vadd.s32 $0x5000, v48;
	v42 =	vand.u32 $0xFF80, v42;
	[tilespmem:v49+s14+$0x0] =	vst.idx.add.f32.msk $0xffff, v21  }
0x12b: {  	v21 =	vor.u32 v31, v42;
	v42 =	vand.u32 $0x7F80, v53;
	v49 =	vadd.s32 $0x2800, v14;
	v45 =	vld.idx.msk [tilespmem:v40+s2+$0x0], $0xffff  }
0x12c: {  	v53 =	vand.u32 $0xFF80, v60;
	v40 =	vor.u32 v43, v55;
	v55 =	vadd.s32 $0x7800, v48;
	v43 =	vld.idx.msk [tilespmem:v14+s2+$0x0], $0xffff  }
.Ltmp2:
0x12d: {  	v60 =	vmul.f32 v52, v27;
	v52 =	vand.u32 $0x7FF80, v58;
	v58 =	vand.u32 $0x7FF80, v47;
	[tilespmem:v28+s14+$0x0] =	vst.idx.add.f32.msk $0xffff, v50;
	(pc) =	sbr.rel @p0 .LBB2_7-.Ltmp2, $4  }
0x12e: {  	v47 =	vor.u32 v51, v52;
	v52 =	vadd.s32 $0x5000, v15;
	[tilespmem:v16+s14+$0x0] =	vst.idx.add.f32.msk $0xffff, v56;
	v56 =	vand.u32 $0x7F, v34  }
0x12f: {  	v54 =	vmul.f32 v54, v10;
	v28 =	vadd.s32 $0x2800, v28;
	v51 =	vunpack.i.l.bf16.f32 v44;
	[tilespmem:v48+s14+$0x0] =	vst.idx.add.f32.msk $0xffff, v60  }
0x130: {  	v34 =	vor.u32 v37, v53;
	v50 =	vand.u32 $0x7F80, v28;
	v48 =	vand.u32 $0xFF80, v55;
	[tilespmem:v59+s14+$0x0] =	vst.idx.add.f32.msk $0xffff, v57  }
0x131: {  	v28 =	vor.u32 v37, v48;
	v48 =	vunpack.i.l.bf16.f32 v45;
	v37 =	vor.u32 v56, v58;
	[tilespmem:v15+s14+$0x0] =	vst.idx.add.f32.msk $0xffff, v54  }
0x132: {  	_ =	sdelay $0x1  }
0x133: {  	v31 =	vor.u32 v31, v41;
	v59 =	vand.u32 $0x7FF80, v49  }
0x134: {  	v60 =	vadd.s32 $0x5000, v17;
	v52 =	vand.u32 $0xFF80, v52;
	v39 =	vunpack.i.u.bf16.f32 v39  }
0x135: {  	[tilespmem:v46+s14+$0x0] =	vst.idx.add.f32.msk $0xffff, v35;
	v32 =	vand.u32 $0xFF80, v32;
	v36 =	vor.u32 v33, v36;
	v46 =	vmul.f32 v51, v13  }
0x136: {  	v62 =	vor.u32 v7, v50;
	v30 =	vmul.f32 v30, v18;
	v50 =	vadd.s32 $0x7800, v17  }
0x137: {  	v47 =	vld.idx.msk [tilespmem:v47+s2+$0x0], $0xffff;
	v45 =	vunpack.i.u.bf16.f32 v45;
	v23 =	vand.u32 $0x7F, v23;
	v24 =	vand.u32 $0x7FF80, v24  }
0x138: {  	v63 =	vmul.f32 v48, v26;
	v29 =	vand.u32 $0x7FF80, v29;
	v3 =	vand.u32 $0x3FFF, v3;
	v37 =	vld.idx.msk [tilespmem:v37+s2+$0x0], $0xffff  }
0x139: {  	v22 =	vand.u32 $0x7F, v22;
	v51 =	vor.u32 v6, v42;
	v53 =	vadd.s32 $0x5000, v16;
	[tilespmem:v25+s14+$0x0] =	vst.idx.add.f32.msk $0xffff, v30  }
0x13a: {  	v14 =	vand.u32 $0x7F, v14;
	v32 =	vor.u32 v33, v32;
	v61 =	vmul.f32 v39, v20;
	[tilespmem:v31+s14+$0x0] =	vst.idx.add.f32.msk $0xffff, v38  }
0x13b: {  	v15 =	vadd.s32 $0x7800, v15;
	v35 =	vor.u32 v5, v52;
	v23 =	vor.u32 v23, v24;
	[tilespmem:v36+s14+$0x0] =	vst.idx.add.f32.msk $0xffff, v63  }
0x13c: {  	v48 =	vmul.f32 v45, v26;
	v22 =	vor.u32 v22, v29;
	v52 =	vunpack.i.u.bf16.f32 v43;
	[tilespmem:v62+s14+$0x0] =	vst.idx.add.f32.msk $0xffff, v61  }
0x13d: {  	v14 =	vor.u32 v14, v59;
	v57 =	vand.u32 $0xFF80, v60;
	v60 =	vadd.s32 $0x7800, v16;
	[tilespmem:v3+s14+$0x0] =	vst.idx.add.f32.msk $0xffff, v46  }
0x13e: {  	v59 =	vadd.s32 $0x2800, v9;
	v15 =	vand.u32 $0xFF80, v15;
	v16 =	vand.u32 $0xFF80, v60;
	v24 =	vld.idx.msk [tilespmem:v40+s2+$0x0], $0xffff  }
0x13f: {  	v41 =	vor.u32 v5, v15;
	v36 =	vand.u32 $0xFF80, v53;
	v56 =	vunpack.i.l.bf16.f32 v47;
	[tilespmem:v32+s14+$0x0] =	vst.idx.add.f32.msk $0xffff, v48  }
0x140: {  	v62 =	vadd.s32 $0x2800, v3;
	v40 =	vunpack.i.l.bf16.f32 v43;
	v58 =	vmul.f32 v56, v27;
	v23 =	vld.idx.msk [tilespmem:v23+s2+$0x0], $0xffff  }
0x141: {  	v63 =	vor.u32 v8, v16;
	v22 =	vld.idx.msk [tilespmem:v22+s2+$0x0], $0xffff;
	v48 =	vunpack.i.u.bf16.f32 v47;
	v54 =	vmul.f32 v40, v19  }
0x142: {  	v55 =	vor.u32 v8, v36;
	v33 =	vand.u32 $0x7F80, v62;
	v8 =	vmul.f32 v48, v27;
	[tilespmem:v34+s14+$0x0] =	vst.idx.add.f32.msk $0xffff, v58  }
0x143: {  	v31 =	vmul.f32 v52, v19;
	v61 =	vunpack.i.l.bf16.f32 v37;
	v16 =	vor.u32 v1, v33;
	[tilespmem:v17+s14+$0x0] =	vst.idx.add.f32.msk $0xffff, v54  }
0x144: {  	v32 =	vand.u32 $0x7FF80, v59;
	v36 =	vand.u32 $0x7F, v9;
	v17 =	vmul.f32 v61, v10;
	[tilespmem:v28+s14+$0x0] =	vst.idx.add.f32.msk $0xffff, v8  }
0x145: {  	v39 =	vunpack.i.u.bf16.f32 v44;
	v9 =	vor.u32 v36, v32;
	[tilespmem:v51+s14+$0x0] =	vst.idx.add.f32.msk $0xffff, v31  }
0x146: {  	v12 =	vand.u32 $0xFF80, v12;
	v43 =	vmul.f32 v39, v13;
	v46 =	vunpack.i.u.bf16.f32 v37;
	[tilespmem:v35+s14+$0x0] =	vst.idx.add.f32.msk $0xffff, v17  }
0x147: {  	v11 =	vor.u32 v7, v11;
	v44 =	vand.u32 $0xFF80, v50;
	v50 =	vmul.f32 v46, v10;
	v14 =	vld.idx.msk [tilespmem:v14+s2+$0x0], $0xffff  }
0x148: {  	v45 =	vor.u32 v7, v12;
	v40 =	vor.u32 v6, v57;
	v38 =	vunpack.i.l.bf16.f32 v23;
	[tilespmem:v16+s14+$0x0] =	vst.idx.add.f32.msk $0xffff, v43  }
0x149: {  	v54 =	vadd.s32 $0x5000, v3;
	v49 =	vunpack.i.l.bf16.f32 v22;
	v29 =	vmul.f32 v38, v18;
	[tilespmem:v41+s14+$0x0] =	vst.idx.add.f32.msk $0xffff, v50  }
0x14a: {  	v3 =	vadd.s32 $0x7800, v3;
	v53 =	vunpack.i.l.bf16.f32 v24;
	v52 =	vmul.f32 v49, v20;
	v9 =	vld.idx.msk [tilespmem:v9+s2+$0x0], $0xffff  }
0x14b: {  	v51 =	vor.u32 v6, v44;
	v23 =	vunpack.i.u.bf16.f32 v23;
	v62 =	vmul.f32 v53, v2;
	[tilespmem:v55+s14+$0x0] =	vst.idx.add.f32.msk $0xffff, v29  }
0x14c: {  	v56 =	vand.u32 $0xFF80, v54;
	v61 =	vunpack.i.u.bf16.f32 v24;
	v42 =	vmul.f32 v23, v18;
	[tilespmem:v11+s14+$0x0] =	vst.idx.add.f32.msk $0xffff, v52  }
0x14d: {  	v3 =	vand.u32 $0xFF80, v3;
	v2 =	vmul.f32 v61, v2;
	v55 =	vunpack.i.u.bf16.f32 v22;
	[tilespmem:v21+s14+$0x0] =	vst.idx.add.f32.msk $0xffff, v62  }
0x14e: {  	s18 =	sadd.s32 $0x1, s18;
	v5 =	vor.u32 v1, v56;
	[tilespmem:v63+s14+$0x0] =	vst.idx.add.f32.msk $0xffff, v42;
	v57 =	vmul.f32 v55, v20;
	v58 =	vunpack.i.l.bf16.f32 v14  }
0x14f: {  	p0 =	sne.s32 s18, $0x19;
	v1 =	vor.u32 v1, v3;
	[tilespmem:v4+s14+$0x0] =	vst.idx.add.f32.msk $0xffff, v2;
	v59 =	vunpack.i.u.bf16.f32 v14;
	v60 =	vmul.f32 v58, v19  }
.Ltmp3:
0x150: {  	v11 =	vmul.f32 v59, v19;
	[tilespmem:v45+s14+$0x0] =	vst.idx.add.f32.msk $0xffff, v57;
	v3 =	vunpack.i.l.bf16.f32 v9;
	(pc) =	sbr.rel @p0 .LBB2_4-.Ltmp3, $4  }
0x151: {  	v63 =	vunpack.i.u.bf16.f32 v9;
	[tilespmem:v40+s14+$0x0] =	vst.idx.add.f32.msk $0xffff, v60;
	v3 =	vmul.f32 v3, v13  }
0x152: {  	v2 =	vmul.f32 v63, v13;
	[tilespmem:v51+s14+$0x0] =	vst.idx.add.f32.msk $0xffff, v11  }
0x153: {  	[tilespmem:v5+s14+$0x0] =	vst.idx.add.f32.msk $0xffff, v3  }
0x154: {  	[tilespmem:v1+s14+$0x0] =	vst.idx.add.f32.msk $0xffff, v2  }
0x155: {  	_ =	swait.ge [sflag:s11], $0x1900  }
0x156: {  	[sflag:s11] =	ssyncset.done $0x0  }
0x157: {  	[sflag:s11] =	ssyncadd.s32 $0xFFFFE700  }
0x158: {  	s17 =	sadd.s32 $0x1, s17;
	_ =	swait.ge [sflag:s11], $0x1900  }
0x159: {  	p0 =	sne.s32 s17, s7;
	[sflag:s11] =	ssyncset.done $0x0  }
.Ltmp4:
0x15a: {  	[sflag:s11] =	ssyncadd.s32 $0xFFFFE700;
	(pc) =	sbr.rel @p0 .LBB2_1-.Ltmp4, $4  }
0x15b: {  	[hbm4b:s6+s2] =	stream.linear.scatter [tilespmem:s14], [sflag:$0x4], $0xA000, $0x38;
	[tilespmem:$0x15400] =	vst v63  }
0x15c: {  	_ =	swait.ge [sflag:s16], $0xA000  }
0x15d: {  	[sflag:s16] =	ssyncset.done $0x0  }
0x15e: {  	[sflag:s16] =	ssyncadd.s32 $0xFFFF6000  }
0x15f: {  	_ =	sfence.sel $0x180000  }
0x160: {  	[bflag:$0x0] =	sbarrier.arrive $0xFFFF  }
0x161: {  	p0 =	sne.s32 s0, $0x0;
	_ =	strace $0x9000004A  }
0x162: {  	s0 =	sadd.s32 @!p0 $0x100000, s1;
	[bflag:$0x2] =	sbarrier.arrive $0xFFFF  }
0x163: {  	[sflag:s0] =	ssyncadd.tile.s32 @!p0 $0x1;
	_ =	shalt  }
.Lfunc_end2:
_tile_overlayer_lowered:
.L_overlay_start_2:
0x164: {  	(tag) =	ssettag $0x2  }
0x165: {  	s0 =	rddreg [dreg:$0x0];
	s2 =	stileid.u32  }
0x166: {  	s1 =	rddreg [dreg:$0x1];
	p0 =	sne.s32 s2, $0x0  }
0x167: {  	s3 =	rddreg [dreg:$0x2];
	[bflag:$0x3] =	sbarrier.arrive $0xFFFF;
	s2 =	simm.s32 @!p0 $0x1C04  }
0x168: {  	[timem:s3], [sflag:s2] =	dma.local @!p0 [hbm:s0], s1  }
0x169: {  	s0 =	simm.s32 @!p0 $0x4  }
0x16a: {  	_ =	swait.ge @!p0 [sflag:s0], s1  }
0x16b: {  	s1 =	ssub.s32 @!p0 $0x0, s1;
	[sflag:s0] =	ssyncset.done @!p0 $0x0  }
0x16c: {  	[sflag:s0] =	ssyncadd.s32 @!p0 s1  }
0x16d: {  	[bflag:$0x3] =	sbarrier.arrive $0xFFFF  }
0x16e: {  	_ =	shalt  }

// kernel: kernel.15.cloned.1.call-start
scs
__scs_entry_jumppad:
0x0: {  	(pc) =	sbr.rel $0x88, $3  }
0x1: {  	(tag) =	ssettag $0x0;
	lr =	simm.s32 $0x1  }
0x2: {  	[smem:$0x3F97] =	sst lr;
	_ =	strace $0xD0000000  }
0x3: {  	_ = 	snop  }
0x4: {  	_ = 	snop  }
0x5: {  	_ = 	snop  }
0x6: {  	_ = 	snop  }
0x7: {  	_ = 	snop  }
__scs_overlays_trampoline_lowered:
0x8: {  	[smem:$0x3FA6] =	sst s0  }
0x9: {  	[smem:$0x3FA7] =	sst s1  }
0xa: {  	[smem:$0x3FA8] =	sst s2  }
0xb: {  	[smem:$0x3FA9] =	sst s3  }
0xc: {  	[smem:$0x3FAA] =	sst s4  }
0xd: {  	[smem:$0x3FAB] =	sst s5  }
0xe: {  	[smem:$0x3FAC] =	sst s6  }
0xf: {  	[smem:$0x3FAD] =	sst s7  }
0x10: {  	[smem:$0x3FAE] =	sst s8  }
0x11: {  	[smem:$0x3FAF] =	sst s9;
	s0 =	simm.s32 @!p0 $0x0  }
0x12: {  	s1 =	sld [smem:$0x3F95];
	s0 =	simm.s32 @p0 $0x1  }
0x13: {  	[smem:$0x3FB0] =	sst s0;
	s0 =	simm.s32 @!p1 $0x0  }
0x14: {  	s2 =	sld [smem:$0x3F94];
	s0 =	simm.s32 @p1 $0x1  }
0x15: {  	[smem:$0x3FB1] =	sst s0;
	s0 =	simm.s32 @!p2 $0x0  }
0x16: {  	s3 =	sld [smem:$0x3FDB];
	s0 =	simm.s32 @p2 $0x1  }
0x17: {  	s4 =	simm.s32 $0x1BF5;
	[smem:$0x3FB3] =	sst s0  }
0x18: {  	s0 =	sld [smem:$0x3F96];
	_ =	swait.ge [sflag:s4], $0x0  }
0x19: {  	s7 =	sld [smem:$0x3F97]  }
0x1a: {  	s8 =	sadd.s32 $0xFFFFE003, lr  }
0x1b: {  	s9 =	sadd.s32 $0xFFFFFEF7, lr;
	s5 =	simm.s32 $0xFFFFFFFF;
	p2 =	slt.u32 s8, $0xFFFFF086  }
0x1c: {  	p1 =	slt.u32 s9, $0xF7A;
	s5 =	simm.s32 @!p2 $0x0  }
0x1d: {  	s5 =	simm.s32 @p1 $0x1;
	p0 =	seq.s32 s7, s2  }
0x1e: {  	s7 =	smul.u32 @!p0 $0xF7A, s2;
	p2 =	seq.s32 @!p0 s5, $0x0  }
0x1f: {  	s9 =	smul.u32 $0xF7A, s1;
	s8 =	simm.s32 @!p0 $0x1BF5;
	p2 =	por !p2, p0  }
0x20: {  	[sflag:s8] =	ssyncset.s32 @!p0 $0xFFFFF086;
	s6 =	sadd.s32 @!p0 s3, s7;
	s7 =	simm.s32 @!p0 $0x108  }
0x21: {  	s3 =	sadd.s32 s3, s9;
	s6 =	sadd.s32 @!p0 $0x88, s6;
	s7 =	simm.s32 @p2 $0x1082  }
0x22: {  	[simem:s7], [sflag:s8] =	dma.local @!p0 [hbm:s6], $0xF7A  }
0x23: {  	s9 =	sor.u32 $0xD0000000, s2;
	s6 =	simm.s32 $0x108;
	_ =	swait.ge @!p0 [sflag:s8], $0x0  }
0x24: {  	s3 =	sadd.s32 $0x88, s3;
	s6 =	simm.s32 @!p1 $0x1082;
	[sflag:s4] =	ssyncset.s32 $0xFFFFF086  }
0x25: {  	[simem:s6], [sflag:s4] =	dma.local [hbm:s3], $0xF7A  }
0x26: {  	[smem:$0x3F97] =	sst s1;
	(tag) =	ssettag s2;
	_ =	strace s9  }
0x27: {  	s1 =	sld [smem:$0x3FA7]  }
0x28: {  	s2 =	sld [smem:$0x3FA8]  }
0x29: {  	s4 =	sld [smem:$0x3FAA]  }
0x2a: {  	p0 =	seq.s32 s5, $0x0;
	s5 =	sld [smem:$0x3FAB]  }
0x2b: {  	s6 =	sld [smem:$0x3FAC]  }
0x2c: {  	s7 =	sld [smem:$0x3FAD]  }
0x2d: {  	s3 =	simm.s32 $0x108;
	s8 =	sld [smem:$0x3FAE]  }
0x2e: {  	s3 =	simm.s32 @!p0 $0x1082;
	s9 =	sld [smem:$0x3FAF]  }
0x2f: {  	lr =	sadd.s32 s0, s3;
	s0 =	sld [smem:$0x3FA6]  }
0x30: {  	s3 =	sld [smem:$0x3FA9]  }
0x31: {  	[smem:$0x3FB2] =	sst s10  }
0x32: {  	s10 =	sld [smem:$0x3FB0];
	_ =	sdelay $0x3  }
0x33: {  	p0 =	seq.s32 s10, $0x1;
	s10 =	sld [smem:$0x3FB2];
	_ =	sdelay $0x3  }
0x34: {  	[smem:$0x3FB2] =	sst s10  }
0x35: {  	s10 =	sld [smem:$0x3FB1];
	_ =	sdelay $0x3  }
0x36: {  	p1 =	seq.s32 s10, $0x1;
	s10 =	sld [smem:$0x3FB2];
	_ =	sdelay $0x3  }
0x37: {  	[smem:$0x3FB2] =	sst s10  }
0x38: {  	s10 =	sld [smem:$0x3FB3]  }
0x39: {  	_ = 	snop;
	(pc) =	sbr.ind lr, $3  }
0x3a: {  	_ = 	snop  }
0x3b: {  	_ = 	snop  }
0x3c: {  	p2 =	seq.s32 s10, $0x1;
	s10 =	sld [smem:$0x3FB2]  }
0x3d: {  	_ =	shalt  }
0x3e: {  	_ =	shalt  }
0x3f: {  	_ =	shalt  }
0x40: {  	_ =	shalt  }
0x41: {  	_ =	shalt  }
0x42: {  	_ =	shalt  }
0x43: {  	_ =	shalt  }
0x44: {  	_ =	shalt  }
0x45: {  	_ =	shalt  }
0x46: {  	_ =	shalt  }
0x47: {  	_ =	shalt  }
0x48: {  	_ =	shalt  }
0x49: {  	_ =	shalt  }
0x4a: {  	_ =	shalt  }
0x4b: {  	_ =	shalt  }
0x4c: {  	_ =	shalt  }
0x4d: {  	_ =	shalt  }
0x4e: {  	_ =	shalt  }
0x4f: {  	_ =	shalt  }
0x50: {  	_ =	shalt  }
0x51: {  	_ =	shalt  }
0x52: {  	_ =	shalt  }
0x53: {  	_ =	shalt  }
0x54: {  	_ =	shalt  }
0x55: {  	_ =	shalt  }
0x56: {  	_ =	shalt  }
0x57: {  	_ =	shalt  }
0x58: {  	_ =	shalt  }
0x59: {  	_ =	shalt  }
0x5a: {  	_ =	shalt  }
0x5b: {  	_ =	shalt  }
0x5c: {  	_ =	shalt  }
0x5d: {  	_ =	shalt  }
0x5e: {  	_ =	shalt  }
0x5f: {  	_ =	shalt  }
0x60: {  	_ =	shalt  }
0x61: {  	_ =	shalt  }
0x62: {  	_ =	shalt  }
0x63: {  	_ =	shalt  }
0x64: {  	_ =	shalt  }
0x65: {  	_ =	shalt  }
0x66: {  	_ =	shalt  }
0x67: {  	_ =	shalt  }
0x68: {  	_ =	shalt  }
0x69: {  	_ =	shalt  }
0x6a: {  	_ =	shalt  }
0x6b: {  	_ =	shalt  }
0x6c: {  	_ =	shalt  }
0x6d: {  	_ =	shalt  }
0x6e: {  	_ =	shalt  }
0x6f: {  	_ =	shalt  }
0x70: {  	_ =	shalt  }
0x71: {  	_ =	shalt  }
0x72: {  	_ =	shalt  }
0x73: {  	_ =	shalt  }
0x74: {  	_ =	shalt  }
0x75: {  	_ =	shalt  }
0x76: {  	_ =	shalt  }
0x77: {  	_ =	shalt  }
0x78: {  	_ =	shalt  }
0x79: {  	_ =	shalt  }
0x7a: {  	_ =	shalt  }
0x7b: {  	_ =	shalt  }
0x7c: {  	_ =	shalt  }
0x7d: {  	_ =	shalt  }
0x7e: {  	_ =	shalt  }
0x7f: {  	_ =	shalt  }
0x80: {  	_ =	shalt  }
0x81: {  	_ =	shalt  }
0x82: {  	_ =	shalt  }
0x83: {  	_ =	shalt  }
0x84: {  	_ =	shalt  }
0x85: {  	_ =	shalt  }
0x86: {  	_ =	shalt  }
0x87: {  	_ =	shalt  }
.Lfunc_end0:
.L_simem_size_0:
called_computation.2_lowered:
.L_overlay_start_0:
0x88: {  	s2 =	sld [smem:$0x3FD9]  }
0x89: {  	s3 =	sld [smem:$0x3FFE];
	_ =	sdelay $0x1  }
0x8a: {  	s1 =	srdreg.scid  }
0x8b: {  	s0 =	sand.u32 $0x1, s1  }
0x8c: {  	s16 =	sshll.u32 s0, $0xA;
	s2 =	sadd.s32 s3, s2  }
0x8d: {  	s2 =	sadd.s32 s2, s16  }
0x8e: {  	[smem:$0x3FBE] =	sst s2  }
0x8f: {  	_ = 	snop  }
0x90: {  	(tm) =	ssettm $0x1  }
0x91: {  	s17 =	sld [smem:$0x3FFB];
	_ =	sdelay $0x3  }
0x92: {  	_ =	strace s17  }
0x93: {  	s2 =	sld [smem:$0x3FFC];
	_ =	sdelay $0x3  }
0x94: {  	_ =	strace s2  }
0x95: {  	s2 =	sld [smem:$0x3FFD];
	_ =	sdelay $0x3  }
0x96: {  	_ =	strace s2  }
0x97: {  	_ =	strace $0x8FFFFFFF  }
0x98: {  	s18 =	sld [smem:$0x3FDB];
	_ =	sdelay $0x1  }
0x99: {  	s19 =	simm.s32 $_scs_section_size  }
0x9a: {  	s4 =	simm.s32 $_size__tile_overlayer_lowered;
	s5 =	simm.s32 $_tile_overlayer_lowered  }
0x9b: {  	s22 =	simm.s32 $0x1BFF;
	s21 =	sshll.u32 s5, $0x1;
	s2 =	sadd.s32 s19, s18  }
0x9c: {  	s6 =	simm.s32 $0x0;
	s20 =	sshll.u32 s4, $0x1;
	s4 =	sadd.s32 s21, s2  }
0x9d: {  	[timem:s6], [sflag:s22] =	dma.local [hbm:s4], s20  }
0x9e: {  	_ =	swait.ge [sflag:s22], s20  }
0x9f: {  	s3 =	ssub.s32 $0x0, s20;
	[sflag:s22] =	ssyncset.done $0x0  }
0xa0: {  	[sflag:s22] =	ssyncadd.s32 s3;
	_ =	sdelay $0x1  }
0xa1: {  	s23 =	simm.s32 $0x1B8B  }
0xa2: {  	_ =	swait.ge [sflag:s23], $0x1  }
0xa3: {  	[sflag:s23] =	ssyncset.done $0x0  }
0xa4: {  	s25 =	simm.s32 $0x1B8E;
	s24 =	sld [smem:$0x3FFE];
	[sflag:s23] =	ssyncadd.s32 $0xFFFFFFFF  }
0xa5: {  	s26 =	simm.s32 $execute0_lowered;
	[smem:$0x3FD2] =	sst s25  }
0xa6: {  	s4 =	sshll.u32 s26, $0x1;
	_ =	strace $0x8000004C;
	[dreg:$0x1] =	wrdreg $0xFFFFFFFF  }
0xa7: {  	s28 =	simm.s32 $_size_execute0_lowered;
	s2 =	sadd.s32 s2, s4;
	[dreg:$0x0] =	wrdreg $0x0  }
0xa8: {  	s4 =	sshll.u32 s28, $0x1;
	[dreg:$0x2] =	wrdreg s2  }
0xa9: {  	[dreg:$0x3] =	wrdreg s4  }
0xaa: {  	[dreg:$0x4] =	wrdreg $0xC0  }
0xab: {  	_ =	task [dreg:s6], $0x5FFFF  }
0xac: {  	[dreg:$0x1] =	wrdreg $0xFFFFFFFF  }
0xad: {  	[dreg:$0x0] =	wrdreg $0x60  }
0xae: {  	[dreg:$0x2] =	wrdreg s24  }
0xaf: {  	[dreg:$0x3] =	wrdreg $0x9  }
0xb0: {  	_ =	task.clear_ibuf [dreg:s6], $0x4FFFF;
	_ =	strace $0x9000004C  }
0xb1: {  	s29 =	simm.s32 $0x9;
	_ =	strace $0x8000004E  }
0xb2: {  	_ =	swait.ge [sflag:s29], $0x1  }
0xb3: {  	[sflag:s29] =	ssyncadd.s32 $0xFFFFFFFF  }
0xb4: {  	_ =	strace $0x9000004E  }
0xb5: {  	_ =	sfence  }
0xb6: {  	s30 =	sld [smem:$0x0];
	_ =	sdelay $0x2  }
0xb7: {  	s31 =	sshll.u32 s1, $0xD;
	s1 =	sshrl.u32 s1, $0x2  }
0xb8: {  	s3 =	sand.u32 $0x4000, s31;
	s1 =	sadd.s32 s1, s30  }
0xb9: {  	s0 =	sor.u32 s3, s0;
	s1 =	sshll.u32 s1, $0x11  }
0xba: {  	s0 =	sor.u32 s1, s0  }
0xbb: {  	s0 =	sadd.s32 $0x8F2B, s0  }
0xbc: {  	[sflag:s0] =	ssyncadd.remote.s32 $0x1  }
0xbd: {  	_ =	sfence.sel $0xFFFF  }
0xbe: {  	[dreg:$0x0] =	wrdreg $0xFFFFFFFF;
	(pc) =	sbr.abs _section_cstart, $3  }
0xbf: {  	[dreg:$0x1] =	wrdreg $0xFFFFFFFF  }
0xc0: {  	_ =	task.clear_ibuf [dreg:s6], $0x2FFFF;
	_ =	strace $0x9FFFFFFF  }
0xc1: {  	(tm) =	ssettm $0x7FFFFFFF  }
tec
execute0_lowered:
.L_overlay_start_1:
0x0: {  	(tag) =	ssettag $0x1  }
0x1: {  	s5 =	rddreg [dreg:$0x0]  }
0x2: {  	s0 =	rddreg [dreg:$0x1]  }
0x3: {  	s3 =	srdreg.scid;
	s1 =	stileid.u32  }
0x4: {  	s2 =	simm.s32 $0x0;
	s12 =	simm.s32 $0x2780;
	s13 =	simm.s32 $0x9E00  }
0x5: {  	s14 =	simm.s32 $0xC600;
	s15 =	simm.s32 $0xEE00;
	s16 =	simm.s32 $0x4F00  }
0x6: {  	s17 =	simm.s32 $0x7680;
	s18 =	simm.s32 $0x80;
	s19 =	simm.s32 $0x400  }
0x7: {  	s20 =	simm.s32 $0x0;
	s6 =	sand.u32 $0x1, s3;
	s28 =	sshll.u32 s1, $0x1  }
0x8: {  	[smem:$0x7FF] =	sst s2;
	s29 =	sshrl.u32 s1, $0x2;
	s3 =	sadd.s32 $0x16A00, s5  }
0x9: {  	s4 =	sor.u32 s6, s28;
	_ =	strace $0x8000004D;
	s7 =	smul.u32 $0x14000, s29  }
0xa: {  	s6 =	ssub.s32 $0x2, s6;
	s8 =	sshll.u32 s4, $0x7;
	s9 =	smul.u32 $0x4E2, s4  }
0xb: {  	s4 =	sadd.s32 $0x17000, s5;
	s31 =	sshrl.u32 s6, $0x1;
	s8 =	sand.u32 $0x380, s8  }
0xc: {  	s11 =	ssub.s32 s6, s31;
	s7 =	sor.u32 s7, s8;
	s30 =	sadd.s32 s9, s5  }
0xd: {  	s7 =	sshrl.u32 s7, $0x3;
	s6 =	sadd.s32 $0x2E00, s30;
	s8 =	sadd.s32 $0x17600, s30  }
0xe: {  	s10 =	sadd.s32 s7, s5;
	s5 =	sadd.s32 $0xCC00, s30;
	s7 =	sadd.s32 $0x21400, s30  }
0xf: {  	v0 =	vimm.f32 $0.0e+00;
	s9 =	sadd.s32 $0x35200, s10;
	s10 =	smax.u32 s11, $0x1;
	s11 =	simm.s32 $0x1  }
.LBB2_1:
0x10: {  	[tilespmem:s2], [sflag:$0x1] =	stream.linear.gather [hbm4b:s5+s2], $0x2710, $0x38;
	[tilespmem:$0x11600] =	vst v63  }
0x11: {  	_ =	swait.ge [sflag:s11], $0x2710  }
0x12: {  	[sflag:s11] =	ssyncset.done $0x0  }
0x13: {  	[sflag:s11] =	ssyncadd.s32 $0xFFFFD8F0  }
0x14: {  	[tilespmem:s12], [sflag:$0x1] =	stream.linear.gather [hbm4b:s6+s2], $0x2710, $0x38;
	[tilespmem:$0x11600] =	vst v63  }
0x15: {  	_ =	swait.ge [sflag:s11], $0x2710  }
0x16: {  	[sflag:s11] =	ssyncset.done $0x0  }
0x17: {  	[sflag:s11] =	ssyncadd.s32 $0xFFFFD8F0  }
0x18: {  	[tilespmem:s13], [sflag:$0x1] =	stream.linear.gather [hbm4b:s3+s2], $0x2800, $0x38;
	[tilespmem:$0x11600] =	vst v63  }
0x19: {  	_ =	swait.ge [sflag:s11], $0x2800  }
0x1a: {  	[sflag:s11] =	ssyncset.done $0x0  }
0x1b: {  	[sflag:s11] =	ssyncadd.s32 $0xFFFFD800  }
0x1c: {  	[tilespmem:s14], [sflag:$0x1] =	stream.linear.gather [hbm4b:s4+s2], $0x2800, $0x38;
	[tilespmem:$0x11600] =	vst v63  }
0x1d: {  	_ =	swait.ge [sflag:s11], $0x2800  }
0x1e: {  	[sflag:s11] =	ssyncset.done $0x0  }
0x1f: {  	s24 =	simm.s32 $0xEE40;
	[sflag:s11] =	ssyncadd.s32 $0xFFFFD800  }
0x20: {  	[tilespmem:s24+$0xFFFFFFC0] =	vst v0  }
0x21: {  	[tilespmem:s24+$0x30] =	vst v0  }
0x22: {  	[tilespmem:s24+$0x20] =	vst v0  }
0x23: {  	[tilespmem:s24+$0x10] =	vst v0  }
0x24: {  	[tilespmem:s24+$0x0] =	vst v0  }
0x25: {  	s26 =	simm.s32 $0x0;
	s21 =	simm.s32 $0x76A0;
	[tilespmem:s24+$0xFFFFFFF0] =	vst v0  }
0x26: {  	s23 =	simm.s32 $0x20;
	s25 =	simm.s32 $0x27A0;
	s22 =	simm.s32 $0x4F20;
	[tilespmem:s24+$0xFFFFFFE0] =	vst v0  }
.LBB2_2:
0x27: {  	s26 =	sadd.s32 $0x8, s26;
	[tilespmem:s24+$0xFFFFFFD0] =	vst v0;
	s24 =	sadd.s32 $0x80, s24  }
0x28: {  	[tilespmem:s24+$0xFFFFFFC0] =	vst v0;
	p0 =	slt.u32 s26, $0x278  }
0x29: {  	[tilespmem:s24+$0x30] =	vst v0  }
.Ltmp0:
0x2a: {  	[tilespmem:s24+$0x20] =	vst v0;
	(pc) =	sbr.rel @p0 .LBB2_2-.Ltmp0, $4  }
0x2b: {  	[tilespmem:s24+$0x10] =	vst v0  }
0x2c: {  	[tilespmem:s24+$0x0] =	vst v0  }
0x2d: {  	[tilespmem:s24+$0xFFFFFFF0] =	vst v0  }
0x2e: {  	[tilespmem:s24+$0xFFFFFFE0] =	vst v0  }
0x2f: {  	[tilespmem:s24+$0xFFFFFFD0] =	vst v0  }
0x30: {  	v16 =	vld [tilespmem:s25+$0x20]  }
0x31: {  	v13 =	vld [tilespmem:s23+$0x20];
	_ =	sdelay $0x2  }
0x32: {  	v12 =	vld [tilespmem:s23+$0x10]  }
0x33: {  	v6 =	vld [tilespmem:s23+$0xFFFFFFE0]  }
0x34: {  	v17 =	vld [tilespmem:s25+$0x10]  }
0x35: {  	v4 =	vld [tilespmem:s25+$0x0]  }
0x36: {  	v2 =	vld.idx.msk [tilespmem:v16+s14+$0x0], $0xffff  }
0x37: {  	v5 =	vld.idx.msk [tilespmem:v13+s13+$0x0], $0xffff  }
0x38: {  	v14 =	vld [tilespmem:s23+$0x0]  }
0x39: {  	v1 =	vld [tilespmem:s25+$0xFFFFFFE0]  }
0x3a: {  	v3 =	vld [tilespmem:s25+$0xFFFFFFF0]  }
0x3b: {  	v19 =	vld [tilespmem:s23+$0xFFFFFFF0]  }
0x3c: {  	v7 =	vld.idx.msk [tilespmem:v17+s14+$0x0], $0xffff;
	v2 =	vadd.f32 v2, v5  }
0x3d: {  	v8 =	vld.idx.msk [tilespmem:v12+s13+$0x0], $0xffff  }
0x3e: {  	v9 =	vld.idx.msk [tilespmem:v6+s13+$0x0], $0xffff;
	v15 =	vmul.f32 $2.000000030e-01, v2  }
0x3f: {  	v10 =	vld.idx.msk [tilespmem:v4+s14+$0x0], $0xffff  }
0x40: {  	v11 =	vld.idx.msk [tilespmem:v14+s13+$0x0], $0xffff;
	v2 =	vmax.f32 v2, v15  }
0x41: {  	s23 =	simm.s32 $0x70;
	v18 =	vld.idx.msk [tilespmem:v1+s14+$0x0], $0xffff;
	v22 =	vmul.f32 $1.442695020e+00, v2  }
0x42: {  	v23 =	vld [tilespmem:s23+$0x20]  }
0x43: {  	(erf) = vpow2.f32 v22  }
0x44: {  	v8 =	vadd.f32 v7, v8  }
0x45: {  	v20 =	vld.idx.msk [tilespmem:v19+s13+$0x0], $0xffff;
	v10 =	vadd.f32 v10, v11  }
0x46: {  	v21 =	vld.idx.msk [tilespmem:v3+s14+$0x0], $0xffff;
	v11 =	vadd.f32 v18, v9;
	v15 =	vmul.f32 $2.000000030e-01, v8  }
0x47: {  	v18 =	vmul.f32 $2.000000030e-01, v10  }
0x48: {  	v8 =	vmax.f32 v8, v15;
	v22 =	vmul.f32 $2.000000030e-01, v11  }
0x49: {  	v25 =	vld [tilespmem:s23+$0xFFFFFFF0];
	v10 =	vmax.f32 v10, v18;
	v15 =	vmul.f32 $1.442695020e+00, v8  }
0x4a: {  	v27 =	vld.idx.msk [tilespmem:v23+s13+$0x0], $0xffff;
	v11 =	vmax.f32 v11, v22;
	v22 =	vmul.f32 $1.442695020e+00, v10  }
0x4b: {  	s24 =	simm.s32 $0x27F0;
	v5 =	vld [tilespmem:s23+$0xFFFFFFE0];
	v20 =	vadd.f32 v21, v20;
	(erf) = vpow2.f32 v15;
	v24 =	vmul.f32 $1.442695020e+00, v11  }
0x4c: {  	v13 =	vshll.u32 v13, $0xE;
	v9 =	vld [tilespmem:s24+$0x20];
	(erf) = vpow2.f32 v22;
	v21 =	vpop (erf)  }
0x4d: {  	v13 =	vor.u32 v16, v13;
	v7 =	vld [tilespmem:s23+$0x10];
	(erf) = vpow2.f32 v24;
	v24 =	vmul.f32 $2.000000030e-01, v20;
	[tilespmem:s22+$0x20] =	vst v21  }
0x4e: {  	v8 =	vld [tilespmem:s24+$0x10];
	[tilespmem:s21+$0x20] =	vst v13  }
0x4f: {  	[tilespmem:v16+s15+$0x0] =	vst.idx.add.f32.msk $0xffff, v21;
	v16 =	vmax.f32 v20, v24  }
0x50: {  	v10 =	vld [tilespmem:s24+$0x0];
	v28 =	vmul.f32 $1.442695020e+00, v16  }
0x51: {  	v18 =	vld [tilespmem:s23+$0x0]  }
0x52: {  	v2 =	vld [tilespmem:s24+$0xFFFFFFE0];
	(erf) = vpow2.f32 v28  }
0x53: {  	v19 =	vshll.u32 v19, $0xE;
	v11 =	vld [tilespmem:s24+$0xFFFFFFF0]  }
0x54: {  	v26 =	vld.idx.msk [tilespmem:v9+s14+$0x0], $0xffff  }
0x55: {  	v15 =	vld.idx.msk [tilespmem:v5+s13+$0x0], $0xffff  }
0x56: {  	v12 =	vshll.u32 v12, $0xE;
	v22 =	vld.idx.msk [tilespmem:v8+s14+$0x0], $0xffff;
	v13 =	vor.u32 v3, v19;
	v19 =	vpop (erf);
	v20 =	vshll.u32 v18, $0xE  }
0x57: {  	v14 =	vshll.u32 v14, $0xE;
	v12 =	vor.u32 v17, v12;
	v24 =	vld.idx.msk [tilespmem:v7+s13+$0x0], $0xffff;
	[tilespmem:s22+$0x10] =	vst v19  }
0x58: {  	v14 =	vor.u32 v4, v14;
	v21 =	vld.idx.msk [tilespmem:v10+s14+$0x0], $0xffff;
	v16 =	vshll.u32 v23, $0xE;
	[tilespmem:s21+$0x10] =	vst v12  }
0x59: {  	v23 =	vshll.u32 v25, $0xE;
	v12 =	vor.u32 v9, v16;
	v16 =	vor.u32 v10, v20;
	[tilespmem:v17+s15+$0x0] =	vst.idx.add.f32.msk $0xffff, v19;
	v20 =	vpop (erf)  }
0x5a: {  	s28 =	simm.s32 $0x5;
	s26 =	simm.s32 $0x76A0;
	s25 =	simm.s32 $0x4F20;
	v17 =	vor.u32 v11, v23;
	v23 =	vld.idx.msk [tilespmem:v25+s13+$0x0], $0xffff;
	v25 =	vadd.f32 v26, v27;
	[tilespmem:s22+$0x0] =	vst v20;
	v19 =	vpop (erf)  }
.LBB2_4:
0x5b: {  	s28 =	sadd.s32 $0x5, s28;
	v26 =	vld.idx.msk [tilespmem:v11+s14+$0x0], $0xffff;
	[tilespmem:s22+$0xFFFFFFE0] =	vst v19;
	s25 =	sadd.s32 $0x50, s25;
	s21 =	sadd.s32 $0x50, s21;
	v27 =	vpop (erf)  }
0x5c: {  	p0 =	slt.u32 s28, $0x26C;
	v18 =	vld.idx.msk [tilespmem:v18+s13+$0x0], $0xffff;
	v28 =	vmul.f32 $2.000000030e-01, v25;
	[tilespmem:s26+$0x0] =	vst v14;
	v14 =	vmov v16  }
0x5d: {  	s23 =	sadd.s32 $0x50, s23;
	v22 =	vadd.f32 v22, v24;
	v24 =	vshll.u32 v6, $0xE;
	v6 =	vmov v5;
	v16 =	vld.idx.msk [tilespmem:v2+s14+$0x0], $0xffff;
	[tilespmem:s22+$0xFFFFFFF0] =	vst v27;
	s22 =	smov.u32 s25  }
0x5e: {  	v24 =	vor.u32 v1, v24;
	v29 =	vld [tilespmem:s23+$0x10];
	v25 =	vmax.f32 v25, v28;
	[tilespmem:s26+$0xFFFFFFF0] =	vst v13;
	v13 =	vmov v17  }
0x5f: {  	v17 =	vmul.f32 $2.000000030e-01, v22;
	v5 =	vld [tilespmem:s23+$0xFFFFFFE0];
	v25 =	vmul.f32 $1.442695020e+00, v25;
	[tilespmem:s26+$0xFFFFFFE0] =	vst v24;
	s26 =	smov.u32 s21  }
0x60: {  	[tilespmem:v4+s15+$0x0] =	vst.idx.add.f32.msk $0xffff, v20;
	v4 =	vmov v10  }
0x61: {  	v10 =	vadd.f32 v26, v23;
	v17 =	vmax.f32 v22, v17;
	[tilespmem:v3+s15+$0x0] =	vst.idx.add.f32.msk $0xffff, v27;
	v3 =	vmov v11  }
0x62: {  	s24 =	sadd.s32 $0x50, s24;
	v11 =	vadd.f32 v21, v18;
	v17 =	vmul.f32 $1.442695020e+00, v17;
	[tilespmem:v1+s15+$0x0] =	vst.idx.add.f32.msk $0xffff, v19;
	v1 =	vmov v2  }
0x63: {  	v16 =	vadd.f32 v16, v15;
	v15 =	vmul.f32 $2.000000030e-01, v10;
	v2 =	vld [tilespmem:s24+$0xFFFFFFE0];
	(erf) = vpow2.f32 v25  }
0x64: {  	v18 =	vmul.f32 $2.000000030e-01, v11;
	v19 =	vld [tilespmem:s24+$0x20]  }
0x65: {  	v21 =	vmul.f32 $2.000000030e-01, v16;
	v10 =	vmax.f32 v10, v15;
	v20 =	vld [tilespmem:s23+$0x20]  }
0x66: {  	v22 =	vmul.f32 $1.442695020e+00, v10;
	v10 =	vmax.f32 v11, v18;
	v23 =	vld [tilespmem:s24+$0x10];
	(erf) = vpow2.f32 v17  }
0x67: {  	v11 =	vmax.f32 v16, v21;
	v16 =	vmul.f32 $1.442695020e+00, v10;
	v15 =	vld.idx.msk [tilespmem:v5+s13+$0x0], $0xffff  }
0x68: {  	v17 =	vmul.f32 $1.442695020e+00, v11;
	v10 =	vld [tilespmem:s24+$0x0]  }
0x69: {  	v18 =	vld [tilespmem:s23+$0x0];
	(erf) = vpow2.f32 v16  }
0x6a: {  	v11 =	vld [tilespmem:s24+$0xFFFFFFF0];
	v16 =	vshll.u32 v20, $0xE;
	(erf) = vpow2.f32 v17  }
0x6b: {  	v25 =	vld [tilespmem:s23+$0xFFFFFFF0];
	v16 =	vor.u32 v19, v16;
	(erf) = vpow2.f32 v22  }
0x6c: {  	v26 =	vld.idx.msk [tilespmem:v19+s14+$0x0], $0xffff;
	v17 =	vpop (erf)  }
0x6d: {  	v27 =	vld.idx.msk [tilespmem:v20+s13+$0x0], $0xffff;
	[tilespmem:s25+$0x20] =	vst v17  }
0x6e: {  	v20 =	vshll.u32 v18, $0xE;
	v22 =	vld.idx.msk [tilespmem:v23+s14+$0x0], $0xffff;
	[tilespmem:s21+$0x20] =	vst v12;
	v12 =	vmov v16  }
.Ltmp1:
0x6f: {  	v16 =	vor.u32 v10, v20;
	v20 =	vshll.u32 v7, $0xE;
	[tilespmem:v9+s15+$0x0] =	vst.idx.add.f32.msk $0xffff, v17;
	v28 =	vpop (erf);
	v7 =	vmov v29;
	(pc) =	sbr.rel @p0 .LBB2_4-.Ltmp1, $4  }
0x70: {  	v9 =	vmov v19;
	v17 =	vshll.u32 v25, $0xE;
	v24 =	vld.idx.msk [tilespmem:v29+s13+$0x0], $0xffff;
	[tilespmem:s25+$0x10] =	vst v28;
	v29 =	vor.u32 v8, v20  }
0x71: {  	v17 =	vor.u32 v11, v17;
	v21 =	vld.idx.msk [tilespmem:v10+s14+$0x0], $0xffff;
	[tilespmem:s21+$0x10] =	vst v29  }
0x72: {  	[tilespmem:v8+s15+$0x0] =	vst.idx.add.f32.msk $0xffff, v28;
	v20 =	vpop (erf);
	v8 =	vmov v23  }
0x73: {  	v23 =	vld.idx.msk [tilespmem:v25+s13+$0x0], $0xffff;
	v25 =	vadd.f32 v26, v27;
	[tilespmem:s25+$0x0] =	vst v20;
	v19 =	vpop (erf)  }
0x74: {  	_ =	sdelay $0x3  }
0x75: {  	v18 =	vld.idx.msk [tilespmem:v18+s13+$0x0], $0xffff  }
0x76: {  	v27 =	vld.idx.msk [tilespmem:v2+s14+$0x0], $0xffff;
	v26 =	vmul.f32 $2.000000030e-01, v25  }
0x77: {  	v22 =	vadd.f32 v22, v24  }
0x78: {  	v53 =	vld.idx.msk [tilespmem:v11+s14+$0x0], $0xffff;
	v25 =	vmax.f32 v25, v26  }
0x79: {  	v54 =	vmul.f32 $2.000000030e-01, v22;
	v25 =	vmul.f32 $1.442695020e+00, v25  }
0x7a: {  	v18 =	vadd.f32 v21, v18  }
0x7b: {  	v55 =	vmax.f32 v22, v54;
	v15 =	vadd.f32 v27, v15;
	(erf) = vpow2.f32 v25  }
0x7c: {  	v21 =	vmul.f32 $1.442695020e+00, v55;
	v56 =	vmul.f32 $2.000000030e-01, v18  }
0x7d: {  	[tilespmem:s22+$0xFFFFFFE0] =	vst v19;
	v23 =	vadd.f32 v53, v23;
	v57 =	vmul.f32 $2.000000030e-01, v15  }
0x7e: {  	v58 =	vpop (erf);
	[tilespmem:s26+$0x0] =	vst v14;
	(erf) = vpow2.f32 v21;
	v59 =	vmax.f32 v18, v56  }
0x7f: {  	[tilespmem:s22+$0xFFFFFFF0] =	vst v58;
	v60 =	vmul.f32 $2.000000030e-01, v23;
	v15 =	vmax.f32 v15, v57;
	v14 =	vmul.f32 $1.442695020e+00, v59  }
0x80: {  	v6 =	vshll.u32 v6, $0xE;
	[tilespmem:v4+s15+$0x0] =	vst.idx.add.f32.msk $0xffff, v20;
	v61 =	vmul.f32 $1.442695020e+00, v15  }
0x81: {  	v6 =	vor.u32 v1, v6;
	[tilespmem:s26+$0xFFFFFFF0] =	vst v13;
	v62 =	vmax.f32 v23, v60;
	(erf) = vpow2.f32 v14  }
0x82: {  	[tilespmem:s26+$0xFFFFFFE0] =	vst v6;
	v63 =	vmul.f32 $1.442695020e+00, v62;
	(erf) = vpow2.f32 v61  }
0x83: {  	[tilespmem:v3+s15+$0x0] =	vst.idx.add.f32.msk $0xffff, v58  }
0x84: {  	s31 =	sadd.s32 $0x50, s25;
	[tilespmem:v1+s15+$0x0] =	vst.idx.add.f32.msk $0xffff, v19;
	(erf) = vpow2.f32 v63;
	v1 =	vpop (erf)  }
0x85: {  	s21 =	sadd.s32 $0x50, s21;
	[tilespmem:s31+$0x20] =	vst v1  }
0x86: {  	[tilespmem:s21+$0x20] =	vst v12  }
0x87: {  	v3 =	vshll.u32 v7, $0xE;
	[tilespmem:v9+s15+$0x0] =	vst.idx.add.f32.msk $0xffff, v1;
	v1 =	vpop (erf)  }
0x88: {  	v3 =	vor.u32 v8, v3;
	[tilespmem:s31+$0x10] =	vst v1  }
0x89: {  	[tilespmem:s21+$0x10] =	vst v3  }
0x8a: {  	[tilespmem:v8+s15+$0x0] =	vst.idx.add.f32.msk $0xffff, v1;
	v1 =	vpop (erf)  }
0x8b: {  	[tilespmem:s31+$0x0] =	vst v1;
	v3 =	vpop (erf)  }
0x8c: {  	[tilespmem:s31+$0xFFFFFFE0] =	vst v3  }
0x8d: {  	v5 =	vshll.u32 v5, $0xE;
	v4 =	vpop (erf);
	[tilespmem:s21+$0x0] =	vst v16  }
0x8e: {  	v5 =	vor.u32 v2, v5;
	[tilespmem:s31+$0xFFFFFFF0] =	vst v4  }
0x8f: {  	[tilespmem:s21+$0xFFFFFFE0] =	vst v5  }
0x90: {  	[tilespmem:v10+s15+$0x0] =	vst.idx.add.f32.msk $0xffff, v1  }
0x91: {  	[tilespmem:s21+$0xFFFFFFF0] =	vst v17  }
0x92: {  	[tilespmem:v2+s15+$0x0] =	vst.idx.add.f32.msk $0xffff, v3  }
0x93: {  	[tilespmem:v11+s15+$0x0] =	vst.idx.add.f32.msk $0xffff, v4  }
0x94: {  	[hbm4b:s7+s2] =	stream.linear.scatter [tilespmem:s16], [sflag:$0x1], $0x2710, $0x38;
	[tilespmem:$0x11600] =	vst v63  }
0x95: {  	_ =	swait.ge [sflag:s11], $0x2710  }
0x96: {  	[sflag:s11] =	ssyncset.done $0x0  }
0x97: {  	[sflag:s11] =	ssyncadd.s32 $0xFFFFD8F0  }
0x98: {  	[hbm4b:s8+s2] =	stream.linear.scatter [tilespmem:s17], [sflag:$0x1], $0x2710, $0x38;
	[tilespmem:$0x11600] =	vst v63  }
0x99: {  	s20 =	sadd.s32 $0x1, s20;
	_ =	swait.ge [sflag:s11], $0x2710  }
0x9a: {  	p0 =	sne.s32 s20, s10;
	[sflag:s11] =	ssyncset.done $0x0  }
.Ltmp2:
0x9b: {  	[sflag:s11] =	ssyncadd.s32 $0xFFFFD8F0;
	(pc) =	sbr.rel @p0 .LBB2_1-.Ltmp2, $4  }
0x9c: {  	[hbm4b:s9+s18] =	stream.strided.scatter [tilespmem:s15], [sflag:$0x1], $0x2800, s19, s18, $0x38;
	[tilespmem:$0x11600] =	vst v63  }
0x9d: {  	_ =	swait.ge [sflag:s11], $0x2800  }
0x9e: {  	[sflag:s11] =	ssyncset.done $0x0  }
0x9f: {  	[sflag:s11] =	ssyncadd.s32 $0xFFFFD800  }
0xa0: {  	_ =	sfence.sel $0x180000  }
0xa1: {  	[bflag:$0x0] =	sbarrier.arrive $0xFFFF  }
0xa2: {  	p0 =	sne.s32 s1, $0x0;
	_ =	strace $0x9000004D  }
0xa3: {  	s0 =	sadd.s32 @!p0 $0x100000, s0;
	[bflag:$0x2] =	sbarrier.arrive $0xFFFF  }
0xa4: {  	[sflag:s0] =	ssyncadd.tile.s32 @!p0 $0x1;
	_ =	shalt  }
.Lfunc_end2:
_tile_overlayer_lowered:
.L_overlay_start_2:
0xa5: {  	(tag) =	ssettag $0x2  }
0xa6: {  	s0 =	rddreg [dreg:$0x0];
	s2 =	stileid.u32  }
0xa7: {  	s1 =	rddreg [dreg:$0x1];
	p0 =	sne.s32 s2, $0x0  }
0xa8: {  	s3 =	rddreg [dreg:$0x2];
	[bflag:$0x3] =	sbarrier.arrive $0xFFFF;
	s2 =	simm.s32 @!p0 $0x1C01  }
0xa9: {  	[timem:s3], [sflag:s2] =	dma.local @!p0 [hbm:s0], s1  }
0xaa: {  	s0 =	simm.s32 @!p0 $0x1  }
0xab: {  	_ =	swait.ge @!p0 [sflag:s0], s1  }
0xac: {  	s1 =	ssub.s32 @!p0 $0x0, s1;
	[sflag:s0] =	ssyncset.done @!p0 $0x0  }
0xad: {  	[sflag:s0] =	ssyncadd.s32 @!p0 s1  }
0xae: {  	[bflag:$0x3] =	sbarrier.arrive $0xFFFF  }
0xaf: {  	_ =	shalt  }

// kernel: kernel.18.cloned.1.call-start
scs
__scs_entry_jumppad:
0x0: {  	(pc) =	sbr.rel $0x88, $3  }
0x1: {  	(tag) =	ssettag $0x0;
	lr =	simm.s32 $0x1  }
0x2: {  	[smem:$0x3F97] =	sst lr;
	_ =	strace $0xD0000000  }
0x3: {  	_ = 	snop  }
0x4: {  	_ = 	snop  }
0x5: {  	_ = 	snop  }
0x6: {  	_ = 	snop  }
0x7: {  	_ = 	snop  }
__scs_overlays_trampoline_lowered:
0x8: {  	[smem:$0x3FA6] =	sst s0  }
0x9: {  	[smem:$0x3FA7] =	sst s1  }
0xa: {  	[smem:$0x3FA8] =	sst s2  }
0xb: {  	[smem:$0x3FA9] =	sst s3  }
0xc: {  	[smem:$0x3FAA] =	sst s4  }
0xd: {  	[smem:$0x3FAB] =	sst s5  }
0xe: {  	[smem:$0x3FAC] =	sst s6  }
0xf: {  	[smem:$0x3FAD] =	sst s7  }
0x10: {  	[smem:$0x3FAE] =	sst s8  }
0x11: {  	[smem:$0x3FAF] =	sst s9;
	s0 =	simm.s32 @!p0 $0x0  }
0x12: {  	s1 =	sld [smem:$0x3F95];
	s0 =	simm.s32 @p0 $0x1  }
0x13: {  	[smem:$0x3FB0] =	sst s0;
	s0 =	simm.s32 @!p1 $0x0  }
0x14: {  	s2 =	sld [smem:$0x3F94];
	s0 =	simm.s32 @p1 $0x1  }
0x15: {  	[smem:$0x3FB1] =	sst s0;
	s0 =	simm.s32 @!p2 $0x0  }
0x16: {  	s3 =	sld [smem:$0x3FDB];
	s0 =	simm.s32 @p2 $0x1  }
0x17: {  	s4 =	simm.s32 $0x1BF5;
	[smem:$0x3FB3] =	sst s0  }
0x18: {  	s0 =	sld [smem:$0x3F96];
	_ =	swait.ge [sflag:s4], $0x0  }
0x19: {  	s7 =	sld [smem:$0x3F97]  }
0x1a: {  	s8 =	sadd.s32 $0xFFFFE003, lr  }
0x1b: {  	s9 =	sadd.s32 $0xFFFFFEF7, lr;
	s5 =	simm.s32 $0xFFFFFFFF;
	p2 =	slt.u32 s8, $0xFFFFF086  }
0x1c: {  	p1 =	slt.u32 s9, $0xF7A;
	s5 =	simm.s32 @!p2 $0x0  }
0x1d: {  	s5 =	simm.s32 @p1 $0x1;
	p0 =	seq.s32 s7, s2  }
0x1e: {  	s7 =	smul.u32 @!p0 $0xF7A, s2;
	p2 =	seq.s32 @!p0 s5, $0x0  }
0x1f: {  	s9 =	smul.u32 $0xF7A, s1;
	s8 =	simm.s32 @!p0 $0x1BF5;
	p2 =	por !p2, p0  }
0x20: {  	[sflag:s8] =	ssyncset.s32 @!p0 $0xFFFFF086;
	s6 =	sadd.s32 @!p0 s3, s7;
	s7 =	simm.s32 @!p0 $0x108  }
0x21: {  	s3 =	sadd.s32 s3, s9;
	s6 =	sadd.s32 @!p0 $0x88, s6;
	s7 =	simm.s32 @p2 $0x1082  }
0x22: {  	[simem:s7], [sflag:s8] =	dma.local @!p0 [hbm:s6], $0xF7A  }
0x23: {  	s9 =	sor.u32 $0xD0000000, s2;
	s6 =	simm.s32 $0x108;
	_ =	swait.ge @!p0 [sflag:s8], $0x0  }
0x24: {  	s3 =	sadd.s32 $0x88, s3;
	s6 =	simm.s32 @!p1 $0x1082;
	[sflag:s4] =	ssyncset.s32 $0xFFFFF086  }
0x25: {  	[simem:s6], [sflag:s4] =	dma.local [hbm:s3], $0xF7A  }
0x26: {  	[smem:$0x3F97] =	sst s1;
	(tag) =	ssettag s2;
	_ =	strace s9  }
0x27: {  	s1 =	sld [smem:$0x3FA7]  }
0x28: {  	s2 =	sld [smem:$0x3FA8]  }
0x29: {  	s4 =	sld [smem:$0x3FAA]  }
0x2a: {  	p0 =	seq.s32 s5, $0x0;
	s5 =	sld [smem:$0x3FAB]  }
0x2b: {  	s6 =	sld [smem:$0x3FAC]  }
0x2c: {  	s7 =	sld [smem:$0x3FAD]  }
0x2d: {  	s3 =	simm.s32 $0x108;
	s8 =	sld [smem:$0x3FAE]  }
0x2e: {  	s3 =	simm.s32 @!p0 $0x1082;
	s9 =	sld [smem:$0x3FAF]  }
0x2f: {  	lr =	sadd.s32 s0, s3;
	s0 =	sld [smem:$0x3FA6]  }
0x30: {  	s3 =	sld [smem:$0x3FA9]  }
0x31: {  	[smem:$0x3FB2] =	sst s10  }
0x32: {  	s10 =	sld [smem:$0x3FB0];
	_ =	sdelay $0x3  }
0x33: {  	p0 =	seq.s32 s10, $0x1;
	s10 =	sld [smem:$0x3FB2];
	_ =	sdelay $0x3  }
0x34: {  	[smem:$0x3FB2] =	sst s10  }
0x35: {  	s10 =	sld [smem:$0x3FB1];
	_ =	sdelay $0x3  }
0x36: {  	p1 =	seq.s32 s10, $0x1;
	s10 =	sld [smem:$0x3FB2];
	_ =	sdelay $0x3  }
0x37: {  	[smem:$0x3FB2] =	sst s10  }
0x38: {  	s10 =	sld [smem:$0x3FB3]  }
0x39: {  	_ = 	snop;
	(pc) =	sbr.ind lr, $3  }
0x3a: {  	_ = 	snop  }
0x3b: {  	_ = 	snop  }
0x3c: {  	p2 =	seq.s32 s10, $0x1;
	s10 =	sld [smem:$0x3FB2]  }
0x3d: {  	_ =	shalt  }
0x3e: {  	_ =	shalt  }
0x3f: {  	_ =	shalt  }
0x40: {  	_ =	shalt  }
0x41: {  	_ =	shalt  }
0x42: {  	_ =	shalt  }
0x43: {  	_ =	shalt  }
0x44: {  	_ =	shalt  }
0x45: {  	_ =	shalt  }
0x46: {  	_ =	shalt  }
0x47: {  	_ =	shalt  }
0x48: {  	_ =	shalt  }
0x49: {  	_ =	shalt  }
0x4a: {  	_ =	shalt  }
0x4b: {  	_ =	shalt  }
0x4c: {  	_ =	shalt  }
0x4d: {  	_ =	shalt  }
0x4e: {  	_ =	shalt  }
0x4f: {  	_ =	shalt  }
0x50: {  	_ =	shalt  }
0x51: {  	_ =	shalt  }
0x52: {  	_ =	shalt  }
0x53: {  	_ =	shalt  }
0x54: {  	_ =	shalt  }
0x55: {  	_ =	shalt  }
0x56: {  	_ =	shalt  }
0x57: {  	_ =	shalt  }
0x58: {  	_ =	shalt  }
0x59: {  	_ =	shalt  }
0x5a: {  	_ =	shalt  }
0x5b: {  	_ =	shalt  }
0x5c: {  	_ =	shalt  }
0x5d: {  	_ =	shalt  }
0x5e: {  	_ =	shalt  }
0x5f: {  	_ =	shalt  }
0x60: {  	_ =	shalt  }
0x61: {  	_ =	shalt  }
0x62: {  	_ =	shalt  }
0x63: {  	_ =	shalt  }
0x64: {  	_ =	shalt  }
0x65: {  	_ =	shalt  }
0x66: {  	_ =	shalt  }
0x67: {  	_ =	shalt  }
0x68: {  	_ =	shalt  }
0x69: {  	_ =	shalt  }
0x6a: {  	_ =	shalt  }
0x6b: {  	_ =	shalt  }
0x6c: {  	_ =	shalt  }
0x6d: {  	_ =	shalt  }
0x6e: {  	_ =	shalt  }
0x6f: {  	_ =	shalt  }
0x70: {  	_ =	shalt  }
0x71: {  	_ =	shalt  }
0x72: {  	_ =	shalt  }
0x73: {  	_ =	shalt  }
0x74: {  	_ =	shalt  }
0x75: {  	_ =	shalt  }
0x76: {  	_ =	shalt  }
0x77: {  	_ =	shalt  }
0x78: {  	_ =	shalt  }
0x79: {  	_ =	shalt  }
0x7a: {  	_ =	shalt  }
0x7b: {  	_ =	shalt  }
0x7c: {  	_ =	shalt  }
0x7d: {  	_ =	shalt  }
0x7e: {  	_ =	shalt  }
0x7f: {  	_ =	shalt  }
0x80: {  	_ =	shalt  }
0x81: {  	_ =	shalt  }
0x82: {  	_ =	shalt  }
0x83: {  	_ =	shalt  }
0x84: {  	_ =	shalt  }
0x85: {  	_ =	shalt  }
0x86: {  	_ =	shalt  }
0x87: {  	_ =	shalt  }
.Lfunc_end0:
.L_simem_size_0:
called_computation.3_lowered:
.L_overlay_start_0:
0x88: {  	s2 =	sld [smem:$0x3FD9]  }
0x89: {  	s3 =	sld [smem:$0x3FFE];
	_ =	sdelay $0x1  }
0x8a: {  	s1 =	srdreg.scid  }
0x8b: {  	s0 =	sand.u32 $0x1, s1  }
0x8c: {  	s17 =	sshll.u32 s0, $0xA;
	s2 =	sadd.s32 s3, s2  }
0x8d: {  	s2 =	sadd.s32 s2, s17  }
0x8e: {  	[smem:$0x3FBE] =	sst s2  }
0x8f: {  	_ = 	snop  }
0x90: {  	s2 =	sld [smem:$0x3FD0];
	(tm) =	ssettm $0x1  }
0x91: {  	s18 =	sld [smem:$0x3FFB];
	_ =	sdelay $0x3  }
0x92: {  	_ =	strace s18  }
0x93: {  	s3 =	sld [smem:$0x3FFC];
	_ =	sdelay $0x3  }
0x94: {  	_ =	strace s3  }
0x95: {  	s3 =	sld [smem:$0x3FFD];
	_ =	sdelay $0x3  }
0x96: {  	_ =	strace s3  }
0x97: {  	_ =	strace $0x8FFFFFFF  }
0x98: {  	s19 =	sld [smem:$0x3FDB];
	_ =	sdelay $0x1  }
0x99: {  	s4 =	simm.s32 $_scs_section_size  }
0x9a: {  	s5 =	simm.s32 $_size__tile_overlayer_lowered;
	s6 =	simm.s32 $_tile_overlayer_lowered  }
0x9b: {  	s22 =	simm.s32 $0x1BFF;
	s21 =	sshll.u32 s6, $0x1;
	s3 =	sadd.s32 s4, s19  }
0x9c: {  	s7 =	simm.s32 $0x0;
	s20 =	sshll.u32 s5, $0x1;
	s5 =	sadd.s32 s21, s3  }
0x9d: {  	[timem:s7], [sflag:s22] =	dma.local [hbm:s5], s20  }
0x9e: {  	_ =	swait.ge [sflag:s22], s20  }
0x9f: {  	s4 =	ssub.s32 $0x0, s20;
	[sflag:s22] =	ssyncset.done $0x0  }
0xa0: {  	[sflag:s22] =	ssyncadd.s32 s4;
	_ =	sdelay $0x1  }
0xa1: {  	s23 =	simm.s32 $0x1B8B  }
0xa2: {  	_ =	swait.ge [sflag:s23], $0x1  }
0xa3: {  	[sflag:s23] =	ssyncset.done $0x0  }
0xa4: {  	s25 =	simm.s32 $0x1B8E;
	s24 =	sld [smem:$0x3FFE];
	[sflag:s23] =	ssyncadd.s32 $0xFFFFFFFF  }
0xa5: {  	s26 =	simm.s32 $execute0_lowered;
	[smem:$0x3FD2] =	sst s25  }
0xa6: {  	s5 =	sshll.u32 s26, $0x1;
	_ =	strace $0x8000004F;
	[dreg:$0x1] =	wrdreg $0xFFFFFFFF  }
0xa7: {  	s28 =	simm.s32 $_size_execute0_lowered;
	s3 =	sadd.s32 s3, s5;
	[dreg:$0x0] =	wrdreg $0x0  }
0xa8: {  	s5 =	sshll.u32 s28, $0x1;
	[dreg:$0x2] =	wrdreg s3  }
0xa9: {  	[dreg:$0x3] =	wrdreg s5  }
0xaa: {  	[dreg:$0x4] =	wrdreg $0xC0  }
0xab: {  	_ =	task [dreg:s7], $0x5FFFF  }
0xac: {  	[dreg:$0x1] =	wrdreg $0xFFFFFFFF  }
0xad: {  	[dreg:$0x0] =	wrdreg $0x60  }
0xae: {  	[dreg:$0x2] =	wrdreg s2  }
0xaf: {  	[dreg:$0x3] =	wrdreg s24  }
0xb0: {  	[dreg:$0x4] =	wrdreg $0x9  }
0xb1: {  	_ =	task.clear_ibuf [dreg:s7], $0x5FFFF;
	_ =	strace $0x9000004F  }
0xb2: {  	s29 =	simm.s32 $0x9;
	_ =	strace $0x80000051  }
0xb3: {  	_ =	swait.ge [sflag:s29], $0x1  }
0xb4: {  	[sflag:s29] =	ssyncadd.s32 $0xFFFFFFFF  }
0xb5: {  	_ =	strace $0x90000051  }
0xb6: {  	_ =	sfence  }
0xb7: {  	s30 =	sld [smem:$0x0];
	_ =	sdelay $0x2  }
0xb8: {  	s31 =	sshll.u32 s1, $0xD;
	s1 =	sshrl.u32 s1, $0x2  }
0xb9: {  	s3 =	sand.u32 $0x4000, s31;
	s1 =	sadd.s32 s1, s30  }
0xba: {  	s0 =	sor.u32 s3, s0;
	s1 =	sshll.u32 s1, $0x11  }
0xbb: {  	s0 =	sor.u32 s1, s0  }
0xbc: {  	s0 =	sadd.s32 $0x8F2B, s0  }
0xbd: {  	[sflag:s0] =	ssyncadd.remote.s32 $0x1  }
0xbe: {  	_ =	sfence.sel $0xFFFF  }
0xbf: {  	[dreg:$0x0] =	wrdreg $0xFFFFFFFF;
	(pc) =	sbr.abs _section_cstart, $3  }
0xc0: {  	[dreg:$0x1] =	wrdreg $0xFFFFFFFF  }
0xc1: {  	_ =	task.clear_ibuf [dreg:s7], $0x2FFFF;
	_ =	strace $0x9FFFFFFF  }
0xc2: {  	(tm) =	ssettm $0x7FFFFFFF  }
0xc3: {  	_ =	shalt  }
tec
execute0_lowered:
.L_overlay_start_1:
0x0: {  	(tag) =	ssettag $0x1  }
0x1: {  	s5 =	rddreg [dreg:$0x0];
	s1 =	srdreg.scid  }
0x2: {  	s0 =	stileid.u32;
	s6 =	rddreg [dreg:$0x1];
	s2 =	simm.s32 $0x0  }
0x3: {  	s11 =	simm.s32 $0x1;
	s12 =	simm.s32 $0x10900;
	s13 =	simm.s32 $0x13B00  }
0x4: {  	s14 =	simm.s32 $0x5000;
	s15 =	simm.s32 $0x2;
	s16 =	simm.s32 $0x4  }
0x5: {  	s3 =	sand.u32 $0x1, s1;
	s4 =	sshll.u32 s0, $0x1;
	s1 =	rddreg [dreg:$0x2]  }
0x6: {  	s17 =	simm.s32 $0x0;
	[smem:$0x7FF] =	sst s2;
	s4 =	sor.u32 s3, s4  }
0x7: {  	_ =	strace $0x80000050;
	s8 =	ssub.s32 $0x2, s3;
	s7 =	smul.u32 $0x1400, s4  }
0x8: {  	s3 =	sadd.s32 $0x2B400, s6;
	s9 =	smul.u32 $0xA00, s4;
	s10 =	sshrl.u32 s8, $0x1  }
0x9: {  	s4 =	sadd.s32 $0x21400, s6;
	s31 =	ssub.s32 s8, s10;
	s8 =	simm.s32 $0xF000  }
0xa: {  	s10 =	simm.s32 $0x3;
	s6 =	sadd.s32 s7, s6;
	s5 =	sadd.s32 s5, s9  }
0xb: {  	v0 =	vimm.f32 $0.0e+00;
	s7 =	smax.u32 s31, $0x1;
	s9 =	simm.s32 $0x12200;
	s6 =	sadd.s32 $0x3F200, s6  }
.LBB2_1:
0xc: {  	[tilespmem:s2], [sflag:$0x3] =	stream.linear.gather [hbm4b:s5+s2], $0x5000, $0x38;
	[tilespmem:$0x15400] =	vst v63  }
0xd: {  	_ = 	snop  }
0xe: {  	[tilespmem:s8], [sflag:$0x1] =	stream.linear.gather [hbm4b:s3+s2], $0x1900, $0x38;
	[tilespmem:$0x15400] =	vst v63  }
0xf: {  	s18 =	simm.s32 $0x5040  }
0x10: {  	[tilespmem:s9], [sflag:$0x1] =	stream.linear.gather [hbm4b:s4+s2], $0x1900, $0x38;
	[tilespmem:$0x15400] =	vst v63  }
0x11: {  	[tilespmem:s18+$0xFFFFFFC0] =	vst v0  }
0x12: {  	[tilespmem:s18+$0x30] =	vst v0  }
0x13: {  	[tilespmem:s18+$0x20] =	vst v0  }
0x14: {  	[tilespmem:s18+$0x10] =	vst v0  }
0x15: {  	[tilespmem:s18+$0x0] =	vst v0  }
0x16: {  	[tilespmem:s18+$0xFFFFFFF0] =	vst v0  }
0x17: {  	s19 =	simm.s32 $0x0;
	[tilespmem:s18+$0xFFFFFFE0] =	vst v0  }
.LBB2_2:
0x18: {  	s19 =	sadd.s32 $0x8, s19;
	[tilespmem:s18+$0xFFFFFFD0] =	vst v0;
	s18 =	sadd.s32 $0x80, s18  }
0x19: {  	[tilespmem:s18+$0xFFFFFFC0] =	vst v0;
	p0 =	slt.u32 s19, $0x9F8  }
0x1a: {  	[tilespmem:s18+$0x30] =	vst v0  }
.Ltmp0:
0x1b: {  	[tilespmem:s18+$0x20] =	vst v0;
	(pc) =	sbr.rel @p0 .LBB2_2-.Ltmp0, $4  }
0x1c: {  	[tilespmem:s18+$0x10] =	vst v0  }
0x1d: {  	[tilespmem:s18+$0x0] =	vst v0  }
0x1e: {  	[tilespmem:s18+$0xFFFFFFF0] =	vst v0  }
0x1f: {  	[tilespmem:s18+$0xFFFFFFE0] =	vst v0  }
0x20: {  	[tilespmem:s18+$0xFFFFFFD0] =	vst v0  }
0x21: {  	_ =	swait.ge [sflag:s10], $0x5000  }
0x22: {  	[sflag:s10] =	ssyncset.done $0x0  }
0x23: {  	s18 =	simm.s32 $0x0;
	[sflag:s10] =	ssyncadd.s32 $0xFFFFB000  }
.LBB2_4:
0x24: {  	_ =	swait.ge [sflag:s11], $0x1900  }
0x25: {  	[sflag:s11] =	ssyncset.done $0x0  }
0x26: {  	s19 =	smul.u32 $0x640, s18;
	[sflag:s11] =	ssyncadd.s32 $0xFFFFE700  }
0x27: {  	_ =	swait.ge [sflag:s11], $0x1900  }
0x28: {  	s19 =	sadd.s32 $0x320, s19;
	[sflag:s11] =	ssyncset.done $0x0  }
0x29: {  	s20 =	sadd.s32 s3, s19;
	[sflag:s11] =	ssyncadd.s32 $0xFFFFE700  }
0x2a: {  	[tilespmem:s12], [sflag:$0x2] =	stream.linear.gather [hbm4b:s20+s2], $0x1900, $0x38;
	[tilespmem:$0x15400] =	vst v63  }
0x2b: {  	s19 =	sadd.s32 s4, s19  }
0x2c: {  	[tilespmem:s13], [sflag:$0x2] =	stream.linear.gather [hbm4b:s19+s2], $0x1900, $0x38;
	[tilespmem:$0x15400] =	vst v63  }
0x2d: {  	s19 =	simm.s32 $0xF040  }
0x2e: {  	v4 =	vld [tilespmem:s19+$0xFFFFFFE0]  }
0x2f: {  	v2 =	vld [tilespmem:s19+$0xFFFFFFF0]  }
0x30: {  	v10 =	vld [tilespmem:s19+$0x10]  }
0x31: {  	v3 =	vld [tilespmem:s19+$0x30]  }
0x32: {  	v11 =	vld [tilespmem:s19+$0x20]  }
0x33: {  	v13 =	vld [tilespmem:s19+$0xFFFFFFC0];
	_ =	sdelay $0x1  }
0x34: {  	v18 =	vld [tilespmem:s19+$0x0]  }
0x35: {  	v19 =	vld [tilespmem:s19+$0xFFFFFFD0];
	v1 =	vand.u32 $0x7F, v3;
	v28 =	vand.u32 $0x7F, v4;
	v6 =	vand.u32 $0x7F, v2  }
0x36: {  	v14 =	vshrl.u32 v2, $0xE;
	v5 =	vand.u32 $0x7F, v10;
	v7 =	vand.u32 $0x7F, v11  }
0x37: {  	v34 =	vand.u32 $0x3FFF, v11;
	v23 =	vshrl.u32 v13, $0xE;
	v8 =	vand.u32 $0x7F, v13  }
0x38: {  	v9 =	vshrl.u32 v3, $0xE;
	v16 =	vand.u32 $0x3FFF, v13;
	v22 =	vshrl.u32 v11, $0xE  }
0x39: {  	v37 =	vshrl.u32 v10, $0xE;
	v13 =	vshrl.u32 v18, $0xE;
	v21 =	vand.u32 $0x3FFF, v18  }
0x3a: {  	v17 =	vand.u32 $0x3FFF, v2;
	v40 =	vand.u32 $0x3FFF, v19;
	v48 =	vand.u32 $0x3FFF, v4  }
0x3b: {  	v42 =	vshrl.u32 v19, $0xE;
	v43 =	vshrl.u32 v4, $0xE;
	v31 =	vand.u32 $0x7F, v19  }
0x3c: {  	s20 =	simm.s32 $0x12240;
	v33 =	vand.u32 $0x7F, v18;
	v12 =	vadd.s32 $0x7800, v34;
	v24 =	vadd.s32 $0x2800, v23  }
0x3d: {  	v26 =	vld [tilespmem:s20+$0x0];
	v15 =	vadd.s32 $0x5000, v34;
	v20 =	vadd.s32 $0x5000, v21;
	v4 =	vadd.s32 $0x7800, v40  }
0x3e: {  	v2 =	vld [tilespmem:s20+$0xFFFFFFD0];
	v11 =	vand.u32 $0xFF80, v15;
	v15 =	vand.u32 $0x3FFF, v10;
	v10 =	vadd.s32 $0x2800, v13  }
0x3f: {  	v29 =	vadd.s32 $0x2800, v21;
	v27 =	vand.u32 $0x7FF80, v10;
	v10 =	vadd.s32 $0x2800, v16;
	v35 =	vld.idx.msk [tilespmem:v23+s2+$0x0], $0xffff  }
0x40: {  	v47 =	vadd.s32 $0x2800, v37;
	v32 =	vadd.s32 $0x7800, v21;
	v10 =	vand.u32 $0x7F80, v10;
	v38 =	vld.idx.msk [tilespmem:v37+s2+$0x0], $0xffff  }
0x41: {  	v45 =	vadd.s32 $0x2800, v48;
	v19 =	vand.u32 $0x7F80, v29;
	v25 =	vor.u32 v8, v10;
	v10 =	vld [tilespmem:s20+$0x10]  }
0x42: {  	v50 =	vand.u32 $0x7F, v43;
	v52 =	vadd.s32 $0x2800, v17;
	v49 =	vor.u32 v33, v19;
	v19 =	vld.idx.msk [tilespmem:v42+s2+$0x0], $0xffff  }
0x43: {  	v55 =	vadd.s32 $0x2800, v42;
	v4 =	vand.u32 $0xFF80, v4;
	v36 =	vand.u32 $0xFF80, v20;
	v51 =	vld.idx.msk [tilespmem:v43+s2+$0x0], $0xffff  }
0x44: {  	v29 =	vadd.s32 $0x2800, v22;
	v45 =	vand.u32 $0x7F80, v45;
	v44 =	vld.idx.msk [tilespmem:v13+s2+$0x0], $0xffff;
	v13 =	vand.u32 $0x7F, v13  }
0x45: {  	v18 =	vld [tilespmem:s20+$0xFFFFFFC0];
	v55 =	vand.u32 $0x7FF80, v55;
	v54 =	vor.u32 v13, v27;
	v13 =	vadd.s32 $0x2800, v40  }
0x46: {  	v4 =	vor.u32 v31, v4;
	v46 =	vadd.s32 $0x2800, v15;
	v27 =	vld [tilespmem:s20+$0xFFFFFFE0];
	v41 =	vand.u32 $0x7F80, v13  }
0x47: {  	v39 =	vld.idx.msk [tilespmem:v22+s2+$0x0], $0xffff;
	v30 =	vunpack.i.u.bf16.f32 v35;
	v20 =	vunpack.i.u.bf16.f32 v38;
	v60 =	vunpack.i.l.bf16.f32 v35  }
0x48: {  	v61 =	vunpack.i.u.bf16.f32 v19;
	v19 =	vunpack.i.l.bf16.f32 v19;
	v58 =	vunpack.i.u.bf16.f32 v51  }
0x49: {  	v35 =	vmul.f32 v20, v10;
	v20 =	vunpack.i.l.bf16.f32 v44;
	v57 =	vmul.f32 v19, v2;
	v19 =	vld [tilespmem:s20+$0xFFFFFFF0]  }
0x4a: {  	v51 =	vunpack.i.l.bf16.f32 v51;
	v56 =	vmul.f32 v60, v18;
	v13 =	vmul.f32 v20, v26;
	v20 =	vld [tilespmem:s20+$0x20]  }
0x4b: {  	v59 =	vor.u32 v28, v45;
	v37 =	vand.u32 $0x7F, v37;
	v51 =	vmul.f32 v51, v27;
	[tilespmem:v40+s14+$0x0] =	vst.idx.add.f32.msk $0xffff, v57  }
0x4c: {  	v53 =	vunpack.i.l.bf16.f32 v38;
	v62 =	vunpack.i.l.bf16.f32 v39;
	v44 =	vunpack.i.u.bf16.f32 v44;
	[tilespmem:v16+s14+$0x0] =	vst.idx.add.f32.msk $0xffff, v56  }
0x4d: {  	v38 =	vmul.f32 v61, v2;
	v61 =	vadd.s32 $0x5000, v48;
	v53 =	vmul.f32 v53, v10;
	[tilespmem:v48+s14+$0x0] =	vst.idx.add.f32.msk $0xffff, v51  }
0x4e: {  	v57 =	vmul.f32 v58, v27;
	v58 =	vadd.s32 $0x2800, v43;
	[tilespmem:v21+s14+$0x0] =	vst.idx.add.f32.msk $0xffff, v13;
	v21 =	vmul.f32 v44, v26  }
0x4f: {  	v43 =	vand.u32 $0x7F, v42;
	v40 =	vadd.s32 $0x5000, v40;
	v42 =	vand.u32 $0x7F80, v52;
	v44 =	vld.idx.msk [tilespmem:v9+s2+$0x0], $0xffff  }
0x50: {  	v52 =	vadd.s32 $0x5000, v15;
	v13 =	vand.u32 $0x7F80, v46;
	v40 =	vand.u32 $0xFF80, v40;
	[tilespmem:v49+s14+$0x0] =	vst.idx.add.f32.msk $0xffff, v21  }
0x51: {  	v63 =	vand.u32 $0x7FF80, v58;
	v46 =	vor.u32 v5, v13;
	v21 =	vor.u32 v31, v40;
	v45 =	vld.idx.msk [tilespmem:v54+s2+$0x0], $0xffff  }
0x52: {  	[tilespmem:v15+s14+$0x0] =	vst.idx.add.f32.msk $0xffff, v53;
	v49 =	vadd.s32 $0x2800, v14;
	v40 =	vor.u32 v43, v55;
	v55 =	vadd.s32 $0x7800, v48  }
0x53: {  	v13 =	vld [tilespmem:s20+$0x30];
	v60 =	vmul.f32 v62, v20;
	v54 =	vand.u32 $0xFF80, v61;
	v61 =	vand.u32 $0x7FF80, v47  }
0x54: {  	[tilespmem:v59+s14+$0x0] =	vst.idx.add.f32.msk $0xffff, v57;
	v47 =	vor.u32 v50, v63;
	v62 =	vadd.s32 $0x2800, v34;
	v63 =	vand.u32 $0xFF80, v55  }
0x55: {  	v43 =	vld.idx.msk [tilespmem:v14+s2+$0x0], $0xffff;
	v50 =	vand.u32 $0x7F80, v62;
	v37 =	vor.u32 v37, v61;
	v51 =	vunpack.i.l.bf16.f32 v44  }
0x56: {  	s21 =	simm.s32 $0x0;
	[tilespmem:v34+s14+$0x0] =	vst.idx.add.f32.msk $0xffff, v60;
	v34 =	vor.u32 v28, v54;
	v28 =	vor.u32 v28, v63;
	v48 =	vunpack.i.l.bf16.f32 v45  }
.LBB2_5:
0x57: {  	s21 =	sadd.s32 $0x8, s21;
	v49 =	vand.u32 $0x7FF80, v49;
	v53 =	vadd.s32 $0x5000, v17;
	[tilespmem:v46+s14+$0x0] =	vst.idx.add.f32.msk $0xffff, v35;
	v46 =	vand.u32 $0xFF80, v52;
	s19 =	sadd.s32 $0x80, s19;
	s20 =	sadd.s32 $0x80, s20  }
0x58: {  	v41 =	vor.u32 v31, v41;
	v39 =	vunpack.i.u.bf16.f32 v39;
	v35 =	vld [tilespmem:s19+$0xFFFFFFE0];
	p0 =	slt.u32 s21, $0x188;
	v46 =	vor.u32 v5, v46  }
0x59: {  	v52 =	vor.u32 v33, v36;
	v36 =	vand.u32 $0xFF80, v32;
	v51 =	vmul.f32 v51, v13;
	v31 =	vld [tilespmem:s19+$0xFFFFFFD0]  }
0x5a: {  	v44 =	vunpack.i.u.bf16.f32 v44;
	v54 =	vor.u32 v33, v36;
	v39 =	vmul.f32 v39, v20;
	v32 =	vld [tilespmem:s19+$0xFFFFFFF0]  }
0x5b: {  	v55 =	vmul.f32 v30, v18;
	v56 =	vadd.s32 $0x7800, v17;
	v50 =	vor.u32 v7, v50;
	v33 =	vld [tilespmem:s19+$0x0]  }
0x5c: {  	v57 =	vunpack.i.l.bf16.f32 v43;
	v42 =	vor.u32 v6, v42;
	v45 =	vunpack.i.u.bf16.f32 v45;
	v30 =	vld [tilespmem:s19+$0x10]  }
0x5d: {  	v43 =	vunpack.i.u.bf16.f32 v43;
	v57 =	vmul.f32 v57, v19;
	v45 =	vmul.f32 v45, v26;
	v36 =	vld [tilespmem:s19+$0xFFFFFFC0]  }
0x5e: {  	v23 =	vand.u32 $0x7F, v23;
	v58 =	vadd.s32 $0x5000, v16;
	v29 =	vand.u32 $0x7FF80, v29;
	v47 =	vld.idx.msk [tilespmem:v47+s2+$0x0], $0xffff  }
0x5f: {  	v24 =	vand.u32 $0x7FF80, v24;
	v12 =	vand.u32 $0xFF80, v12;
	v58 =	vand.u32 $0xFF80, v58;
	[tilespmem:v41+s14+$0x0] =	vst.idx.add.f32.msk $0xffff, v38  }
0x60: {  	v14 =	vand.u32 $0x7F, v14;
	v23 =	vor.u32 v23, v24;
	v24 =	vor.u32 v8, v58;
	v38 =	vld [tilespmem:s19+$0x20]  }
0x61: {  	v14 =	vor.u32 v14, v49;
	v49 =	vand.u32 $0xFF80, v53;
	v26 =	vmul.f32 v48, v26;
	v41 =	vld [tilespmem:s19+$0x30]  }
0x62: {  	v22 =	vand.u32 $0x7F, v22;
	v48 =	vor.u32 v6, v49;
	v49 =	vand.u32 $0xFF80, v56;
	v37 =	vld.idx.msk [tilespmem:v37+s2+$0x0], $0xffff  }
0x63: {  	v12 =	vor.u32 v7, v12;
	v49 =	vor.u32 v6, v49;
	v6 =	vor.u32 v22, v29;
	v40 =	vld.idx.msk [tilespmem:v40+s2+$0x0], $0xffff  }
0x64: {  	v7 =	vor.u32 v7, v11;
	v22 =	vunpack.i.u.bf16.f32 v47;
	v29 =	vunpack.i.l.bf16.f32 v47;
	[tilespmem:v52+s14+$0x0] =	vst.idx.add.f32.msk $0xffff, v26  }
0x65: {  	v11 =	vmul.f32 v29, v27;
	v22 =	vmul.f32 v22, v27;
	v26 =	vadd.s32 $0x2800, v9;
	[tilespmem:v50+s14+$0x0] =	vst.idx.add.f32.msk $0xffff, v39  }
0x66: {  	v16 =	vadd.s32 $0x7800, v16;
	v27 =	vmul.f32 v43, v19;
	v26 =	vand.u32 $0x7FF80, v26;
	[tilespmem:v54+s14+$0x0] =	vst.idx.add.f32.msk $0xffff, v45  }
0x67: {  	v15 =	vadd.s32 $0x7800, v15;
	v16 =	vand.u32 $0xFF80, v16;
	[tilespmem:v25+s14+$0x0] =	vst.idx.add.f32.msk $0xffff, v55;
	v25 =	vand.u32 $0x3FFF, v3;
	v3 =	vmovc v41  }
0x68: {  	v15 =	vand.u32 $0xFF80, v15;
	v39 =	vmul.f32 v44, v13;
	v29 =	vunpack.i.l.bf16.f32 v37;
	v23 =	vld.idx.msk [tilespmem:v23+s2+$0x0], $0xffff  }
0x69: {  	v37 =	vunpack.i.u.bf16.f32 v37;
	v41 =	vunpack.i.u.bf16.f32 v40;
	v40 =	vunpack.i.l.bf16.f32 v40;
	v6 =	vld.idx.msk [tilespmem:v6+s2+$0x0], $0xffff  }
0x6a: {  	v40 =	vmul.f32 v40, v2;
	[tilespmem:v17+s14+$0x0] =	vst.idx.add.f32.msk $0xffff, v57;
	v17 =	vmul.f32 v29, v10;
	v29 =	vadd.s32 $0x2800, v25  }
0x6b: {  	v8 =	vor.u32 v8, v16;
	v5 =	vor.u32 v5, v15;
	v15 =	vand.u32 $0x7F80, v29  }
0x6c: {  	v9 =	vand.u32 $0x7F, v9;
	v16 =	vadd.s32 $0x5000, v25;
	[tilespmem:v25+s14+$0x0] =	vst.idx.add.f32.msk $0xffff, v51;
	v15 =	vor.u32 v1, v15  }
0x6d: {  	v9 =	vor.u32 v9, v26;
	v16 =	vand.u32 $0xFF80, v16;
	v25 =	vadd.s32 $0x7800, v25;
	[tilespmem:v42+s14+$0x0] =	vst.idx.add.f32.msk $0xffff, v27  }
0x6e: {  	v26 =	vunpack.i.u.bf16.f32 v23;
	v23 =	vunpack.i.l.bf16.f32 v23;
	[tilespmem:v34+s14+$0x0] =	vst.idx.add.f32.msk $0xffff, v11;
	v11 =	vand.u32 $0xFF80, v25  }
0x6f: {  	v23 =	vmul.f32 v23, v18;
	[tilespmem:v46+s14+$0x0] =	vst.idx.add.f32.msk $0xffff, v17;
	v17 =	vunpack.i.u.bf16.f32 v6;
	v6 =	vunpack.i.l.bf16.f32 v6  }
0x70: {  	v18 =	vmul.f32 v26, v18;
	v25 =	vld.idx.msk [tilespmem:v14+s2+$0x0], $0xffff;
	v26 =	vmul.f32 v6, v20  }
0x71: {  	v10 =	vmul.f32 v37, v10;
	v17 =	vmul.f32 v17, v20;
	[tilespmem:v24+s14+$0x0] =	vst.idx.add.f32.msk $0xffff, v23  }
0x72: {  	[tilespmem:v8+s14+$0x0] =	vst.idx.add.f32.msk $0xffff, v18  }
0x73: {  	[tilespmem:v15+s14+$0x0] =	vst.idx.add.f32.msk $0xffff, v39  }
0x74: {  	v20 =	vor.u32 v1, v11;
	v8 =	vand.u32 $0x7F, v3;
	v18 =	vld.idx.msk [tilespmem:v9+s2+$0x0], $0xffff  }
0x75: {  	v37 =	vand.u32 $0x7F, v35;
	v27 =	vor.u32 v1, v16;
	v6 =	vand.u32 $0x7F, v32;
	v1 =	vmovc v8;
	[tilespmem:v5+s14+$0x0] =	vst.idx.add.f32.msk $0xffff, v10  }
0x76: {  	v14 =	vshrl.u32 v32, $0xE;
	v8 =	vunpack.i.u.bf16.f32 v25;
	v9 =	vunpack.i.l.bf16.f32 v25;
	[tilespmem:v7+s14+$0x0] =	vst.idx.add.f32.msk $0xffff, v26  }
0x77: {  	v5 =	vand.u32 $0x7F, v30;
	v7 =	vand.u32 $0x7F, v38;
	v9 =	vmul.f32 v9, v19;
	[tilespmem:v28+s14+$0x0] =	vst.idx.add.f32.msk $0xffff, v22  }
0x78: {  	v2 =	vmul.f32 v41, v2;
	v10 =	vmul.f32 v8, v19;
	v28 =	vand.u32 $0x3FFF, v38;
	[tilespmem:v12+s14+$0x0] =	vst.idx.add.f32.msk $0xffff, v17  }
0x79: {  	v23 =	vshrl.u32 v36, $0xE;
	v8 =	vand.u32 $0x7F, v36;
	v12 =	vadd.s32 $0x7800, v28;
	[tilespmem:v48+s14+$0x0] =	vst.idx.add.f32.msk $0xffff, v9  }
0x7a: {  	v24 =	vadd.s32 $0x2800, v23;
	v11 =	vadd.s32 $0x5000, v28;
	v9 =	vshrl.u32 v3, $0xE;
	[tilespmem:v49+s14+$0x0] =	vst.idx.add.f32.msk $0xffff, v10  }
0x7b: {  	v16 =	vand.u32 $0x3FFF, v36;
	v22 =	vshrl.u32 v38, $0xE;
	v11 =	vand.u32 $0xFF80, v11;
	[tilespmem:v21+s14+$0x0] =	vst.idx.add.f32.msk $0xffff, v40  }
0x7c: {  	v34 =	vshrl.u32 v30, $0xE;
	v15 =	vand.u32 $0x3FFF, v30;
	[tilespmem:v4+s14+$0x0] =	vst.idx.add.f32.msk $0xffff, v2;
	v4 =	vunpack.i.l.bf16.f32 v18  }
0x7d: {  	v19 =	vshrl.u32 v33, $0xE;
	v21 =	vand.u32 $0x3FFF, v33;
	v2 =	vld [tilespmem:s20+$0xFFFFFFD0];
	v4 =	vmul.f32 v4, v13  }
0x7e: {  	v10 =	vadd.s32 $0x2800, v19;
	v29 =	vadd.s32 $0x5000, v21;
	v18 =	vunpack.i.u.bf16.f32 v18;
	v38 =	vld.idx.msk [tilespmem:v23+s2+$0x0], $0xffff  }
0x7f: {  	v17 =	vand.u32 $0x3FFF, v32;
	v40 =	vand.u32 $0x7FF80, v10;
	v13 =	vmul.f32 v18, v13;
	v26 =	vld [tilespmem:s20+$0x0]  }
0x80: {  	v42 =	vand.u32 $0x3FFF, v31;
	v48 =	vand.u32 $0x3FFF, v35;
	v18 =	vadd.s32 $0x2800, v16;
	v10 =	vld [tilespmem:s20+$0x10]  }
0x81: {  	v43 =	vshrl.u32 v31, $0xE;
	v44 =	vshrl.u32 v35, $0xE;
	v18 =	vand.u32 $0x7F80, v18;
	[tilespmem:v27+s14+$0x0] =	vst.idx.add.f32.msk $0xffff, v4  }
0x82: {  	v25 =	vor.u32 v8, v18;
	v18 =	vadd.s32 $0x2800, v21;
	v4 =	vadd.s32 $0x7800, v42;
	v27 =	vld.idx.msk [tilespmem:v34+s2+$0x0], $0xffff  }
0x83: {  	v31 =	vand.u32 $0x7F, v31;
	v47 =	vadd.s32 $0x2800, v34;
	v4 =	vand.u32 $0xFF80, v4;
	v45 =	vld.idx.msk [tilespmem:v19+s2+$0x0], $0xffff  }
0x84: {  	v32 =	vadd.s32 $0x7800, v21;
	v35 =	vand.u32 $0x7F80, v18;
	v4 =	vor.u32 v31, v4;
	[tilespmem:v20+s14+$0x0] =	vst.idx.add.f32.msk $0xffff, v13  }
0x85: {  	v33 =	vand.u32 $0x7F, v33;
	v30 =	vunpack.i.u.bf16.f32 v38;
	v13 =	vadd.s32 $0x2800, v48;
	v18 =	vld [tilespmem:s20+$0xFFFFFFC0]  }
0x86: {  	v50 =	vadd.s32 $0x2800, v15;
	v49 =	vor.u32 v33, v35;
	v19 =	vand.u32 $0x7F, v19;
	v46 =	vld.idx.msk [tilespmem:v43+s2+$0x0], $0xffff  }
0x87: {  	v51 =	vand.u32 $0x7F, v44;
	v36 =	vand.u32 $0xFF80, v29;
	v29 =	vadd.s32 $0x2800, v22;
	v52 =	vld.idx.msk [tilespmem:v44+s2+$0x0], $0xffff  }
0x88: {  	v53 =	vadd.s32 $0x2800, v17;
	v20 =	vunpack.i.u.bf16.f32 v27;
	v54 =	vunpack.i.l.bf16.f32 v27;
	v39 =	vld.idx.msk [tilespmem:v22+s2+$0x0], $0xffff  }
0x89: {  	v38 =	vunpack.i.l.bf16.f32 v38;
	v40 =	vor.u32 v19, v40;
	v35 =	vmul.f32 v20, v10  }
0x8a: {  	v55 =	vadd.s32 $0x2800, v43;
	v19 =	vadd.s32 $0x2800, v42;
	v20 =	vunpack.i.l.bf16.f32 v45;
	v27 =	vld [tilespmem:s20+$0xFFFFFFE0]  }
0x8b: {  	v41 =	vand.u32 $0x7F80, v19;
	v19 =	vmul.f32 v20, v26;
	v56 =	vmul.f32 v38, v18;
	v20 =	vld [tilespmem:s20+$0x20]  }
0x8c: {  	v45 =	vunpack.i.u.bf16.f32 v45;
	v38 =	vunpack.i.u.bf16.f32 v46;
	v46 =	vunpack.i.l.bf16.f32 v46  }
0x8d: {  	v46 =	vmul.f32 v46, v2;
	v57 =	vunpack.i.u.bf16.f32 v52;
	[tilespmem:v21+s14+$0x0] =	vst.idx.add.f32.msk $0xffff, v19;
	v21 =	vmul.f32 v45, v26  }
0x8e: {  	v38 =	vmul.f32 v38, v2;
	v45 =	vand.u32 $0x7F80, v50;
	v50 =	vunpack.i.l.bf16.f32 v39;
	v19 =	vld [tilespmem:s20+$0xFFFFFFF0]  }
0x8f: {  	v58 =	vadd.s32 $0x2800, v44;
	v13 =	vand.u32 $0x7F80, v13;
	[tilespmem:v42+s14+$0x0] =	vst.idx.add.f32.msk $0xffff, v46;
	v57 =	vmul.f32 v57, v27  }
0x90: {  	v59 =	vor.u32 v37, v13;
	v46 =	vor.u32 v5, v45;
	v50 =	vmul.f32 v50, v20;
	v13 =	vld [tilespmem:s20+$0x30]  }
0x91: {  	v43 =	vand.u32 $0x7F, v43;
	v52 =	vunpack.i.l.bf16.f32 v52;
	v42 =	vadd.s32 $0x5000, v42;
	v44 =	vld.idx.msk [tilespmem:v9+s2+$0x0], $0xffff  }
0x92: {  	v55 =	vand.u32 $0x7FF80, v55;
	v60 =	vadd.s32 $0x5000, v48;
	v42 =	vand.u32 $0xFF80, v42;
	[tilespmem:v49+s14+$0x0] =	vst.idx.add.f32.msk $0xffff, v21  }
0x93: {  	v21 =	vor.u32 v31, v42;
	v42 =	vand.u32 $0x7F80, v53;
	v49 =	vadd.s32 $0x2800, v14;
	v45 =	vld.idx.msk [tilespmem:v40+s2+$0x0], $0xffff  }
0x94: {  	v53 =	vand.u32 $0xFF80, v60;
	v40 =	vor.u32 v43, v55;
	v55 =	vadd.s32 $0x7800, v48;
	v43 =	vld.idx.msk [tilespmem:v14+s2+$0x0], $0xffff  }
.Ltmp1:
0x95: {  	v60 =	vmul.f32 v52, v27;
	v52 =	vand.u32 $0x7FF80, v58;
	v58 =	vand.u32 $0x7FF80, v47;
	[tilespmem:v28+s14+$0x0] =	vst.idx.add.f32.msk $0xffff, v50;
	(pc) =	sbr.rel @p0 .LBB2_5-.Ltmp1, $4  }
0x96: {  	v47 =	vor.u32 v51, v52;
	v52 =	vadd.s32 $0x5000, v15;
	[tilespmem:v16+s14+$0x0] =	vst.idx.add.f32.msk $0xffff, v56;
	v56 =	vand.u32 $0x7F, v34  }
0x97: {  	v54 =	vmul.f32 v54, v10;
	v28 =	vadd.s32 $0x2800, v28;
	v51 =	vunpack.i.l.bf16.f32 v44;
	[tilespmem:v48+s14+$0x0] =	vst.idx.add.f32.msk $0xffff, v60  }
0x98: {  	v34 =	vor.u32 v37, v53;
	v50 =	vand.u32 $0x7F80, v28;
	v48 =	vand.u32 $0xFF80, v55;
	[tilespmem:v59+s14+$0x0] =	vst.idx.add.f32.msk $0xffff, v57  }
0x99: {  	v28 =	vor.u32 v37, v48;
	v48 =	vunpack.i.l.bf16.f32 v45;
	v37 =	vor.u32 v56, v58;
	[tilespmem:v15+s14+$0x0] =	vst.idx.add.f32.msk $0xffff, v54  }
0x9a: {  	_ = 	snop  }
0x9b: {  	v31 =	vor.u32 v31, v41;
	v58 =	vand.u32 $0x7FF80, v49;
	v59 =	vadd.s32 $0x5000, v17  }
0x9c: {  	v52 =	vand.u32 $0xFF80, v52;
	v39 =	vunpack.i.u.bf16.f32 v39;
	v32 =	vand.u32 $0xFF80, v32  }
0x9d: {  	v36 =	vor.u32 v33, v36;
	v61 =	vmul.f32 v51, v13;
	v30 =	vmul.f32 v30, v18  }
0x9e: {  	[tilespmem:v46+s14+$0x0] =	vst.idx.add.f32.msk $0xffff, v35;
	v53 =	vadd.s32 $0x7800, v17;
	v45 =	vunpack.i.u.bf16.f32 v45;
	v23 =	vand.u32 $0x7F, v23  }
0x9f: {  	v47 =	vld.idx.msk [tilespmem:v47+s2+$0x0], $0xffff;
	v24 =	vand.u32 $0x7FF80, v24;
	v54 =	vunpack.i.l.bf16.f32 v43;
	v3 =	vand.u32 $0x3FFF, v3  }
0xa0: {  	v29 =	vand.u32 $0x7FF80, v29;
	v22 =	vand.u32 $0x7F, v22;
	v37 =	vld.idx.msk [tilespmem:v37+s2+$0x0], $0xffff;
	v56 =	vmul.f32 v54, v19  }
0xa1: {  	v55 =	vadd.s32 $0x5000, v16;
	v60 =	vor.u32 v5, v52;
	v52 =	vor.u32 v7, v50;
	[tilespmem:v25+s14+$0x0] =	vst.idx.add.f32.msk $0xffff, v30  }
0xa2: {  	v14 =	vand.u32 $0x7F, v14;
	v16 =	vadd.s32 $0x7800, v16;
	v23 =	vor.u32 v23, v24;
	[tilespmem:v17+s14+$0x0] =	vst.idx.add.f32.msk $0xffff, v56  }
0xa3: {  	v15 =	vadd.s32 $0x7800, v15;
	v11 =	vor.u32 v7, v11;
	v32 =	vor.u32 v33, v32;
	[tilespmem:v31+s14+$0x0] =	vst.idx.add.f32.msk $0xffff, v38  }
0xa4: {  	v12 =	vand.u32 $0xFF80, v12;
	v62 =	vmul.f32 v39, v20;
	v22 =	vor.u32 v22, v29;
	[tilespmem:v3+s14+$0x0] =	vst.idx.add.f32.msk $0xffff, v61  }
0xa5: {  	v29 =	vor.u32 v6, v42;
	v14 =	vor.u32 v14, v58;
	v58 =	vadd.s32 $0x2800, v9;
	v24 =	vld.idx.msk [tilespmem:v40+s2+$0x0], $0xffff  }
0xa6: {  	v16 =	vand.u32 $0xFF80, v16;
	v15 =	vand.u32 $0xFF80, v15;
	v31 =	vmul.f32 v48, v26;
	[tilespmem:v52+s14+$0x0] =	vst.idx.add.f32.msk $0xffff, v62  }
0xa7: {  	v9 =	vand.u32 $0x7F, v9;
	v7 =	vor.u32 v7, v12;
	v25 =	vand.u32 $0xFF80, v59;
	v23 =	vld.idx.msk [tilespmem:v23+s2+$0x0], $0xffff  }
0xa8: {  	v59 =	vadd.s32 $0x2800, v3;
	v26 =	vmul.f32 v45, v26;
	v57 =	vunpack.i.l.bf16.f32 v47;
	[tilespmem:v36+s14+$0x0] =	vst.idx.add.f32.msk $0xffff, v31  }
0xa9: {  	v5 =	vor.u32 v5, v15;
	v30 =	vmul.f32 v57, v27;
	v17 =	vunpack.i.l.bf16.f32 v37;
	v22 =	vld.idx.msk [tilespmem:v22+s2+$0x0], $0xffff  }
0xaa: {  	v31 =	vunpack.i.u.bf16.f32 v43;
	v36 =	vand.u32 $0xFF80, v55;
	v17 =	vmul.f32 v17, v10;
	[tilespmem:v32+s14+$0x0] =	vst.idx.add.f32.msk $0xffff, v26  }
0xab: {  	v12 =	vunpack.i.u.bf16.f32 v37;
	v26 =	vor.u32 v8, v36;
	v31 =	vmul.f32 v31, v19;
	[tilespmem:v34+s14+$0x0] =	vst.idx.add.f32.msk $0xffff, v30  }
0xac: {  	v10 =	vmul.f32 v12, v10;
	v8 =	vor.u32 v8, v16;
	v16 =	vand.u32 $0x7F80, v59;
	[tilespmem:v60+s14+$0x0] =	vst.idx.add.f32.msk $0xffff, v17  }
0xad: {  	v32 =	vand.u32 $0x7FF80, v58;
	v16 =	vor.u32 v1, v16;
	[tilespmem:v29+s14+$0x0] =	vst.idx.add.f32.msk $0xffff, v31;
	v29 =	vunpack.i.l.bf16.f32 v23  }
0xae: {  	v9 =	vor.u32 v9, v32;
	[tilespmem:v5+s14+$0x0] =	vst.idx.add.f32.msk $0xffff, v10;
	v23 =	vunpack.i.u.bf16.f32 v23;
	v29 =	vmul.f32 v29, v18  }
0xaf: {  	v63 =	vunpack.i.u.bf16.f32 v44;
	v14 =	vld.idx.msk [tilespmem:v14+s2+$0x0], $0xffff;
	v15 =	vmul.f32 v23, v18  }
0xb0: {  	v18 =	vmul.f32 v63, v13;
	v23 =	vand.u32 $0xFF80, v53;
	[tilespmem:v26+s14+$0x0] =	vst.idx.add.f32.msk $0xffff, v29  }
0xb1: {  	v17 =	vor.u32 v6, v25;
	v6 =	vor.u32 v6, v23;
	[tilespmem:v8+s14+$0x0] =	vst.idx.add.f32.msk $0xffff, v15;
	v15 =	vunpack.i.l.bf16.f32 v22  }
0xb2: {  	[tilespmem:v16+s14+$0x0] =	vst.idx.add.f32.msk $0xffff, v18;
	v16 =	vadd.s32 $0x5000, v3;
	v8 =	vunpack.i.u.bf16.f32 v47;
	v12 =	vmul.f32 v15, v20  }
0xb3: {  	v18 =	vunpack.i.u.bf16.f32 v22;
	v3 =	vadd.s32 $0x7800, v3;
	v9 =	vld.idx.msk [tilespmem:v9+s2+$0x0], $0xffff;
	v8 =	vmul.f32 v8, v27  }
0xb4: {  	v5 =	vand.u32 $0xFF80, v16;
	v10 =	vmul.f32 v18, v20;
	v16 =	vunpack.i.l.bf16.f32 v14;
	[tilespmem:v11+s14+$0x0] =	vst.idx.add.f32.msk $0xffff, v12  }
0xb5: {  	v3 =	vand.u32 $0xFF80, v3;
	v11 =	vunpack.i.u.bf16.f32 v14;
	[tilespmem:v28+s14+$0x0] =	vst.idx.add.f32.msk $0xffff, v8;
	v8 =	vmul.f32 v16, v19  }
0xb6: {  	v15 =	vunpack.i.l.bf16.f32 v24;
	v5 =	vor.u32 v1, v5;
	v11 =	vmul.f32 v11, v19;
	[tilespmem:v7+s14+$0x0] =	vst.idx.add.f32.msk $0xffff, v10  }
0xb7: {  	v1 =	vor.u32 v1, v3;
	v7 =	vunpack.i.u.bf16.f32 v24;
	v10 =	vmul.f32 v15, v2;
	[tilespmem:v17+s14+$0x0] =	vst.idx.add.f32.msk $0xffff, v8  }
0xb8: {  	v2 =	vmul.f32 v7, v2;
	v3 =	vunpack.i.l.bf16.f32 v9;
	[tilespmem:v6+s14+$0x0] =	vst.idx.add.f32.msk $0xffff, v11  }
0xb9: {  	[tilespmem:v21+s14+$0x0] =	vst.idx.add.f32.msk $0xffff, v10;
	v3 =	vmul.f32 v3, v13;
	v6 =	vunpack.i.u.bf16.f32 v9  }
0xba: {  	[tilespmem:v4+s14+$0x0] =	vst.idx.add.f32.msk $0xffff, v2;
	v2 =	vmul.f32 v6, v13  }
0xbb: {  	[tilespmem:v5+s14+$0x0] =	vst.idx.add.f32.msk $0xffff, v3  }
0xbc: {  	[tilespmem:v1+s14+$0x0] =	vst.idx.add.f32.msk $0xffff, v2  }
0xbd: {  	s19 =	sshll.u32 s18, $0x1;
	_ =	swait.ge [sflag:s15], $0x1900  }
0xbe: {  	s19 =	sadd.s32 $0x2, s19;
	[sflag:s15] =	ssyncset.done $0x0  }
0xbf: {  	s20 =	smul.u32 $0x320, s19;
	[sflag:s15] =	ssyncadd.s32 $0xFFFFE700  }
0xc0: {  	p0 =	seq.s32 s19, $0x32;
	_ =	swait.ge [sflag:s15], $0x1900  }
0xc1: {  	s20 =	simm.s32 @p0 $0x0;
	[sflag:s15] =	ssyncset.done $0x0  }
0xc2: {  	s30 =	sadd.s32 s3, s20;
	[sflag:s15] =	ssyncadd.s32 $0xFFFFE700  }
0xc3: {  	[tilespmem:s8], [sflag:$0x1] =	stream.linear.gather [hbm4b:s30+s2], $0x1900, $0x38;
	[tilespmem:$0x15400] =	vst v63  }
0xc4: {  	s19 =	simm.s32 $0x10940;
	s31 =	sadd.s32 s4, s20  }
0xc5: {  	[tilespmem:s9], [sflag:$0x1] =	stream.linear.gather [hbm4b:s31+s2], $0x1900, $0x38;
	[tilespmem:$0x15400] =	vst v63  }
0xc6: {  	v4 =	vld [tilespmem:s19+$0xFFFFFFE0]  }
0xc7: {  	v2 =	vld [tilespmem:s19+$0xFFFFFFF0]  }
0xc8: {  	v10 =	vld [tilespmem:s19+$0x10]  }
0xc9: {  	v3 =	vld [tilespmem:s19+$0x30]  }
0xca: {  	v11 =	vld [tilespmem:s19+$0x20]  }
0xcb: {  	v13 =	vld [tilespmem:s19+$0xFFFFFFC0];
	_ =	sdelay $0x1  }
0xcc: {  	v18 =	vld [tilespmem:s19+$0x0]  }
0xcd: {  	v19 =	vld [tilespmem:s19+$0xFFFFFFD0];
	v1 =	vand.u32 $0x7F, v3;
	v28 =	vand.u32 $0x7F, v4;
	v6 =	vand.u32 $0x7F, v2  }
0xce: {  	v14 =	vshrl.u32 v2, $0xE;
	v5 =	vand.u32 $0x7F, v10;
	v7 =	vand.u32 $0x7F, v11  }
0xcf: {  	v34 =	vand.u32 $0x3FFF, v11;
	v23 =	vshrl.u32 v13, $0xE;
	v8 =	vand.u32 $0x7F, v13  }
0xd0: {  	v9 =	vshrl.u32 v3, $0xE;
	v16 =	vand.u32 $0x3FFF, v13;
	v22 =	vshrl.u32 v11, $0xE  }
0xd1: {  	v37 =	vshrl.u32 v10, $0xE;
	v13 =	vshrl.u32 v18, $0xE;
	v21 =	vand.u32 $0x3FFF, v18  }
0xd2: {  	v17 =	vand.u32 $0x3FFF, v2;
	v40 =	vand.u32 $0x3FFF, v19;
	v48 =	vand.u32 $0x3FFF, v4  }
0xd3: {  	v42 =	vshrl.u32 v19, $0xE;
	v43 =	vshrl.u32 v4, $0xE;
	v31 =	vand.u32 $0x7F, v19  }
0xd4: {  	s20 =	simm.s32 $0x13B40;
	v33 =	vand.u32 $0x7F, v18;
	v12 =	vadd.s32 $0x7800, v34;
	v24 =	vadd.s32 $0x2800, v23  }
0xd5: {  	v26 =	vld [tilespmem:s20+$0x0];
	v15 =	vadd.s32 $0x5000, v34;
	v20 =	vadd.s32 $0x5000, v21;
	v4 =	vadd.s32 $0x7800, v40  }
0xd6: {  	v2 =	vld [tilespmem:s20+$0xFFFFFFD0];
	v11 =	vand.u32 $0xFF80, v15;
	v15 =	vand.u32 $0x3FFF, v10;
	v10 =	vadd.s32 $0x2800, v13  }
0xd7: {  	v29 =	vadd.s32 $0x2800, v21;
	v27 =	vand.u32 $0x7FF80, v10;
	v10 =	vadd.s32 $0x2800, v16;
	v60 =	vld.idx.msk [tilespmem:v23+s2+$0x0], $0xffff  }
0xd8: {  	v47 =	vadd.s32 $0x2800, v37;
	v32 =	vadd.s32 $0x7800, v21;
	v10 =	vand.u32 $0x7F80, v10;
	v61 =	vld.idx.msk [tilespmem:v37+s2+$0x0], $0xffff  }
0xd9: {  	v45 =	vadd.s32 $0x2800, v48;
	v19 =	vand.u32 $0x7F80, v29;
	v25 =	vor.u32 v8, v10;
	v10 =	vld [tilespmem:s20+$0x10]  }
0xda: {  	v50 =	vand.u32 $0x7F, v43;
	v52 =	vadd.s32 $0x2800, v17;
	v49 =	vor.u32 v33, v19;
	v19 =	vld.idx.msk [tilespmem:v42+s2+$0x0], $0xffff  }
0xdb: {  	v55 =	vadd.s32 $0x2800, v42;
	v4 =	vand.u32 $0xFF80, v4;
	v36 =	vand.u32 $0xFF80, v20;
	v51 =	vld.idx.msk [tilespmem:v43+s2+$0x0], $0xffff  }
0xdc: {  	v29 =	vadd.s32 $0x2800, v22;
	v45 =	vand.u32 $0x7F80, v45;
	v62 =	vld.idx.msk [tilespmem:v13+s2+$0x0], $0xffff;
	v13 =	vand.u32 $0x7F, v13  }
0xdd: {  	v18 =	vld [tilespmem:s20+$0xFFFFFFC0];
	v55 =	vand.u32 $0x7FF80, v55;
	v54 =	vor.u32 v13, v27;
	v13 =	vadd.s32 $0x2800, v40  }
0xde: {  	v4 =	vor.u32 v31, v4;
	v27 =	vld [tilespmem:s20+$0xFFFFFFE0];
	v41 =	vand.u32 $0x7F80, v13;
	v30 =	vunpack.i.u.bf16.f32 v60  }
0xdf: {  	v20 =	vunpack.i.u.bf16.f32 v61;
	v53 =	vunpack.i.l.bf16.f32 v61;
	v60 =	vunpack.i.l.bf16.f32 v60  }
0xe0: {  	v39 =	vld.idx.msk [tilespmem:v22+s2+$0x0], $0xffff;
	v61 =	vunpack.i.u.bf16.f32 v19;
	v19 =	vunpack.i.l.bf16.f32 v19;
	v58 =	vunpack.i.u.bf16.f32 v51  }
0xe1: {  	v35 =	vmul.f32 v20, v10;
	v20 =	vunpack.i.l.bf16.f32 v62;
	v57 =	vmul.f32 v19, v2;
	v19 =	vld [tilespmem:s20+$0xFFFFFFF0]  }
0xe2: {  	v51 =	vunpack.i.l.bf16.f32 v51;
	v56 =	vmul.f32 v60, v18;
	v13 =	vmul.f32 v20, v26;
	v20 =	vld [tilespmem:s20+$0x20]  }
0xe3: {  	v63 =	vadd.s32 $0x2800, v15;
	v59 =	vor.u32 v28, v45;
	v51 =	vmul.f32 v51, v27;
	[tilespmem:v40+s14+$0x0] =	vst.idx.add.f32.msk $0xffff, v57  }
0xe4: {  	v37 =	vand.u32 $0x7F, v37;
	v44 =	vunpack.i.u.bf16.f32 v62;
	v38 =	vmul.f32 v61, v2;
	[tilespmem:v16+s14+$0x0] =	vst.idx.add.f32.msk $0xffff, v56  }
0xe5: {  	v62 =	vunpack.i.l.bf16.f32 v39;
	v61 =	vadd.s32 $0x5000, v48;
	v53 =	vmul.f32 v53, v10;
	[tilespmem:v48+s14+$0x0] =	vst.idx.add.f32.msk $0xffff, v51  }
0xe6: {  	v57 =	vmul.f32 v58, v27;
	v58 =	vadd.s32 $0x2800, v43;
	[tilespmem:v21+s14+$0x0] =	vst.idx.add.f32.msk $0xffff, v13;
	v21 =	vmul.f32 v44, v26  }
0xe7: {  	v43 =	vand.u32 $0x7F, v42;
	v40 =	vadd.s32 $0x5000, v40;
	v42 =	vand.u32 $0x7F80, v52;
	v44 =	vld.idx.msk [tilespmem:v9+s2+$0x0], $0xffff  }
0xe8: {  	v52 =	vadd.s32 $0x5000, v15;
	v13 =	vand.u32 $0x7F80, v63;
	v40 =	vand.u32 $0xFF80, v40;
	[tilespmem:v49+s14+$0x0] =	vst.idx.add.f32.msk $0xffff, v21  }
0xe9: {  	v63 =	vand.u32 $0x7FF80, v58;
	v46 =	vor.u32 v5, v13;
	v21 =	vor.u32 v31, v40;
	v45 =	vld.idx.msk [tilespmem:v54+s2+$0x0], $0xffff  }
0xea: {  	[tilespmem:v15+s14+$0x0] =	vst.idx.add.f32.msk $0xffff, v53;
	v49 =	vadd.s32 $0x2800, v14;
	v40 =	vor.u32 v43, v55;
	v55 =	vadd.s32 $0x7800, v48  }
0xeb: {  	v13 =	vld [tilespmem:s20+$0x30];
	v60 =	vmul.f32 v62, v20;
	v54 =	vand.u32 $0xFF80, v61;
	v61 =	vand.u32 $0x7FF80, v47  }
0xec: {  	[tilespmem:v59+s14+$0x0] =	vst.idx.add.f32.msk $0xffff, v57;
	v47 =	vor.u32 v50, v63;
	v62 =	vadd.s32 $0x2800, v34;
	v63 =	vand.u32 $0xFF80, v55  }
0xed: {  	v43 =	vld.idx.msk [tilespmem:v14+s2+$0x0], $0xffff;
	v50 =	vand.u32 $0x7F80, v62;
	v37 =	vor.u32 v37, v61;
	v51 =	vunpack.i.l.bf16.f32 v44  }
0xee: {  	s21 =	simm.s32 $0x0;
	[tilespmem:v34+s14+$0x0] =	vst.idx.add.f32.msk $0xffff, v60;
	v34 =	vor.u32 v28, v54;
	v28 =	vor.u32 v28, v63;
	v48 =	vunpack.i.l.bf16.f32 v45  }
.LBB2_7:
0xef: {  	s21 =	sadd.s32 $0x8, s21;
	v49 =	vand.u32 $0x7FF80, v49;
	v53 =	vadd.s32 $0x5000, v17;
	[tilespmem:v46+s14+$0x0] =	vst.idx.add.f32.msk $0xffff, v35;
	v46 =	vand.u32 $0xFF80, v52;
	s19 =	sadd.s32 $0x80, s19;
	s20 =	sadd.s32 $0x80, s20  }
0xf0: {  	v41 =	vor.u32 v31, v41;
	v39 =	vunpack.i.u.bf16.f32 v39;
	v35 =	vld [tilespmem:s19+$0xFFFFFFE0];
	p0 =	slt.u32 s21, $0x188;
	v46 =	vor.u32 v5, v46  }
0xf1: {  	v52 =	vor.u32 v33, v36;
	v36 =	vand.u32 $0xFF80, v32;
	v51 =	vmul.f32 v51, v13;
	v31 =	vld [tilespmem:s19+$0xFFFFFFD0]  }
0xf2: {  	v44 =	vunpack.i.u.bf16.f32 v44;
	v54 =	vor.u32 v33, v36;
	v39 =	vmul.f32 v39, v20;
	v32 =	vld [tilespmem:s19+$0xFFFFFFF0]  }
0xf3: {  	v55 =	vmul.f32 v30, v18;
	v56 =	vadd.s32 $0x7800, v17;
	v50 =	vor.u32 v7, v50;
	v33 =	vld [tilespmem:s19+$0x0]  }
0xf4: {  	v57 =	vunpack.i.l.bf16.f32 v43;
	v42 =	vor.u32 v6, v42;
	v45 =	vunpack.i.u.bf16.f32 v45;
	v30 =	vld [tilespmem:s19+$0x10]  }
0xf5: {  	v43 =	vunpack.i.u.bf16.f32 v43;
	v57 =	vmul.f32 v57, v19;
	v45 =	vmul.f32 v45, v26;
	v36 =	vld [tilespmem:s19+$0xFFFFFFC0]  }
0xf6: {  	v23 =	vand.u32 $0x7F, v23;
	v58 =	vadd.s32 $0x5000, v16;
	v29 =	vand.u32 $0x7FF80, v29;
	v47 =	vld.idx.msk [tilespmem:v47+s2+$0x0], $0xffff  }
0xf7: {  	v24 =	vand.u32 $0x7FF80, v24;
	v12 =	vand.u32 $0xFF80, v12;
	v58 =	vand.u32 $0xFF80, v58;
	[tilespmem:v41+s14+$0x0] =	vst.idx.add.f32.msk $0xffff, v38  }
0xf8: {  	v14 =	vand.u32 $0x7F, v14;
	v23 =	vor.u32 v23, v24;
	v24 =	vor.u32 v8, v58;
	v38 =	vld [tilespmem:s19+$0x20]  }
0xf9: {  	v14 =	vor.u32 v14, v49;
	v49 =	vand.u32 $0xFF80, v53;
	v26 =	vmul.f32 v48, v26;
	v41 =	vld [tilespmem:s19+$0x30]  }
0xfa: {  	v22 =	vand.u32 $0x7F, v22;
	v48 =	vor.u32 v6, v49;
	v49 =	vand.u32 $0xFF80, v56;
	v37 =	vld.idx.msk [tilespmem:v37+s2+$0x0], $0xffff  }
0xfb: {  	v12 =	vor.u32 v7, v12;
	v49 =	vor.u32 v6, v49;
	v6 =	vor.u32 v22, v29;
	v40 =	vld.idx.msk [tilespmem:v40+s2+$0x0], $0xffff  }
0xfc: {  	v7 =	vor.u32 v7, v11;
	v22 =	vunpack.i.u.bf16.f32 v47;
	v29 =	vunpack.i.l.bf16.f32 v47;
	[tilespmem:v52+s14+$0x0] =	vst.idx.add.f32.msk $0xffff, v26  }
0xfd: {  	v11 =	vmul.f32 v29, v27;
	v22 =	vmul.f32 v22, v27;
	v26 =	vadd.s32 $0x2800, v9;
	[tilespmem:v50+s14+$0x0] =	vst.idx.add.f32.msk $0xffff, v39  }
0xfe: {  	v16 =	vadd.s32 $0x7800, v16;
	v27 =	vmul.f32 v43, v19;
	v26 =	vand.u32 $0x7FF80, v26;
	[tilespmem:v54+s14+$0x0] =	vst.idx.add.f32.msk $0xffff, v45  }
0xff: {  	v15 =	vadd.s32 $0x7800, v15;
	v16 =	vand.u32 $0xFF80, v16;
	[tilespmem:v25+s14+$0x0] =	vst.idx.add.f32.msk $0xffff, v55;
	v25 =	vand.u32 $0x3FFF, v3;
	v3 =	vmovc v41  }
0x100: {  	v15 =	vand.u32 $0xFF80, v15;
	v39 =	vmul.f32 v44, v13;
	v29 =	vunpack.i.l.bf16.f32 v37;
	v23 =	vld.idx.msk [tilespmem:v23+s2+$0x0], $0xffff  }
0x101: {  	v37 =	vunpack.i.u.bf16.f32 v37;
	v41 =	vunpack.i.u.bf16.f32 v40;
	v40 =	vunpack.i.l.bf16.f32 v40;
	v6 =	vld.idx.msk [tilespmem:v6+s2+$0x0], $0xffff  }
0x102: {  	v40 =	vmul.f32 v40, v2;
	[tilespmem:v17+s14+$0x0] =	vst.idx.add.f32.msk $0xffff, v57;
	v17 =	vmul.f32 v29, v10;
	v29 =	vadd.s32 $0x2800, v25  }
0x103: {  	v8 =	vor.u32 v8, v16;
	v5 =	vor.u32 v5, v15;
	v15 =	vand.u32 $0x7F80, v29  }
0x104: {  	v9 =	vand.u32 $0x7F, v9;
	v16 =	vadd.s32 $0x5000, v25;
	[tilespmem:v25+s14+$0x0] =	vst.idx.add.f32.msk $0xffff, v51;
	v15 =	vor.u32 v1, v15  }
0x105: {  	v9 =	vor.u32 v9, v26;
	v16 =	vand.u32 $0xFF80, v16;
	v25 =	vadd.s32 $0x7800, v25;
	[tilespmem:v42+s14+$0x0] =	vst.idx.add.f32.msk $0xffff, v27  }
0x106: {  	v26 =	vunpack.i.u.bf16.f32 v23;
	v23 =	vunpack.i.l.bf16.f32 v23;
	[tilespmem:v34+s14+$0x0] =	vst.idx.add.f32.msk $0xffff, v11;
	v11 =	vand.u32 $0xFF80, v25  }
0x107: {  	v23 =	vmul.f32 v23, v18;
	[tilespmem:v46+s14+$0x0] =	vst.idx.add.f32.msk $0xffff, v17;
	v17 =	vunpack.i.u.bf16.f32 v6;
	v6 =	vunpack.i.l.bf16.f32 v6  }
0x108: {  	v18 =	vmul.f32 v26, v18;
	v25 =	vld.idx.msk [tilespmem:v14+s2+$0x0], $0xffff;
	v26 =	vmul.f32 v6, v20  }
0x109: {  	v10 =	vmul.f32 v37, v10;
	v17 =	vmul.f32 v17, v20;
	[tilespmem:v24+s14+$0x0] =	vst.idx.add.f32.msk $0xffff, v23  }
0x10a: {  	[tilespmem:v8+s14+$0x0] =	vst.idx.add.f32.msk $0xffff, v18  }
0x10b: {  	[tilespmem:v15+s14+$0x0] =	vst.idx.add.f32.msk $0xffff, v39  }
0x10c: {  	v20 =	vor.u32 v1, v11;
	v8 =	vand.u32 $0x7F, v3;
	v18 =	vld.idx.msk [tilespmem:v9+s2+$0x0], $0xffff  }
0x10d: {  	v37 =	vand.u32 $0x7F, v35;
	v27 =	vor.u32 v1, v16;
	v6 =	vand.u32 $0x7F, v32;
	v1 =	vmovc v8;
	[tilespmem:v5+s14+$0x0] =	vst.idx.add.f32.msk $0xffff, v10  }
0x10e: {  	v14 =	vshrl.u32 v32, $0xE;
	v8 =	vunpack.i.u.bf16.f32 v25;
	v9 =	vunpack.i.l.bf16.f32 v25;
	[tilespmem:v7+s14+$0x0] =	vst.idx.add.f32.msk $0xffff, v26  }
0x10f: {  	v5 =	vand.u32 $0x7F, v30;
	v7 =	vand.u32 $0x7F, v38;
	v9 =	vmul.f32 v9, v19;
	[tilespmem:v28+s14+$0x0] =	vst.idx.add.f32.msk $0xffff, v22  }
0x110: {  	v2 =	vmul.f32 v41, v2;
	v10 =	vmul.f32 v8, v19;
	v28 =	vand.u32 $0x3FFF, v38;
	[tilespmem:v12+s14+$0x0] =	vst.idx.add.f32.msk $0xffff, v17  }
0x111: {  	v23 =	vshrl.u32 v36, $0xE;
	v8 =	vand.u32 $0x7F, v36;
	v12 =	vadd.s32 $0x7800, v28;
	[tilespmem:v48+s14+$0x0] =	vst.idx.add.f32.msk $0xffff, v9  }
0x112: {  	v24 =	vadd.s32 $0x2800, v23;
	v11 =	vadd.s32 $0x5000, v28;
	v9 =	vshrl.u32 v3, $0xE;
	[tilespmem:v49+s14+$0x0] =	vst.idx.add.f32.msk $0xffff, v10  }
0x113: {  	v16 =	vand.u32 $0x3FFF, v36;
	v22 =	vshrl.u32 v38, $0xE;
	v11 =	vand.u32 $0xFF80, v11;
	[tilespmem:v21+s14+$0x0] =	vst.idx.add.f32.msk $0xffff, v40  }
0x114: {  	v34 =	vshrl.u32 v30, $0xE;
	v15 =	vand.u32 $0x3FFF, v30;
	[tilespmem:v4+s14+$0x0] =	vst.idx.add.f32.msk $0xffff, v2;
	v4 =	vunpack.i.l.bf16.f32 v18  }
0x115: {  	v19 =	vshrl.u32 v33, $0xE;
	v21 =	vand.u32 $0x3FFF, v33;
	v2 =	vld [tilespmem:s20+$0xFFFFFFD0];
	v4 =	vmul.f32 v4, v13  }
0x116: {  	v10 =	vadd.s32 $0x2800, v19;
	v29 =	vadd.s32 $0x5000, v21;
	v18 =	vunpack.i.u.bf16.f32 v18;
	v38 =	vld.idx.msk [tilespmem:v23+s2+$0x0], $0xffff  }
0x117: {  	v17 =	vand.u32 $0x3FFF, v32;
	v40 =	vand.u32 $0x7FF80, v10;
	v13 =	vmul.f32 v18, v13;
	v26 =	vld [tilespmem:s20+$0x0]  }
0x118: {  	v42 =	vand.u32 $0x3FFF, v31;
	v48 =	vand.u32 $0x3FFF, v35;
	v18 =	vadd.s32 $0x2800, v16;
	v10 =	vld [tilespmem:s20+$0x10]  }
0x119: {  	v43 =	vshrl.u32 v31, $0xE;
	v44 =	vshrl.u32 v35, $0xE;
	v18 =	vand.u32 $0x7F80, v18;
	[tilespmem:v27+s14+$0x0] =	vst.idx.add.f32.msk $0xffff, v4  }
0x11a: {  	v25 =	vor.u32 v8, v18;
	v18 =	vadd.s32 $0x2800, v21;
	v4 =	vadd.s32 $0x7800, v42;
	v27 =	vld.idx.msk [tilespmem:v34+s2+$0x0], $0xffff  }
0x11b: {  	v31 =	vand.u32 $0x7F, v31;
	v47 =	vadd.s32 $0x2800, v34;
	v4 =	vand.u32 $0xFF80, v4;
	v45 =	vld.idx.msk [tilespmem:v19+s2+$0x0], $0xffff  }
0x11c: {  	v32 =	vadd.s32 $0x7800, v21;
	v35 =	vand.u32 $0x7F80, v18;
	v4 =	vor.u32 v31, v4;
	[tilespmem:v20+s14+$0x0] =	vst.idx.add.f32.msk $0xffff, v13  }
0x11d: {  	v33 =	vand.u32 $0x7F, v33;
	v30 =	vunpack.i.u.bf16.f32 v38;
	v13 =	vadd.s32 $0x2800, v48;
	v18 =	vld [tilespmem:s20+$0xFFFFFFC0]  }
0x11e: {  	v50 =	vadd.s32 $0x2800, v15;
	v49 =	vor.u32 v33, v35;
	v19 =	vand.u32 $0x7F, v19;
	v46 =	vld.idx.msk [tilespmem:v43+s2+$0x0], $0xffff  }
0x11f: {  	v51 =	vand.u32 $0x7F, v44;
	v36 =	vand.u32 $0xFF80, v29;
	v29 =	vadd.s32 $0x2800, v22;
	v52 =	vld.idx.msk [tilespmem:v44+s2+$0x0], $0xffff  }
0x120: {  	v53 =	vadd.s32 $0x2800, v17;
	v20 =	vunpack.i.u.bf16.f32 v27;
	v54 =	vunpack.i.l.bf16.f32 v27;
	v39 =	vld.idx.msk [tilespmem:v22+s2+$0x0], $0xffff  }
0x121: {  	v38 =	vunpack.i.l.bf16.f32 v38;
	v40 =	vor.u32 v19, v40;
	v35 =	vmul.f32 v20, v10  }
0x122: {  	v55 =	vadd.s32 $0x2800, v43;
	v19 =	vadd.s32 $0x2800, v42;
	v20 =	vunpack.i.l.bf16.f32 v45;
	v27 =	vld [tilespmem:s20+$0xFFFFFFE0]  }
0x123: {  	v41 =	vand.u32 $0x7F80, v19;
	v19 =	vmul.f32 v20, v26;
	v56 =	vmul.f32 v38, v18;
	v20 =	vld [tilespmem:s20+$0x20]  }
0x124: {  	v45 =	vunpack.i.u.bf16.f32 v45;
	v38 =	vunpack.i.u.bf16.f32 v46;
	v46 =	vunpack.i.l.bf16.f32 v46  }
0x125: {  	v46 =	vmul.f32 v46, v2;
	v57 =	vunpack.i.u.bf16.f32 v52;
	[tilespmem:v21+s14+$0x0] =	vst.idx.add.f32.msk $0xffff, v19;
	v21 =	vmul.f32 v45, v26  }
0x126: {  	v38 =	vmul.f32 v38, v2;
	v45 =	vand.u32 $0x7F80, v50;
	v50 =	vunpack.i.l.bf16.f32 v39;
	v19 =	vld [tilespmem:s20+$0xFFFFFFF0]  }
0x127: {  	v58 =	vadd.s32 $0x2800, v44;
	v13 =	vand.u32 $0x7F80, v13;
	[tilespmem:v42+s14+$0x0] =	vst.idx.add.f32.msk $0xffff, v46;
	v57 =	vmul.f32 v57, v27  }
0x128: {  	v59 =	vor.u32 v37, v13;
	v46 =	vor.u32 v5, v45;
	v50 =	vmul.f32 v50, v20;
	v13 =	vld [tilespmem:s20+$0x30]  }
0x129: {  	v43 =	vand.u32 $0x7F, v43;
	v52 =	vunpack.i.l.bf16.f32 v52;
	v42 =	vadd.s32 $0x5000, v42;
	v44 =	vld.idx.msk [tilespmem:v9+s2+$0x0], $0xffff  }
0x12a: {  	v55 =	vand.u32 $0x7FF80, v55;
	v60 =	vadd.s32 $0x5000, v48;
	v42 =	vand.u32 $0xFF80, v42;
	[tilespmem:v49+s14+$0x0] =	vst.idx.add.f32.msk $0xffff, v21  }
0x12b: {  	v21 =	vor.u32 v31, v42;
	v42 =	vand.u32 $0x7F80, v53;
	v49 =	vadd.s32 $0x2800, v14;
	v45 =	vld.idx.msk [tilespmem:v40+s2+$0x0], $0xffff  }
0x12c: {  	v53 =	vand.u32 $0xFF80, v60;
	v40 =	vor.u32 v43, v55;
	v55 =	vadd.s32 $0x7800, v48;
	v43 =	vld.idx.msk [tilespmem:v14+s2+$0x0], $0xffff  }
.Ltmp2:
0x12d: {  	v60 =	vmul.f32 v52, v27;
	v52 =	vand.u32 $0x7FF80, v58;
	v58 =	vand.u32 $0x7FF80, v47;
	[tilespmem:v28+s14+$0x0] =	vst.idx.add.f32.msk $0xffff, v50;
	(pc) =	sbr.rel @p0 .LBB2_7-.Ltmp2, $4  }
0x12e: {  	v47 =	vor.u32 v51, v52;
	v52 =	vadd.s32 $0x5000, v15;
	[tilespmem:v16+s14+$0x0] =	vst.idx.add.f32.msk $0xffff, v56;
	v56 =	vand.u32 $0x7F, v34  }
0x12f: {  	v54 =	vmul.f32 v54, v10;
	v28 =	vadd.s32 $0x2800, v28;
	v51 =	vunpack.i.l.bf16.f32 v44;
	[tilespmem:v48+s14+$0x0] =	vst.idx.add.f32.msk $0xffff, v60  }
0x130: {  	v34 =	vor.u32 v37, v53;
	v50 =	vand.u32 $0x7F80, v28;
	v48 =	vand.u32 $0xFF80, v55;
	[tilespmem:v59+s14+$0x0] =	vst.idx.add.f32.msk $0xffff, v57  }
0x131: {  	v28 =	vor.u32 v37, v48;
	v48 =	vunpack.i.l.bf16.f32 v45;
	v37 =	vor.u32 v56, v58;
	[tilespmem:v15+s14+$0x0] =	vst.idx.add.f32.msk $0xffff, v54  }
0x132: {  	_ =	sdelay $0x1  }
0x133: {  	v31 =	vor.u32 v31, v41;
	v59 =	vand.u32 $0x7FF80, v49  }
0x134: {  	v60 =	vadd.s32 $0x5000, v17;
	v52 =	vand.u32 $0xFF80, v52;
	v39 =	vunpack.i.u.bf16.f32 v39  }
0x135: {  	[tilespmem:v46+s14+$0x0] =	vst.idx.add.f32.msk $0xffff, v35;
	v32 =	vand.u32 $0xFF80, v32;
	v36 =	vor.u32 v33, v36;
	v46 =	vmul.f32 v51, v13  }
0x136: {  	v62 =	vor.u32 v7, v50;
	v30 =	vmul.f32 v30, v18;
	v50 =	vadd.s32 $0x7800, v17  }
0x137: {  	v47 =	vld.idx.msk [tilespmem:v47+s2+$0x0], $0xffff;
	v45 =	vunpack.i.u.bf16.f32 v45;
	v23 =	vand.u32 $0x7F, v23;
	v24 =	vand.u32 $0x7FF80, v24  }
0x138: {  	v63 =	vmul.f32 v48, v26;
	v29 =	vand.u32 $0x7FF80, v29;
	v3 =	vand.u32 $0x3FFF, v3;
	v37 =	vld.idx.msk [tilespmem:v37+s2+$0x0], $0xffff  }
0x139: {  	v22 =	vand.u32 $0x7F, v22;
	v51 =	vor.u32 v6, v42;
	v53 =	vadd.s32 $0x5000, v16;
	[tilespmem:v25+s14+$0x0] =	vst.idx.add.f32.msk $0xffff, v30  }
0x13a: {  	v14 =	vand.u32 $0x7F, v14;
	v32 =	vor.u32 v33, v32;
	v61 =	vmul.f32 v39, v20;
	[tilespmem:v31+s14+$0x0] =	vst.idx.add.f32.msk $0xffff, v38  }
0x13b: {  	v15 =	vadd.s32 $0x7800, v15;
	v35 =	vor.u32 v5, v52;
	v23 =	vor.u32 v23, v24;
	[tilespmem:v36+s14+$0x0] =	vst.idx.add.f32.msk $0xffff, v63  }
0x13c: {  	v48 =	vmul.f32 v45, v26;
	v22 =	vor.u32 v22, v29;
	v52 =	vunpack.i.u.bf16.f32 v43;
	[tilespmem:v62+s14+$0x0] =	vst.idx.add.f32.msk $0xffff, v61  }
0x13d: {  	v14 =	vor.u32 v14, v59;
	v57 =	vand.u32 $0xFF80, v60;
	v60 =	vadd.s32 $0x7800, v16;
	[tilespmem:v3+s14+$0x0] =	vst.idx.add.f32.msk $0xffff, v46  }
0x13e: {  	v59 =	vadd.s32 $0x2800, v9;
	v15 =	vand.u32 $0xFF80, v15;
	v16 =	vand.u32 $0xFF80, v60;
	v24 =	vld.idx.msk [tilespmem:v40+s2+$0x0], $0xffff  }
0x13f: {  	v41 =	vor.u32 v5, v15;
	v36 =	vand.u32 $0xFF80, v53;
	v56 =	vunpack.i.l.bf16.f32 v47;
	[tilespmem:v32+s14+$0x0] =	vst.idx.add.f32.msk $0xffff, v48  }
0x140: {  	v62 =	vadd.s32 $0x2800, v3;
	v40 =	vunpack.i.l.bf16.f32 v43;
	v58 =	vmul.f32 v56, v27;
	v23 =	vld.idx.msk [tilespmem:v23+s2+$0x0], $0xffff  }
0x141: {  	v63 =	vor.u32 v8, v16;
	v22 =	vld.idx.msk [tilespmem:v22+s2+$0x0], $0xffff;
	v48 =	vunpack.i.u.bf16.f32 v47;
	v54 =	vmul.f32 v40, v19  }
0x142: {  	v55 =	vor.u32 v8, v36;
	v33 =	vand.u32 $0x7F80, v62;
	v8 =	vmul.f32 v48, v27;
	[tilespmem:v34+s14+$0x0] =	vst.idx.add.f32.msk $0xffff, v58  }
0x143: {  	v31 =	vmul.f32 v52, v19;
	v61 =	vunpack.i.l.bf16.f32 v37;
	v16 =	vor.u32 v1, v33;
	[tilespmem:v17+s14+$0x0] =	vst.idx.add.f32.msk $0xffff, v54  }
0x144: {  	v32 =	vand.u32 $0x7FF80, v59;
	v36 =	vand.u32 $0x7F, v9;
	v17 =	vmul.f32 v61, v10;
	[tilespmem:v28+s14+$0x0] =	vst.idx.add.f32.msk $0xffff, v8  }
0x145: {  	v39 =	vunpack.i.u.bf16.f32 v44;
	v9 =	vor.u32 v36, v32;
	[tilespmem:v51+s14+$0x0] =	vst.idx.add.f32.msk $0xffff, v31  }
0x146: {  	v12 =	vand.u32 $0xFF80, v12;
	v43 =	vmul.f32 v39, v13;
	v46 =	vunpack.i.u.bf16.f32 v37;
	[tilespmem:v35+s14+$0x0] =	vst.idx.add.f32.msk $0xffff, v17  }
0x147: {  	v11 =	vor.u32 v7, v11;
	v44 =	vand.u32 $0xFF80, v50;
	v50 =	vmul.f32 v46, v10;
	v14 =	vld.idx.msk [tilespmem:v14+s2+$0x0], $0xffff  }
0x148: {  	v45 =	vor.u32 v7, v12;
	v40 =	vor.u32 v6, v57;
	v38 =	vunpack.i.l.bf16.f32 v23;
	[tilespmem:v16+s14+$0x0] =	vst.idx.add.f32.msk $0xffff, v43  }
0x149: {  	v54 =	vadd.s32 $0x5000, v3;
	v49 =	vunpack.i.l.bf16.f32 v22;
	v29 =	vmul.f32 v38, v18;
	[tilespmem:v41+s14+$0x0] =	vst.idx.add.f32.msk $0xffff, v50  }
0x14a: {  	v3 =	vadd.s32 $0x7800, v3;
	v53 =	vunpack.i.l.bf16.f32 v24;
	v52 =	vmul.f32 v49, v20;
	v9 =	vld.idx.msk [tilespmem:v9+s2+$0x0], $0xffff  }
0x14b: {  	v51 =	vor.u32 v6, v44;
	v23 =	vunpack.i.u.bf16.f32 v23;
	v62 =	vmul.f32 v53, v2;
	[tilespmem:v55+s14+$0x0] =	vst.idx.add.f32.msk $0xffff, v29  }
0x14c: {  	v56 =	vand.u32 $0xFF80, v54;
	v61 =	vunpack.i.u.bf16.f32 v24;
	v42 =	vmul.f32 v23, v18;
	[tilespmem:v11+s14+$0x0] =	vst.idx.add.f32.msk $0xffff, v52  }
0x14d: {  	v3 =	vand.u32 $0xFF80, v3;
	v2 =	vmul.f32 v61, v2;
	v55 =	vunpack.i.u.bf16.f32 v22;
	[tilespmem:v21+s14+$0x0] =	vst.idx.add.f32.msk $0xffff, v62  }
0x14e: {  	s18 =	sadd.s32 $0x1, s18;
	v5 =	vor.u32 v1, v56;
	[tilespmem:v63+s14+$0x0] =	vst.idx.add.f32.msk $0xffff, v42;
	v57 =	vmul.f32 v55, v20;
	v58 =	vunpack.i.l.bf16.f32 v14  }
0x14f: {  	p0 =	sne.s32 s18, $0x19;
	v1 =	vor.u32 v1, v3;
	[tilespmem:v4+s14+$0x0] =	vst.idx.add.f32.msk $0xffff, v2;
	v59 =	vunpack.i.u.bf16.f32 v14;
	v60 =	vmul.f32 v58, v19  }
.Ltmp3:
0x150: {  	v11 =	vmul.f32 v59, v19;
	[tilespmem:v45+s14+$0x0] =	vst.idx.add.f32.msk $0xffff, v57;
	v3 =	vunpack.i.l.bf16.f32 v9;
	(pc) =	sbr.rel @p0 .LBB2_4-.Ltmp3, $4  }
0x151: {  	v63 =	vunpack.i.u.bf16.f32 v9;
	[tilespmem:v40+s14+$0x0] =	vst.idx.add.f32.msk $0xffff, v60;
	v3 =	vmul.f32 v3, v13  }
0x152: {  	v2 =	vmul.f32 v63, v13;
	[tilespmem:v51+s14+$0x0] =	vst.idx.add.f32.msk $0xffff, v11  }
0x153: {  	[tilespmem:v5+s14+$0x0] =	vst.idx.add.f32.msk $0xffff, v3  }
0x154: {  	[tilespmem:v1+s14+$0x0] =	vst.idx.add.f32.msk $0xffff, v2  }
0x155: {  	_ =	swait.ge [sflag:s11], $0x1900  }
0x156: {  	[sflag:s11] =	ssyncset.done $0x0  }
0x157: {  	[sflag:s11] =	ssyncadd.s32 $0xFFFFE700  }
0x158: {  	s17 =	sadd.s32 $0x1, s17;
	_ =	swait.ge [sflag:s11], $0x1900  }
0x159: {  	p0 =	sne.s32 s17, s7;
	[sflag:s11] =	ssyncset.done $0x0  }
.Ltmp4:
0x15a: {  	[sflag:s11] =	ssyncadd.s32 $0xFFFFE700;
	(pc) =	sbr.rel @p0 .LBB2_1-.Ltmp4, $4  }
0x15b: {  	[hbm4b:s6+s2] =	stream.linear.scatter [tilespmem:s14], [sflag:$0x4], $0xA000, $0x38;
	[tilespmem:$0x15400] =	vst v63  }
0x15c: {  	_ =	swait.ge [sflag:s16], $0xA000  }
0x15d: {  	[sflag:s16] =	ssyncset.done $0x0  }
0x15e: {  	[sflag:s16] =	ssyncadd.s32 $0xFFFF6000  }
0x15f: {  	_ =	sfence.sel $0x180000  }
0x160: {  	[bflag:$0x0] =	sbarrier.arrive $0xFFFF  }
0x161: {  	p0 =	sne.s32 s0, $0x0;
	_ =	strace $0x90000050  }
0x162: {  	s0 =	sadd.s32 @!p0 $0x100000, s1;
	[bflag:$0x2] =	sbarrier.arrive $0xFFFF  }
0x163: {  	[sflag:s0] =	ssyncadd.tile.s32 @!p0 $0x1;
	_ =	shalt  }
.Lfunc_end2:
_tile_overlayer_lowered:
.L_overlay_start_2:
0x164: {  	(tag) =	ssettag $0x2  }
0x165: {  	s0 =	rddreg [dreg:$0x0];
	s2 =	stileid.u32  }
0x166: {  	s1 =	rddreg [dreg:$0x1];
	p0 =	sne.s32 s2, $0x0  }
0x167: {  	s3 =	rddreg [dreg:$0x2];
	[bflag:$0x3] =	sbarrier.arrive $0xFFFF;
	s2 =	simm.s32 @!p0 $0x1C04  }
0x168: {  	[timem:s3], [sflag:s2] =	dma.local @!p0 [hbm:s0], s1  }
0x169: {  	s0 =	simm.s32 @!p0 $0x4  }
0x16a: {  	_ =	swait.ge @!p0 [sflag:s0], s1  }
0x16b: {  	s1 =	ssub.s32 @!p0 $0x0, s1;
	[sflag:s0] =	ssyncset.done @!p0 $0x0  }
0x16c: {  	[sflag:s0] =	ssyncadd.s32 @!p0 s1  }
0x16d: {  	[bflag:$0x3] =	sbarrier.arrive $0xFFFF  }
0x16e: {  	_ =	shalt  }

// kernel: kernel.9.cloned.1.call-start
scs
__scs_entry_jumppad:
0x0: {  	(pc) =	sbr.rel $0x88, $3  }
0x1: {  	(tag) =	ssettag $0x0;
	lr =	simm.s32 $0x1  }
0x2: {  	[smem:$0x3F97] =	sst lr;
	_ =	strace $0xD0000000  }
0x3: {  	_ = 	snop  }
0x4: {  	_ = 	snop  }
0x5: {  	_ = 	snop  }
0x6: {  	_ = 	snop  }
0x7: {  	_ = 	snop  }
__scs_overlays_trampoline_lowered:
0x8: {  	[smem:$0x3FA6] =	sst s0  }
0x9: {  	[smem:$0x3FA7] =	sst s1  }
0xa: {  	[smem:$0x3FA8] =	sst s2  }
0xb: {  	[smem:$0x3FA9] =	sst s3  }
0xc: {  	[smem:$0x3FAA] =	sst s4  }
0xd: {  	[smem:$0x3FAB] =	sst s5  }
0xe: {  	[smem:$0x3FAC] =	sst s6  }
0xf: {  	[smem:$0x3FAD] =	sst s7  }
0x10: {  	[smem:$0x3FAE] =	sst s8  }
0x11: {  	[smem:$0x3FAF] =	sst s9;
	s0 =	simm.s32 @!p0 $0x0  }
0x12: {  	s1 =	sld [smem:$0x3F95];
	s0 =	simm.s32 @p0 $0x1  }
0x13: {  	[smem:$0x3FB0] =	sst s0;
	s0 =	simm.s32 @!p1 $0x0  }
0x14: {  	s2 =	sld [smem:$0x3F94];
	s0 =	simm.s32 @p1 $0x1  }
0x15: {  	[smem:$0x3FB1] =	sst s0;
	s0 =	simm.s32 @!p2 $0x0  }
0x16: {  	s3 =	sld [smem:$0x3FDB];
	s0 =	simm.s32 @p2 $0x1  }
0x17: {  	s4 =	simm.s32 $0x1BF5;
	[smem:$0x3FB3] =	sst s0  }
0x18: {  	s0 =	sld [smem:$0x3F96];
	_ =	swait.ge [sflag:s4], $0x0  }
0x19: {  	s7 =	sld [smem:$0x3F97]  }
0x1a: {  	s8 =	sadd.s32 $0xFFFFE003, lr  }
0x1b: {  	s9 =	sadd.s32 $0xFFFFFEF7, lr;
	s5 =	simm.s32 $0xFFFFFFFF;
	p2 =	slt.u32 s8, $0xFFFFF086  }
0x1c: {  	p1 =	slt.u32 s9, $0xF7A;
	s5 =	simm.s32 @!p2 $0x0  }
0x1d: {  	s5 =	simm.s32 @p1 $0x1;
	p0 =	seq.s32 s7, s2  }
0x1e: {  	s7 =	smul.u32 @!p0 $0xF7A, s2;
	p2 =	seq.s32 @!p0 s5, $0x0  }
0x1f: {  	s9 =	smul.u32 $0xF7A, s1;
	s8 =	simm.s32 @!p0 $0x1BF5;
	p2 =	por !p2, p0  }
0x20: {  	[sflag:s8] =	ssyncset.s32 @!p0 $0xFFFFF086;
	s6 =	sadd.s32 @!p0 s3, s7;
	s7 =	simm.s32 @!p0 $0x108  }
0x21: {  	s3 =	sadd.s32 s3, s9;
	s6 =	sadd.s32 @!p0 $0x88, s6;
	s7 =	simm.s32 @p2 $0x1082  }
0x22: {  	[simem:s7], [sflag:s8] =	dma.local @!p0 [hbm:s6], $0xF7A  }
0x23: {  	s9 =	sor.u32 $0xD0000000, s2;
	s6 =	simm.s32 $0x108;
	_ =	swait.ge @!p0 [sflag:s8], $0x0  }
0x24: {  	s3 =	sadd.s32 $0x88, s3;
	s6 =	simm.s32 @!p1 $0x1082;
	[sflag:s4] =	ssyncset.s32 $0xFFFFF086  }
0x25: {  	[simem:s6], [sflag:s4] =	dma.local [hbm:s3], $0xF7A  }
0x26: {  	[smem:$0x3F97] =	sst s1;
	(tag) =	ssettag s2;
	_ =	strace s9  }
0x27: {  	s1 =	sld [smem:$0x3FA7]  }
0x28: {  	s2 =	sld [smem:$0x3FA8]  }
0x29: {  	s4 =	sld [smem:$0x3FAA]  }
0x2a: {  	p0 =	seq.s32 s5, $0x0;
	s5 =	sld [smem:$0x3FAB]  }
0x2b: {  	s6 =	sld [smem:$0x3FAC]  }
0x2c: {  	s7 =	sld [smem:$0x3FAD]  }
0x2d: {  	s3 =	simm.s32 $0x108;
	s8 =	sld [smem:$0x3FAE]  }
0x2e: {  	s3 =	simm.s32 @!p0 $0x1082;
	s9 =	sld [smem:$0x3FAF]  }
0x2f: {  	lr =	sadd.s32 s0, s3;
	s0 =	sld [smem:$0x3FA6]  }
0x30: {  	s3 =	sld [smem:$0x3FA9]  }
0x31: {  	[smem:$0x3FB2] =	sst s10  }
0x32: {  	s10 =	sld [smem:$0x3FB0];
	_ =	sdelay $0x3  }
0x33: {  	p0 =	seq.s32 s10, $0x1;
	s10 =	sld [smem:$0x3FB2];
	_ =	sdelay $0x3  }
0x34: {  	[smem:$0x3FB2] =	sst s10  }
0x35: {  	s10 =	sld [smem:$0x3FB1];
	_ =	sdelay $0x3  }
0x36: {  	p1 =	seq.s32 s10, $0x1;
	s10 =	sld [smem:$0x3FB2];
	_ =	sdelay $0x3  }
0x37: {  	[smem:$0x3FB2] =	sst s10  }
0x38: {  	s10 =	sld [smem:$0x3FB3]  }
0x39: {  	_ = 	snop;
	(pc) =	sbr.ind lr, $3  }
0x3a: {  	_ = 	snop  }
0x3b: {  	_ = 	snop  }
0x3c: {  	p2 =	seq.s32 s10, $0x1;
	s10 =	sld [smem:$0x3FB2]  }
0x3d: {  	_ =	shalt  }
0x3e: {  	_ =	shalt  }
0x3f: {  	_ =	shalt  }
0x40: {  	_ =	shalt  }
0x41: {  	_ =	shalt  }
0x42: {  	_ =	shalt  }
0x43: {  	_ =	shalt  }
0x44: {  	_ =	shalt  }
0x45: {  	_ =	shalt  }
0x46: {  	_ =	shalt  }
0x47: {  	_ =	shalt  }
0x48: {  	_ =	shalt  }
0x49: {  	_ =	shalt  }
0x4a: {  	_ =	shalt  }
0x4b: {  	_ =	shalt  }
0x4c: {  	_ =	shalt  }
0x4d: {  	_ =	shalt  }
0x4e: {  	_ =	shalt  }
0x4f: {  	_ =	shalt  }
0x50: {  	_ =	shalt  }
0x51: {  	_ =	shalt  }
0x52: {  	_ =	shalt  }
0x53: {  	_ =	shalt  }
0x54: {  	_ =	shalt  }
0x55: {  	_ =	shalt  }
0x56: {  	_ =	shalt  }
0x57: {  	_ =	shalt  }
0x58: {  	_ =	shalt  }
0x59: {  	_ =	shalt  }
0x5a: {  	_ =	shalt  }
0x5b: {  	_ =	shalt  }
0x5c: {  	_ =	shalt  }
0x5d: {  	_ =	shalt  }
0x5e: {  	_ =	shalt  }
0x5f: {  	_ =	shalt  }
0x60: {  	_ =	shalt  }
0x61: {  	_ =	shalt  }
0x62: {  	_ =	shalt  }
0x63: {  	_ =	shalt  }
0x64: {  	_ =	shalt  }
0x65: {  	_ =	shalt  }
0x66: {  	_ =	shalt  }
0x67: {  	_ =	shalt  }
0x68: {  	_ =	shalt  }
0x69: {  	_ =	shalt  }
0x6a: {  	_ =	shalt  }
0x6b: {  	_ =	shalt  }
0x6c: {  	_ =	shalt  }
0x6d: {  	_ =	shalt  }
0x6e: {  	_ =	shalt  }
0x6f: {  	_ =	shalt  }
0x70: {  	_ =	shalt  }
0x71: {  	_ =	shalt  }
0x72: {  	_ =	shalt  }
0x73: {  	_ =	shalt  }
0x74: {  	_ =	shalt  }
0x75: {  	_ =	shalt  }
0x76: {  	_ =	shalt  }
0x77: {  	_ =	shalt  }
0x78: {  	_ =	shalt  }
0x79: {  	_ =	shalt  }
0x7a: {  	_ =	shalt  }
0x7b: {  	_ =	shalt  }
0x7c: {  	_ =	shalt  }
0x7d: {  	_ =	shalt  }
0x7e: {  	_ =	shalt  }
0x7f: {  	_ =	shalt  }
0x80: {  	_ =	shalt  }
0x81: {  	_ =	shalt  }
0x82: {  	_ =	shalt  }
0x83: {  	_ =	shalt  }
0x84: {  	_ =	shalt  }
0x85: {  	_ =	shalt  }
0x86: {  	_ =	shalt  }
0x87: {  	_ =	shalt  }
.Lfunc_end0:
.L_simem_size_0:
called_computation_lowered:
.L_overlay_start_0:
0x88: {  	s2 =	sld [smem:$0x3FD9]  }
0x89: {  	s3 =	sld [smem:$0x3FFE];
	_ =	sdelay $0x1  }
0x8a: {  	s1 =	srdreg.scid  }
0x8b: {  	s0 =	sand.u32 $0x1, s1  }
0x8c: {  	s16 =	sshll.u32 s0, $0xA;
	s2 =	sadd.s32 s3, s2  }
0x8d: {  	s2 =	sadd.s32 s2, s16  }
0x8e: {  	[smem:$0x3FBE] =	sst s2  }
0x8f: {  	_ = 	snop  }
0x90: {  	(tm) =	ssettm $0x1  }
0x91: {  	s17 =	sld [smem:$0x3FFB];
	_ =	sdelay $0x3  }
0x92: {  	_ =	strace s17  }
0x93: {  	s2 =	sld [smem:$0x3FFC];
	_ =	sdelay $0x3  }
0x94: {  	_ =	strace s2  }
0x95: {  	s2 =	sld [smem:$0x3FFD];
	_ =	sdelay $0x3  }
0x96: {  	_ =	strace s2  }
0x97: {  	_ =	strace $0x8FFFFFFF  }
0x98: {  	s18 =	sld [smem:$0x3FDB];
	_ =	sdelay $0x1  }
0x99: {  	s19 =	simm.s32 $_scs_section_size  }
0x9a: {  	s4 =	simm.s32 $_size__tile_overlayer_lowered;
	s5 =	simm.s32 $_tile_overlayer_lowered  }
0x9b: {  	s22 =	simm.s32 $0x1BFF;
	s21 =	sshll.u32 s5, $0x1;
	s2 =	sadd.s32 s19, s18  }
0x9c: {  	s6 =	simm.s32 $0x0;
	s20 =	sshll.u32 s4, $0x1;
	s4 =	sadd.s32 s21, s2  }
0x9d: {  	[timem:s6], [sflag:s22] =	dma.local [hbm:s4], s20  }
0x9e: {  	_ =	swait.ge [sflag:s22], s20  }
0x9f: {  	s3 =	ssub.s32 $0x0, s20;
	[sflag:s22] =	ssyncset.done $0x0  }
0xa0: {  	[sflag:s22] =	ssyncadd.s32 s3;
	_ =	sdelay $0x1  }
0xa1: {  	s23 =	simm.s32 $0x1B8B  }
0xa2: {  	_ =	swait.ge [sflag:s23], $0x1  }
0xa3: {  	[sflag:s23] =	ssyncset.done $0x0  }
0xa4: {  	s25 =	simm.s32 $0x1B8E;
	s24 =	sld [smem:$0x3FFE];
	[sflag:s23] =	ssyncadd.s32 $0xFFFFFFFF  }
0xa5: {  	s26 =	simm.s32 $execute0_lowered;
	[smem:$0x3FD2] =	sst s25  }
0xa6: {  	s4 =	sshll.u32 s26, $0x1;
	_ =	strace $0x80000046;
	[dreg:$0x1] =	wrdreg $0xFFFFFFFF  }
0xa7: {  	s28 =	simm.s32 $_size_execute0_lowered;
	s2 =	sadd.s32 s2, s4;
	[dreg:$0x0] =	wrdreg $0x0  }
0xa8: {  	s4 =	sshll.u32 s28, $0x1;
	[dreg:$0x2] =	wrdreg s2  }
0xa9: {  	[dreg:$0x3] =	wrdreg s4  }
0xaa: {  	[dreg:$0x4] =	wrdreg $0xC0  }
0xab: {  	_ =	task [dreg:s6], $0x5FFFF  }
0xac: {  	[dreg:$0x1] =	wrdreg $0xFFFFFFFF  }
0xad: {  	[dreg:$0x0] =	wrdreg $0x60  }
0xae: {  	[dreg:$0x2] =	wrdreg s24  }
0xaf: {  	[dreg:$0x3] =	wrdreg $0x9  }
0xb0: {  	_ =	task.clear_ibuf [dreg:s6], $0x4FFFF;
	_ =	strace $0x90000046  }
0xb1: {  	s29 =	simm.s32 $0x9;
	_ =	strace $0x80000048  }
0xb2: {  	_ =	swait.ge [sflag:s29], $0x1  }
0xb3: {  	[sflag:s29] =	ssyncadd.s32 $0xFFFFFFFF  }
0xb4: {  	_ =	strace $0x90000048  }
0xb5: {  	_ =	sfence  }
0xb6: {  	s30 =	sld [smem:$0x0];
	_ =	sdelay $0x2  }
0xb7: {  	s31 =	sshll.u32 s1, $0xD;
	s1 =	sshrl.u32 s1, $0x2  }
0xb8: {  	s3 =	sand.u32 $0x4000, s31;
	s1 =	sadd.s32 s1, s30  }
0xb9: {  	s0 =	sor.u32 s3, s0;
	s1 =	sshll.u32 s1, $0x11  }
0xba: {  	s0 =	sor.u32 s1, s0  }
0xbb: {  	s0 =	sadd.s32 $0x8F2B, s0  }
0xbc: {  	[sflag:s0] =	ssyncadd.remote.s32 $0x1  }
0xbd: {  	_ =	sfence.sel $0xFFFF  }
0xbe: {  	[dreg:$0x0] =	wrdreg $0xFFFFFFFF;
	(pc) =	sbr.abs _section_cstart, $3  }
0xbf: {  	[dreg:$0x1] =	wrdreg $0xFFFFFFFF  }
0xc0: {  	_ =	task.clear_ibuf [dreg:s6], $0x2FFFF;
	_ =	strace $0x9FFFFFFF  }
0xc1: {  	(tm) =	ssettm $0x7FFFFFFF  }
tec
execute0_lowered:
.L_overlay_start_1:
0x0: {  	(tag) =	ssettag $0x1  }
0x1: {  	s5 =	rddreg [dreg:$0x0]  }
0x2: {  	s0 =	rddreg [dreg:$0x1]  }
0x3: {  	s3 =	srdreg.scid;
	s1 =	stileid.u32  }
0x4: {  	s2 =	simm.s32 $0x0;
	s12 =	simm.s32 $0x2780;
	s13 =	simm.s32 $0x9E00  }
0x5: {  	s14 =	simm.s32 $0xC600;
	s15 =	simm.s32 $0xEE00;
	s16 =	simm.s32 $0x4F00  }
0x6: {  	s17 =	simm.s32 $0x7680;
	s18 =	simm.s32 $0x80;
	s19 =	simm.s32 $0x400  }
0x7: {  	s20 =	simm.s32 $0x0;
	s6 =	sand.u32 $0x1, s3;
	s28 =	sshll.u32 s1, $0x1  }
0x8: {  	[smem:$0x7FF] =	sst s2;
	s29 =	sshrl.u32 s1, $0x2;
	s3 =	sadd.s32 $0x16A00, s5  }
0x9: {  	s4 =	sor.u32 s6, s28;
	_ =	strace $0x80000047;
	s7 =	smul.u32 $0x14000, s29  }
0xa: {  	s6 =	ssub.s32 $0x2, s6;
	s8 =	sshll.u32 s4, $0x7;
	s9 =	smul.u32 $0x4E2, s4  }
0xb: {  	s4 =	sadd.s32 $0x17000, s5;
	s31 =	sshrl.u32 s6, $0x1;
	s8 =	sand.u32 $0x380, s8  }
0xc: {  	s11 =	ssub.s32 s6, s31;
	s7 =	sor.u32 s7, s8;
	s30 =	sadd.s32 s9, s5  }
0xd: {  	s7 =	sshrl.u32 s7, $0x3;
	s6 =	sadd.s32 $0x2E00, s30;
	s8 =	sadd.s32 $0x2B400, s30  }
0xe: {  	s10 =	sadd.s32 s7, s5;
	s5 =	sadd.s32 $0xCC00, s30;
	s7 =	sadd.s32 $0x17600, s30  }
0xf: {  	v0 =	vimm.f32 $0.0e+00;
	s9 =	sadd.s32 $0x21400, s10;
	s10 =	smax.u32 s11, $0x1;
	s11 =	simm.s32 $0x1  }
.LBB2_1:
0x10: {  	[tilespmem:s2], [sflag:$0x1] =	stream.linear.gather [hbm4b:s5+s2], $0x2710, $0x38;
	[tilespmem:$0x11600] =	vst v63  }
0x11: {  	_ =	swait.ge [sflag:s11], $0x2710  }
0x12: {  	[sflag:s11] =	ssyncset.done $0x0  }
0x13: {  	[sflag:s11] =	ssyncadd.s32 $0xFFFFD8F0  }
0x14: {  	[tilespmem:s12], [sflag:$0x1] =	stream.linear.gather [hbm4b:s6+s2], $0x2710, $0x38;
	[tilespmem:$0x11600] =	vst v63  }
0x15: {  	_ =	swait.ge [sflag:s11], $0x2710  }
0x16: {  	[sflag:s11] =	ssyncset.done $0x0  }
0x17: {  	[sflag:s11] =	ssyncadd.s32 $0xFFFFD8F0  }
0x18: {  	[tilespmem:s13], [sflag:$0x1] =	stream.linear.gather [hbm4b:s3+s2], $0x2800, $0x38;
	[tilespmem:$0x11600] =	vst v63  }
0x19: {  	_ =	swait.ge [sflag:s11], $0x2800  }
0x1a: {  	[sflag:s11] =	ssyncset.done $0x0  }
0x1b: {  	[sflag:s11] =	ssyncadd.s32 $0xFFFFD800  }
0x1c: {  	[tilespmem:s14], [sflag:$0x1] =	stream.linear.gather [hbm4b:s4+s2], $0x2800, $0x38;
	[tilespmem:$0x11600] =	vst v63  }
0x1d: {  	_ =	swait.ge [sflag:s11], $0x2800  }
0x1e: {  	[sflag:s11] =	ssyncset.done $0x0  }
0x1f: {  	s24 =	simm.s32 $0xEE40;
	[sflag:s11] =	ssyncadd.s32 $0xFFFFD800  }
0x20: {  	[tilespmem:s24+$0xFFFFFFC0] =	vst v0  }
0x21: {  	[tilespmem:s24+$0x30] =	vst v0  }
0x22: {  	[tilespmem:s24+$0x20] =	vst v0  }
0x23: {  	[tilespmem:s24+$0x10] =	vst v0  }
0x24: {  	[tilespmem:s24+$0x0] =	vst v0  }
0x25: {  	s26 =	simm.s32 $0x0;
	s21 =	simm.s32 $0x76A0;
	[tilespmem:s24+$0xFFFFFFF0] =	vst v0  }
0x26: {  	s23 =	simm.s32 $0x20;
	s25 =	simm.s32 $0x27A0;
	s22 =	simm.s32 $0x4F20;
	[tilespmem:s24+$0xFFFFFFE0] =	vst v0  }
.LBB2_2:
0x27: {  	s26 =	sadd.s32 $0x8, s26;
	[tilespmem:s24+$0xFFFFFFD0] =	vst v0;
	s24 =	sadd.s32 $0x80, s24  }
0x28: {  	[tilespmem:s24+$0xFFFFFFC0] =	vst v0;
	p0 =	slt.u32 s26, $0x278  }
0x29: {  	[tilespmem:s24+$0x30] =	vst v0  }
.Ltmp0:
0x2a: {  	[tilespmem:s24+$0x20] =	vst v0;
	(pc) =	sbr.rel @p0 .LBB2_2-.Ltmp0, $4  }
0x2b: {  	[tilespmem:s24+$0x10] =	vst v0  }
0x2c: {  	[tilespmem:s24+$0x0] =	vst v0  }
0x2d: {  	[tilespmem:s24+$0xFFFFFFF0] =	vst v0  }
0x2e: {  	[tilespmem:s24+$0xFFFFFFE0] =	vst v0  }
0x2f: {  	[tilespmem:s24+$0xFFFFFFD0] =	vst v0  }
0x30: {  	v16 =	vld [tilespmem:s25+$0x20]  }
0x31: {  	v13 =	vld [tilespmem:s23+$0x20];
	_ =	sdelay $0x2  }
0x32: {  	v12 =	vld [tilespmem:s23+$0x10]  }
0x33: {  	v6 =	vld [tilespmem:s23+$0xFFFFFFE0]  }
0x34: {  	v17 =	vld [tilespmem:s25+$0x10]  }
0x35: {  	v4 =	vld [tilespmem:s25+$0x0]  }
0x36: {  	v2 =	vld.idx.msk [tilespmem:v16+s14+$0x0], $0xffff  }
0x37: {  	v5 =	vld.idx.msk [tilespmem:v13+s13+$0x0], $0xffff  }
0x38: {  	v14 =	vld [tilespmem:s23+$0x0]  }
0x39: {  	v1 =	vld [tilespmem:s25+$0xFFFFFFE0]  }
0x3a: {  	v3 =	vld [tilespmem:s25+$0xFFFFFFF0]  }
0x3b: {  	v19 =	vld [tilespmem:s23+$0xFFFFFFF0]  }
0x3c: {  	v7 =	vld.idx.msk [tilespmem:v17+s14+$0x0], $0xffff;
	v2 =	vadd.f32 v2, v5  }
0x3d: {  	v8 =	vld.idx.msk [tilespmem:v12+s13+$0x0], $0xffff  }
0x3e: {  	v9 =	vld.idx.msk [tilespmem:v6+s13+$0x0], $0xffff;
	v15 =	vmul.f32 $2.000000030e-01, v2  }
0x3f: {  	v10 =	vld.idx.msk [tilespmem:v4+s14+$0x0], $0xffff  }
0x40: {  	v11 =	vld.idx.msk [tilespmem:v14+s13+$0x0], $0xffff;
	v2 =	vmax.f32 v2, v15  }
0x41: {  	s23 =	simm.s32 $0x70;
	v18 =	vld.idx.msk [tilespmem:v1+s14+$0x0], $0xffff;
	v22 =	vmul.f32 $1.442695020e+00, v2  }
0x42: {  	v23 =	vld [tilespmem:s23+$0x20]  }
0x43: {  	(erf) = vpow2.f32 v22  }
0x44: {  	v8 =	vadd.f32 v7, v8  }
0x45: {  	v20 =	vld.idx.msk [tilespmem:v19+s13+$0x0], $0xffff;
	v10 =	vadd.f32 v10, v11  }
0x46: {  	v21 =	vld.idx.msk [tilespmem:v3+s14+$0x0], $0xffff;
	v11 =	vadd.f32 v18, v9;
	v15 =	vmul.f32 $2.000000030e-01, v8  }
0x47: {  	v18 =	vmul.f32 $2.000000030e-01, v10  }
0x48: {  	v8 =	vmax.f32 v8, v15;
	v22 =	vmul.f32 $2.000000030e-01, v11  }
0x49: {  	v25 =	vld [tilespmem:s23+$0xFFFFFFF0];
	v10 =	vmax.f32 v10, v18;
	v15 =	vmul.f32 $1.442695020e+00, v8  }
0x4a: {  	v27 =	vld.idx.msk [tilespmem:v23+s13+$0x0], $0xffff;
	v11 =	vmax.f32 v11, v22;
	v22 =	vmul.f32 $1.442695020e+00, v10  }
0x4b: {  	s24 =	simm.s32 $0x27F0;
	v5 =	vld [tilespmem:s23+$0xFFFFFFE0];
	v20 =	vadd.f32 v21, v20;
	(erf) = vpow2.f32 v15;
	v24 =	vmul.f32 $1.442695020e+00, v11  }
0x4c: {  	v13 =	vshll.u32 v13, $0xE;
	v9 =	vld [tilespmem:s24+$0x20];
	(erf) = vpow2.f32 v22;
	v21 =	vpop (erf)  }
0x4d: {  	v13 =	vor.u32 v16, v13;
	v7 =	vld [tilespmem:s23+$0x10];
	(erf) = vpow2.f32 v24;
	v24 =	vmul.f32 $2.000000030e-01, v20;
	[tilespmem:s22+$0x20] =	vst v21  }
0x4e: {  	v8 =	vld [tilespmem:s24+$0x10];
	[tilespmem:s21+$0x20] =	vst v13  }
0x4f: {  	[tilespmem:v16+s15+$0x0] =	vst.idx.add.f32.msk $0xffff, v21;
	v16 =	vmax.f32 v20, v24  }
0x50: {  	v10 =	vld [tilespmem:s24+$0x0];
	v28 =	vmul.f32 $1.442695020e+00, v16  }
0x51: {  	v18 =	vld [tilespmem:s23+$0x0]  }
0x52: {  	v2 =	vld [tilespmem:s24+$0xFFFFFFE0];
	(erf) = vpow2.f32 v28  }
0x53: {  	v19 =	vshll.u32 v19, $0xE;
	v11 =	vld [tilespmem:s24+$0xFFFFFFF0]  }
0x54: {  	v26 =	vld.idx.msk [tilespmem:v9+s14+$0x0], $0xffff  }
0x55: {  	v15 =	vld.idx.msk [tilespmem:v5+s13+$0x0], $0xffff  }
0x56: {  	v12 =	vshll.u32 v12, $0xE;
	v22 =	vld.idx.msk [tilespmem:v8+s14+$0x0], $0xffff;
	v13 =	vor.u32 v3, v19;
	v19 =	vpop (erf);
	v20 =	vshll.u32 v18, $0xE  }
0x57: {  	v14 =	vshll.u32 v14, $0xE;
	v12 =	vor.u32 v17, v12;
	v24 =	vld.idx.msk [tilespmem:v7+s13+$0x0], $0xffff;
	[tilespmem:s22+$0x10] =	vst v19  }
0x58: {  	v14 =	vor.u32 v4, v14;
	v21 =	vld.idx.msk [tilespmem:v10+s14+$0x0], $0xffff;
	v16 =	vshll.u32 v23, $0xE;
	[tilespmem:s21+$0x10] =	vst v12  }
0x59: {  	v23 =	vshll.u32 v25, $0xE;
	v12 =	vor.u32 v9, v16;
	v16 =	vor.u32 v10, v20;
	[tilespmem:v17+s15+$0x0] =	vst.idx.add.f32.msk $0xffff, v19;
	v20 =	vpop (erf)  }
0x5a: {  	s28 =	simm.s32 $0x5;
	s26 =	simm.s32 $0x76A0;
	s25 =	simm.s32 $0x4F20;
	v17 =	vor.u32 v11, v23;
	v23 =	vld.idx.msk [tilespmem:v25+s13+$0x0], $0xffff;
	v25 =	vadd.f32 v26, v27;
	[tilespmem:s22+$0x0] =	vst v20;
	v19 =	vpop (erf)  }
.LBB2_4:
0x5b: {  	s28 =	sadd.s32 $0x5, s28;
	v26 =	vld.idx.msk [tilespmem:v11+s14+$0x0], $0xffff;
	[tilespmem:s22+$0xFFFFFFE0] =	vst v19;
	s25 =	sadd.s32 $0x50, s25;
	s21 =	sadd.s32 $0x50, s21;
	v27 =	vpop (erf)  }
0x5c: {  	p0 =	slt.u32 s28, $0x26C;
	v18 =	vld.idx.msk [tilespmem:v18+s13+$0x0], $0xffff;
	v28 =	vmul.f32 $2.000000030e-01, v25;
	[tilespmem:s26+$0x0] =	vst v14;
	v14 =	vmov v16  }
0x5d: {  	s23 =	sadd.s32 $0x50, s23;
	v22 =	vadd.f32 v22, v24;
	v24 =	vshll.u32 v6, $0xE;
	v6 =	vmov v5;
	v16 =	vld.idx.msk [tilespmem:v2+s14+$0x0], $0xffff;
	[tilespmem:s22+$0xFFFFFFF0] =	vst v27;
	s22 =	smov.u32 s25  }
0x5e: {  	v24 =	vor.u32 v1, v24;
	v29 =	vld [tilespmem:s23+$0x10];
	v25 =	vmax.f32 v25, v28;
	[tilespmem:s26+$0xFFFFFFF0] =	vst v13;
	v13 =	vmov v17  }
0x5f: {  	v17 =	vmul.f32 $2.000000030e-01, v22;
	v5 =	vld [tilespmem:s23+$0xFFFFFFE0];
	v25 =	vmul.f32 $1.442695020e+00, v25;
	[tilespmem:s26+$0xFFFFFFE0] =	vst v24;
	s26 =	smov.u32 s21  }
0x60: {  	[tilespmem:v4+s15+$0x0] =	vst.idx.add.f32.msk $0xffff, v20;
	v4 =	vmov v10  }
0x61: {  	v10 =	vadd.f32 v26, v23;
	v17 =	vmax.f32 v22, v17;
	[tilespmem:v3+s15+$0x0] =	vst.idx.add.f32.msk $0xffff, v27;
	v3 =	vmov v11  }
0x62: {  	s24 =	sadd.s32 $0x50, s24;
	v11 =	vadd.f32 v21, v18;
	v17 =	vmul.f32 $1.442695020e+00, v17;
	[tilespmem:v1+s15+$0x0] =	vst.idx.add.f32.msk $0xffff, v19;
	v1 =	vmov v2  }
0x63: {  	v16 =	vadd.f32 v16, v15;
	v15 =	vmul.f32 $2.000000030e-01, v10;
	v2 =	vld [tilespmem:s24+$0xFFFFFFE0];
	(erf) = vpow2.f32 v25  }
0x64: {  	v18 =	vmul.f32 $2.000000030e-01, v11;
	v19 =	vld [tilespmem:s24+$0x20]  }
0x65: {  	v21 =	vmul.f32 $2.000000030e-01, v16;
	v10 =	vmax.f32 v10, v15;
	v20 =	vld [tilespmem:s23+$0x20]  }
0x66: {  	v22 =	vmul.f32 $1.442695020e+00, v10;
	v10 =	vmax.f32 v11, v18;
	v23 =	vld [tilespmem:s24+$0x10];
	(erf) = vpow2.f32 v17  }
0x67: {  	v11 =	vmax.f32 v16, v21;
	v16 =	vmul.f32 $1.442695020e+00, v10;
	v15 =	vld.idx.msk [tilespmem:v5+s13+$0x0], $0xffff  }
0x68: {  	v17 =	vmul.f32 $1.442695020e+00, v11;
	v10 =	vld [tilespmem:s24+$0x0]  }
0x69: {  	v18 =	vld [tilespmem:s23+$0x0];
	(erf) = vpow2.f32 v16  }
0x6a: {  	v11 =	vld [tilespmem:s24+$0xFFFFFFF0];
	v16 =	vshll.u32 v20, $0xE;
	(erf) = vpow2.f32 v17  }
0x6b: {  	v25 =	vld [tilespmem:s23+$0xFFFFFFF0];
	v16 =	vor.u32 v19, v16;
	(erf) = vpow2.f32 v22  }
0x6c: {  	v26 =	vld.idx.msk [tilespmem:v19+s14+$0x0], $0xffff;
	v17 =	vpop (erf)  }
0x6d: {  	v27 =	vld.idx.msk [tilespmem:v20+s13+$0x0], $0xffff;
	[tilespmem:s25+$0x20] =	vst v17  }
0x6e: {  	v20 =	vshll.u32 v18, $0xE;
	v22 =	vld.idx.msk [tilespmem:v23+s14+$0x0], $0xffff;
	[tilespmem:s21+$0x20] =	vst v12;
	v12 =	vmov v16  }
.Ltmp1:
0x6f: {  	v16 =	vor.u32 v10, v20;
	v20 =	vshll.u32 v7, $0xE;
	[tilespmem:v9+s15+$0x0] =	vst.idx.add.f32.msk $0xffff, v17;
	v28 =	vpop (erf);
	v7 =	vmov v29;
	(pc) =	sbr.rel @p0 .LBB2_4-.Ltmp1, $4  }
0x70: {  	v9 =	vmov v19;
	v17 =	vshll.u32 v25, $0xE;
	v24 =	vld.idx.msk [tilespmem:v29+s13+$0x0], $0xffff;
	[tilespmem:s25+$0x10] =	vst v28;
	v29 =	vor.u32 v8, v20  }
0x71: {  	v17 =	vor.u32 v11, v17;
	v21 =	vld.idx.msk [tilespmem:v10+s14+$0x0], $0xffff;
	[tilespmem:s21+$0x10] =	vst v29  }
0x72: {  	[tilespmem:v8+s15+$0x0] =	vst.idx.add.f32.msk $0xffff, v28;
	v20 =	vpop (erf);
	v8 =	vmov v23  }
0x73: {  	v23 =	vld.idx.msk [tilespmem:v25+s13+$0x0], $0xffff;
	v25 =	vadd.f32 v26, v27;
	[tilespmem:s25+$0x0] =	vst v20;
	v19 =	vpop (erf)  }
0x74: {  	_ =	sdelay $0x3  }
0x75: {  	v18 =	vld.idx.msk [tilespmem:v18+s13+$0x0], $0xffff  }
0x76: {  	v27 =	vld.idx.msk [tilespmem:v2+s14+$0x0], $0xffff;
	v26 =	vmul.f32 $2.000000030e-01, v25  }
0x77: {  	v22 =	vadd.f32 v22, v24  }
0x78: {  	v53 =	vld.idx.msk [tilespmem:v11+s14+$0x0], $0xffff;
	v25 =	vmax.f32 v25, v26  }
0x79: {  	v54 =	vmul.f32 $2.000000030e-01, v22;
	v25 =	vmul.f32 $1.442695020e+00, v25  }
0x7a: {  	v18 =	vadd.f32 v21, v18  }
0x7b: {  	v55 =	vmax.f32 v22, v54;
	v15 =	vadd.f32 v27, v15;
	(erf) = vpow2.f32 v25  }
0x7c: {  	v21 =	vmul.f32 $1.442695020e+00, v55;
	v56 =	vmul.f32 $2.000000030e-01, v18  }
0x7d: {  	[tilespmem:s22+$0xFFFFFFE0] =	vst v19;
	v23 =	vadd.f32 v53, v23;
	v57 =	vmul.f32 $2.000000030e-01, v15  }
0x7e: {  	v58 =	vpop (erf);
	[tilespmem:s26+$0x0] =	vst v14;
	(erf) = vpow2.f32 v21;
	v59 =	vmax.f32 v18, v56  }
0x7f: {  	[tilespmem:s22+$0xFFFFFFF0] =	vst v58;
	v60 =	vmul.f32 $2.000000030e-01, v23;
	v15 =	vmax.f32 v15, v57;
	v14 =	vmul.f32 $1.442695020e+00, v59  }
0x80: {  	v6 =	vshll.u32 v6, $0xE;
	[tilespmem:v4+s15+$0x0] =	vst.idx.add.f32.msk $0xffff, v20;
	v61 =	vmul.f32 $1.442695020e+00, v15  }
0x81: {  	v6 =	vor.u32 v1, v6;
	[tilespmem:s26+$0xFFFFFFF0] =	vst v13;
	v62 =	vmax.f32 v23, v60;
	(erf) = vpow2.f32 v14  }
0x82: {  	[tilespmem:s26+$0xFFFFFFE0] =	vst v6;
	v63 =	vmul.f32 $1.442695020e+00, v62;
	(erf) = vpow2.f32 v61  }
0x83: {  	[tilespmem:v3+s15+$0x0] =	vst.idx.add.f32.msk $0xffff, v58  }
0x84: {  	s31 =	sadd.s32 $0x50, s25;
	[tilespmem:v1+s15+$0x0] =	vst.idx.add.f32.msk $0xffff, v19;
	(erf) = vpow2.f32 v63;
	v1 =	vpop (erf)  }
0x85: {  	s21 =	sadd.s32 $0x50, s21;
	[tilespmem:s31+$0x20] =	vst v1  }
0x86: {  	[tilespmem:s21+$0x20] =	vst v12  }
0x87: {  	v3 =	vshll.u32 v7, $0xE;
	[tilespmem:v9+s15+$0x0] =	vst.idx.add.f32.msk $0xffff, v1;
	v1 =	vpop (erf)  }
0x88: {  	v3 =	vor.u32 v8, v3;
	[tilespmem:s31+$0x10] =	vst v1  }
0x89: {  	[tilespmem:s21+$0x10] =	vst v3  }
0x8a: {  	[tilespmem:v8+s15+$0x0] =	vst.idx.add.f32.msk $0xffff, v1;
	v1 =	vpop (erf)  }
0x8b: {  	[tilespmem:s31+$0x0] =	vst v1;
	v3 =	vpop (erf)  }
0x8c: {  	[tilespmem:s31+$0xFFFFFFE0] =	vst v3  }
0x8d: {  	v5 =	vshll.u32 v5, $0xE;
	v4 =	vpop (erf);
	[tilespmem:s21+$0x0] =	vst v16  }
0x8e: {  	v5 =	vor.u32 v2, v5;
	[tilespmem:s31+$0xFFFFFFF0] =	vst v4  }
0x8f: {  	[tilespmem:s21+$0xFFFFFFE0] =	vst v5  }
0x90: {  	[tilespmem:v10+s15+$0x0] =	vst.idx.add.f32.msk $0xffff, v1  }
0x91: {  	[tilespmem:s21+$0xFFFFFFF0] =	vst v17  }
0x92: {  	[tilespmem:v2+s15+$0x0] =	vst.idx.add.f32.msk $0xffff, v3  }
0x93: {  	[tilespmem:v11+s15+$0x0] =	vst.idx.add.f32.msk $0xffff, v4  }
0x94: {  	[hbm4b:s7+s2] =	stream.linear.scatter [tilespmem:s16], [sflag:$0x1], $0x2710, $0x38;
	[tilespmem:$0x11600] =	vst v63  }
0x95: {  	_ =	swait.ge [sflag:s11], $0x2710  }
0x96: {  	[sflag:s11] =	ssyncset.done $0x0  }
0x97: {  	[sflag:s11] =	ssyncadd.s32 $0xFFFFD8F0  }
0x98: {  	[hbm4b:s8+s2] =	stream.linear.scatter [tilespmem:s17], [sflag:$0x1], $0x2710, $0x38;
	[tilespmem:$0x11600] =	vst v63  }
0x99: {  	s20 =	sadd.s32 $0x1, s20;
	_ =	swait.ge [sflag:s11], $0x2710  }
0x9a: {  	p0 =	sne.s32 s20, s10;
	[sflag:s11] =	ssyncset.done $0x0  }
.Ltmp2:
0x9b: {  	[sflag:s11] =	ssyncadd.s32 $0xFFFFD8F0;
	(pc) =	sbr.rel @p0 .LBB2_1-.Ltmp2, $4  }
0x9c: {  	[hbm4b:s9+s18] =	stream.strided.scatter [tilespmem:s15], [sflag:$0x1], $0x2800, s19, s18, $0x38;
	[tilespmem:$0x11600] =	vst v63  }
0x9d: {  	_ =	swait.ge [sflag:s11], $0x2800  }
0x9e: {  	[sflag:s11] =	ssyncset.done $0x0  }
0x9f: {  	[sflag:s11] =	ssyncadd.s32 $0xFFFFD800  }
0xa0: {  	_ =	sfence.sel $0x180000  }
0xa1: {  	[bflag:$0x0] =	sbarrier.arrive $0xFFFF  }
0xa2: {  	p0 =	sne.s32 s1, $0x0;
	_ =	strace $0x90000047  }
0xa3: {  	s0 =	sadd.s32 @!p0 $0x100000, s0;
	[bflag:$0x2] =	sbarrier.arrive $0xFFFF  }
0xa4: {  	[sflag:s0] =	ssyncadd.tile.s32 @!p0 $0x1;
	_ =	shalt  }
.Lfunc_end2:
_tile_overlayer_lowered:
.L_overlay_start_2:
0xa5: {  	(tag) =	ssettag $0x2  }
0xa6: {  	s0 =	rddreg [dreg:$0x0];
	s2 =	stileid.u32  }
0xa7: {  	s1 =	rddreg [dreg:$0x1];
	p0 =	sne.s32 s2, $0x0  }
0xa8: {  	s3 =	rddreg [dreg:$0x2];
	[bflag:$0x3] =	sbarrier.arrive $0xFFFF;
	s2 =	simm.s32 @!p0 $0x1C01  }
0xa9: {  	[timem:s3], [sflag:s2] =	dma.local @!p0 [hbm:s0], s1  }
0xaa: {  	s0 =	simm.s32 @!p0 $0x1  }
0xab: {  	_ =	swait.ge @!p0 [sflag:s0], s1  }
0xac: {  	s1 =	ssub.s32 @!p0 $0x0, s1;
	[sflag:s0] =	ssyncset.done @!p0 $0x0  }
0xad: {  	[sflag:s0] =	ssyncadd.s32 @!p0 s1  }
0xae: {  	[bflag:$0x3] =	sbarrier.arrive $0xFFFF  }
0xaf: {  	_ =	shalt  }

</sc_bundles>
